<compile_context>
chip_gen: v7x
topology: tpu7x:2x2x1
jax: 0.10.2.dev20260603
libtpu: 0.0.44.dev20260713+nightly
codegen_flags: <defaults>
</compile_context>

<pallas_src>
import functools
import math

import jax
import jax.numpy as jnp
from jax import lax
from jax.experimental import pallas as pl
from jax.experimental.pallas import tpu as pltpu
from jax.experimental.pallas import tpu_sc as plsc

_VOCAB = 697162
_DIM = 512
_SEQ = 256
_I_BLOCK = 8


def _sc_gather(emb_table, idx):
    info = plsc.get_sparse_core_info()
    nc, ns = info.num_cores, info.num_subcores
    nw = nc * ns
    b_per_w = _SEQ // nw

    mesh = plsc.VectorSubcoreMesh(core_axis_name="c", subcore_axis_name="s")

    @functools.partial(
        pl.kernel,
        mesh=mesh,
        out_type=jax.ShapeDtypeStruct((_SEQ, _DIM), jnp.float32),
        scratch_types=[
            pltpu.VMEM((b_per_w,), jnp.int32),
            pltpu.VMEM((b_per_w, _DIM), jnp.float32),
            pltpu.SemaphoreType.DMA,
        ],
    )
    def gather_kernel(table_hbm, idx_hbm, out_hbm, idx_v, rows_v, sem):
        wid = lax.axis_index("s") * nc + lax.axis_index("c")
        base = wid * b_per_w
        pltpu.sync_copy(idx_hbm.at[pl.ds(base, b_per_w)], idx_v)
        pltpu.async_copy(table_hbm.at[idx_v], rows_v, sem).wait()
        pltpu.sync_copy(rows_v, out_hbm.at[pl.ds(base, b_per_w)])

    return gather_kernel(emb_table, idx)


_NSTEP = _SEQ // _I_BLOCK


def _pe_body(pe_ref):
    pos = lax.broadcasted_iota(jnp.int32, (_SEQ, _DIM), 0).astype(jnp.float32)
    d = lax.broadcasted_iota(jnp.int32, (_SEQ, _DIM), 1)
    d_even = (d >> 1) << 1
    den = jnp.exp(d_even.astype(jnp.float32) * (-math.log(10000.0) / _DIM))
    ang = pos * den
    pe_ref[...] = jnp.where((d & 1) == 0, jnp.sin(ang), jnp.cos(ang))


def _tc_pe():
    return pl.pallas_call(
        _pe_body,
        out_shape=jax.ShapeDtypeStruct((_SEQ, _DIM), jnp.float32),
    )()


def _add_body(x_ref, pe_ref, out_ref):
    pe_rows = [pe_ref[a, :][None, :] for a in range(_I_BLOCK)]
    for jc in range(0, _SEQ, 8):
        xv = x_ref[pl.ds(jc, 8), :]
        for a in range(_I_BLOCK):
            out_ref[a, pl.ds(jc, 8), :] = xv + pe_rows[a]


def _tc_add(x, pe):
    return pl.pallas_call(
        _add_body,
        grid=(_NSTEP,),
        in_specs=[pl.BlockSpec((_SEQ, _DIM), lambda i: (0, 0)),
                  pl.BlockSpec((_I_BLOCK, _DIM), lambda i: (i, 0))],
        out_specs=pl.BlockSpec((_I_BLOCK, _SEQ, _DIM), lambda i: (i, 0, 0)),
        out_shape=jax.ShapeDtypeStruct((_SEQ, _SEQ, _DIM), jnp.float32),
        compiler_params=pltpu.CompilerParams(
            dimension_semantics=("parallel",)),
    )(x, pe)


def kernel(indices, emb_table):
    idx = indices.astype(jnp.int32)
    x = _sc_gather(emb_table, idx)
    pe = _tc_pe()
    return _tc_add(x, pe)

# --- scband reference (transcript-rebuilt; emitter-appended) ---
"""Pipeline reference for scband-transformer-23742579212395 (READ-ONLY COPY).

The authoritative reference and input builder live on the scoring server;
editing this copy changes nothing except your own understanding.
"""

import math
import jax, jax.numpy as jnp
import numpy as np

VOCAB = 697162
DIM = 512
SEQ = 256
MAX_LEN = 10000

def _make_pe(dim_model=DIM, max_len=MAX_LEN):
    den = jnp.exp(jnp.arange(0, dim_model, 2, dtype=jnp.float32) * (-math.log(10000.0) / dim_model))
    pos = jnp.arange(max_len, dtype=jnp.float32)[:, None]
    pe = jnp.zeros((max_len, 1, dim_model), dtype=jnp.float32)
    pe = pe.at[:, 0, 0::2].set(jnp.sin(pos * den))
    pe = pe.at[:, 0, 1::2].set(jnp.cos(pos * den))
    return pe

def setup_inputs(seed: int = 0) -> dict:
    key = jax.random.key(seed)
    k1, k2 = jax.random.split(key)
    indices = jax.random.randint(k1, (SEQ,), 0, VOCAB, dtype=jnp.int64 if jax.config.read('jax_enable_x64') else jnp.int32)
    emb_table = jax.random.normal(k2, (VOCAB, DIM), dtype=jnp.float32) * 0.02
    return {"indices": indices, "emb_table": emb_table}

def reference(indices, emb_table):
    # Embedding lookup (nn.Embedding on 1D indices -> [S, D])
    x = jnp.take(emb_table, indices, axis=0)
    # PositionalEncoding: x + pe[:x.size(0)] where pe is [max_len, 1, D]
    # NOTE: faithful to the original torch code, this broadcasts
    # [S, D] + [S, 1, D] -> [S, S, D]
    pe = _make_pe()
    S = x.shape[0]
    return x + pe[:S]

if __name__ == "__main__":
    import jax
    _d = setup_inputs()
    print(jax.jit(kernel)(*tuple(_d.values())))

</pallas_src>

<mosaic_0001>
#map = affine_map<(d0, d1) -> (0, 0)>
#map1 = affine_map<(d0, d1) -> (0)>
module attributes {stable_mosaic.version = 14 : i64} {
  func.func @gather_kernel(%arg0: i32, %arg1: i32, %arg2: memref<697162x512xf32, #tpu.memory_space<hbm>>, %arg3: memref<256xi32, #tpu.memory_space<hbm>>, %arg4: memref<256x512xf32, #tpu.memory_space<hbm>>, %arg5: memref<8xi32, #tpu.memory_space<vmem>>, %arg6: memref<8x512xf32, #tpu.memory_space<vmem>>, %arg7: memref<!tpu.dma_semaphore, #tpu.memory_space<semaphore_mem>>) attributes {dimension_semantics = [#tpu.dimension_semantics<core_parallel>, #tpu.dimension_semantics<subcore_parallel>], iteration_bounds = array<i64: 2, 16>, scalar_prefetch = 0 : i64, scratch_operands = 3 : i64, tpu.core_type = #tpu.core_type<sc_vector_subcore>, window_params = [{transform_indices = #map}, {transform_indices = #map1}, {transform_indices = #map}]} {
    %mul3A = arith.constant 2 : i32
    %mul3A_0 = arith.muli %arg1, %mul3A : i32
    %add3A = arith.addi %mul3A_0, %arg0 : i32
    %mul3A_1 = arith.constant 8 : i32
    %mul3A_2 = arith.muli %add3A, %mul3A_1 : i32
    "tpu.region"() ({
      %run_scoped3A = tpu.sem_alloc : memref<!tpu.dma_semaphore, #tpu.memory_space<semaphore_mem>>
      %dma_start3A_7 = tpu.memref_slice %arg3[%mul3A_2] : memref<256xi32, #tpu.memory_space<hbm>> -> memref<8xi32, #tpu.memory_space<hbm>>
      %dma_start3A_8 = tpu.memref_slice %arg3[%mul3A_2] : memref<256xi32, #tpu.memory_space<hbm>> -> memref<8xi32, #tpu.memory_space<hbm>>
      tpu.enqueue_dma source(%dma_start3A_8 : memref<8xi32, #tpu.memory_space<hbm>>) target(%arg5 : memref<8xi32, #tpu.memory_space<vmem>>) target_semaphore(%run_scoped3A : memref<!tpu.dma_semaphore, #tpu.memory_space<semaphore_mem>>)
      %dma_wait3A_9 = tpu.memref_slice %arg3[%mul3A_2] : memref<256xi32, #tpu.memory_space<hbm>> -> memref<8xi32, #tpu.memory_space<hbm>>
      %dma_wait3A_10 = tpu.memref_slice %arg3[%mul3A_2] : memref<256xi32, #tpu.memory_space<hbm>> -> memref<8xi32, #tpu.memory_space<hbm>>
      tpu.wait_dma2 semaphore(%run_scoped3A : memref<!tpu.dma_semaphore, #tpu.memory_space<semaphore_mem>>) src(%dma_wait3A_10 : memref<8xi32, #tpu.memory_space<hbm>>) dst(%arg5 : memref<8xi32, #tpu.memory_space<vmem>>)
      tpu.yield
    }) : () -> ()
    %dma_start3A = arith.constant 0 : i32
    %dma_start3A_3 = arith.constant 0 : i32
    %dma_start3A_4 = tpu.memref_slice %arg2[%dma_start3A, %dma_start3A_3] : memref<697162x512xf32, #tpu.memory_space<hbm>> -> memref<697162x512xf32, #tpu.memory_space<hbm>>
    tpu.enqueue_indirect_dma source(%dma_start3A_4 : memref<697162x512xf32, #tpu.memory_space<hbm>>) target(%arg6 : memref<8x512xf32, #tpu.memory_space<vmem>>) offsets(%arg5 : memref<8xi32, #tpu.memory_space<vmem>>) semaphore(%arg7 : memref<!tpu.dma_semaphore, #tpu.memory_space<semaphore_mem>>)
    %dma_wait3A = arith.constant 0 : i32
    %dma_wait3A_5 = arith.constant 0 : i32
    %dma_wait3A_6 = tpu.memref_slice %arg2[%dma_wait3A, %dma_wait3A_5] : memref<697162x512xf32, #tpu.memory_space<hbm>> -> memref<697162x512xf32, #tpu.memory_space<hbm>>
    tpu.wait_indirect_dma semaphore(%arg7 : memref<!tpu.dma_semaphore, #tpu.memory_space<semaphore_mem>>) src(%dma_wait3A_6 : memref<697162x512xf32, #tpu.memory_space<hbm>>) dst(%arg6 : memref<8x512xf32, #tpu.memory_space<vmem>>)
    "tpu.region"() ({
      %run_scoped3A = tpu.sem_alloc : memref<!tpu.dma_semaphore, #tpu.memory_space<semaphore_mem>>
      %dma_start3A_7 = arith.constant 0 : i32
      %dma_start3A_8 = tpu.memref_slice %arg4[%mul3A_2, %dma_start3A_7] : memref<256x512xf32, #tpu.memory_space<hbm>> -> memref<8x512xf32, #tpu.memory_space<hbm>>
      %dma_start3A_9 = arith.constant 0 : i32
      %dma_start3A_10 = tpu.memref_slice %arg4[%mul3A_2, %dma_start3A_9] : memref<256x512xf32, #tpu.memory_space<hbm>> -> memref<8x512xf32, #tpu.memory_space<hbm>>
      tpu.enqueue_dma source(%arg6 : memref<8x512xf32, #tpu.memory_space<vmem>>) target(%dma_start3A_10 : memref<8x512xf32, #tpu.memory_space<hbm>>) target_semaphore(%run_scoped3A : memref<!tpu.dma_semaphore, #tpu.memory_space<semaphore_mem>>)
      %dma_wait3A_11 = arith.constant 0 : i32
      %dma_wait3A_12 = tpu.memref_slice %arg4[%mul3A_2, %dma_wait3A_11] : memref<256x512xf32, #tpu.memory_space<hbm>> -> memref<8x512xf32, #tpu.memory_space<hbm>>
      %dma_wait3A_13 = arith.constant 0 : i32
      %dma_wait3A_14 = tpu.memref_slice %arg4[%mul3A_2, %dma_wait3A_13] : memref<256x512xf32, #tpu.memory_space<hbm>> -> memref<8x512xf32, #tpu.memory_space<hbm>>
      tpu.wait_dma2 semaphore(%run_scoped3A : memref<!tpu.dma_semaphore, #tpu.memory_space<semaphore_mem>>) src(%arg6 : memref<8x512xf32, #tpu.memory_space<vmem>>) dst(%dma_wait3A_14 : memref<8x512xf32, #tpu.memory_space<hbm>>)
      tpu.yield
    }) : () -> ()
    return
  }
}

module attributes {stable_mosaic.version = 14 : i64} {
  func.func @_pe_body(%arg0: memref<256x512xf32, #tpu.memory_space<vmem>>) attributes {dimension_semantics = [], scalar_prefetch = 0 : i64, scratch_operands = 0 : i64, tpu.core_type = #tpu.core_type<tc>} {
    %iota3A = tpu.iota {dimensions = array<i32: 0>} : vector<256x512xi32>
    %convert_element_type3A = arith.sitofp %iota3A : vector<256x512xi32> to vector<256x512xf32>
    %iota3A_0 = tpu.iota {dimensions = array<i32: 1>} : vector<256x512xi32>
    %shift_right_arithmetic3A = arith.constant 1 : i32
    %shift_right_arithmetic3A_1 = vector.broadcast %shift_right_arithmetic3A : i32 to vector<256x512xi32>
    %shift_right_arithmetic3A_2 = arith.shrsi %iota3A_0, %shift_right_arithmetic3A_1 : vector<256x512xi32>
    %shift_left3A = arith.constant 1 : i32
    %shift_left3A_3 = vector.broadcast %shift_left3A : i32 to vector<256x512xi32>
    %shift_left3A_4 = arith.shli %shift_right_arithmetic3A_2, %shift_left3A_3 : vector<256x512xi32>
    %convert_element_type3A_5 = arith.sitofp %shift_left3A_4 : vector<256x512xi32> to vector<256x512xf32>
    %mul3A = arith.constant -0.0179889463 : f32
    %mul3A_6 = vector.broadcast %mul3A : f32 to vector<256x512xf32>
    %mul3A_7 = arith.mulf %convert_element_type3A_5, %mul3A_6 : vector<256x512xf32>
    %exp3A = math.exp %mul3A_7 : vector<256x512xf32>
    %mul3A_8 = arith.mulf %convert_element_type3A, %exp3A : vector<256x512xf32>
    %and3A = arith.constant 1 : i32
    %and3A_9 = vector.broadcast %and3A : i32 to vector<256x512xi32>
    %and3A_10 = arith.andi %iota3A_0, %and3A_9 : vector<256x512xi32>
    %eq3A = arith.constant 0 : i32
    %eq3A_11 = vector.broadcast %eq3A : i32 to vector<256x512xi32>
    %eq3A_12 = arith.cmpi eq, %and3A_10, %eq3A_11 : vector<256x512xi32>
    %sin3A = math.sin %mul3A_8 : vector<256x512xf32>
    %cos3A = math.cos %mul3A_8 : vector<256x512xf32>
    %select_n3A = arith.select %eq3A_12, %sin3A, %cos3A : vector<256x512xi1>, vector<256x512xf32>
    %swap3A = arith.constant 0 : index
    %swap3A_13 = arith.constant 0 : index
    %swap3A_14 = vector.load %arg0[%swap3A, %swap3A_13] : memref<256x512xf32, #tpu.memory_space<vmem>>, vector<256x512xf32>
    tpu.vector_store %arg0[%swap3A, %swap3A_13], %select_n3A {strides = array<i32>} : memref<256x512xf32, #tpu.memory_space<vmem>>, vector<256x512xf32>,
    return
  }
}

module attributes {stable_mosaic.version = 14 : i64} {
  func.func @_add_body(%arg0: i32, %arg1: memref<256x512xf32, #tpu.memory_space<vmem>>, %arg2: memref<8x512xf32, #tpu.memory_space<vmem>>, %arg3: memref<8x256x512xf32, #tpu.memory_space<vmem>>) attributes {dimension_semantics = [#tpu.dimension_semantics<parallel>], iteration_bounds = array<i64: 32>, scalar_prefetch = 0 : i64, scratch_operands = 0 : i64, tpu.core_type = #tpu.core_type<tc>, window_params = [{pipeline_mode = #tpu.pipeline_mode<synchronous>, transform_indices = @transform_0, window_bounds = array<i64: 256, 512>}, {transform_indices = @transform_1, window_bounds = array<i64: 8, 512>}, {transform_indices = @transform_2, window_bounds = array<i64: 8, 256, 512>}]} {
    %get3A = arith.constant 0 : index
    %get3A_0 = arith.constant 0 : index
    %get3A_1 = vector.load %arg2[%get3A, %get3A_0] : memref<8x512xf32, #tpu.memory_space<vmem>>, vector<1x512xf32>
    %get3A_2 = vector.shape_cast %get3A_1 : vector<1x512xf32> to vector<512xf32>
    %broadcast_in_dim3A = vector.shape_cast %get3A_2 : vector<512xf32> to vector<1x512xf32>
    %get3A_3 = arith.constant 1 : index
    %get3A_4 = arith.constant 0 : index
    %get3A_5 = vector.load %arg2[%get3A_3, %get3A_4] : memref<8x512xf32, #tpu.memory_space<vmem>>, vector<1x512xf32>
    %get3A_6 = vector.shape_cast %get3A_5 : vector<1x512xf32> to vector<512xf32>
    %broadcast_in_dim3A_7 = vector.shape_cast %get3A_6 : vector<512xf32> to vector<1x512xf32>
    %get3A_8 = arith.constant 2 : index
    %get3A_9 = arith.constant 0 : index
    %get3A_10 = vector.load %arg2[%get3A_8, %get3A_9] : memref<8x512xf32, #tpu.memory_space<vmem>>, vector<1x512xf32>
    %get3A_11 = vector.shape_cast %get3A_10 : vector<1x512xf32> to vector<512xf32>
    %broadcast_in_dim3A_12 = vector.shape_cast %get3A_11 : vector<512xf32> to vector<1x512xf32>
    %get3A_13 = arith.constant 3 : index
    %get3A_14 = arith.constant 0 : index
    %get3A_15 = vector.load %arg2[%get3A_13, %get3A_14] : memref<8x512xf32, #tpu.memory_space<vmem>>, vector<1x512xf32>
    %get3A_16 = vector.shape_cast %get3A_15 : vector<1x512xf32> to vector<512xf32>
    %broadcast_in_dim3A_17 = vector.shape_cast %get3A_16 : vector<512xf32> to vector<1x512xf32>
    %get3A_18 = arith.constant 4 : index
    %get3A_19 = arith.constant 0 : index
    %get3A_20 = vector.load %arg2[%get3A_18, %get3A_19] : memref<8x512xf32, #tpu.memory_space<vmem>>, vector<1x512xf32>
    %get3A_21 = vector.shape_cast %get3A_20 : vector<1x512xf32> to vector<512xf32>
    %broadcast_in_dim3A_22 = vector.shape_cast %get3A_21 : vector<512xf32> to vector<1x512xf32>
    %get3A_23 = arith.constant 5 : index
    %get3A_24 = arith.constant 0 : index
    %get3A_25 = vector.load %arg2[%get3A_23, %get3A_24] : memref<8x512xf32, #tpu.memory_space<vmem>>, vector<1x512xf32>
    %get3A_26 = vector.shape_cast %get3A_25 : vector<1x512xf32> to vector<512xf32>
    %broadcast_in_dim3A_27 = vector.shape_cast %get3A_26 : vector<512xf32> to vector<1x512xf32>
    %get3A_28 = arith.constant 6 : index
    %get3A_29 = arith.constant 0 : index
    %get3A_30 = vector.load %arg2[%get3A_28, %get3A_29] : memref<8x512xf32, #tpu.memory_space<vmem>>, vector<1x512xf32>
    %get3A_31 = vector.shape_cast %get3A_30 : vector<1x512xf32> to vector<512xf32>
    %broadcast_in_dim3A_32 = vector.shape_cast %get3A_31 : vector<512xf32> to vector<1x512xf32>
    %get3A_33 = arith.constant 7 : index
    %get3A_34 = arith.constant 0 : index
    %get3A_35 = vector.load %arg2[%get3A_33, %get3A_34] : memref<8x512xf32, #tpu.memory_space<vmem>>, vector<1x512xf32>
    %get3A_36 = vector.shape_cast %get3A_35 : vector<1x512xf32> to vector<512xf32>
    %broadcast_in_dim3A_37 = vector.shape_cast %get3A_36 : vector<512xf32> to vector<1x512xf32>
    %get3A_38 = arith.constant 0 : index
    %get3A_39 = arith.constant 0 : index
    %get3A_40 = vector.load %arg1[%get3A_38, %get3A_39] : memref<256x512xf32, #tpu.memory_space<vmem>>, vector<8x512xf32>
    %add3A = vector.broadcast %broadcast_in_dim3A : vector<1x512xf32> to vector<8x512xf32>
    %add3A_41 = arith.addf %get3A_40, %add3A : vector<8x512xf32>
    %swap3A = arith.constant 0 : index
    %swap3A_42 = arith.constant 0 : index
    %swap3A_43 = arith.constant 0 : index
    %swap3A_44 = vector.load %arg3[%swap3A, %swap3A_42, %swap3A_43] : memref<8x256x512xf32, #tpu.memory_space<vmem>>, vector<1x8x512xf32>
    %swap3A_45 = vector.shape_cast %swap3A_44 : vector<1x8x512xf32> to vector<8x512xf32>
    %swap3A_46 = vector.shape_cast %add3A_41 : vector<8x512xf32> to vector<1x8x512xf32>
    tpu.vector_store %arg3[%swap3A, %swap3A_42, %swap3A_43], %swap3A_46 {strides = array<i32>} : memref<8x256x512xf32, #tpu.memory_space<vmem>>, vector<1x8x512xf32>,
    %add3A_47 = vector.broadcast %broadcast_in_dim3A_7 : vector<1x512xf32> to vector<8x512xf32>
    %add3A_48 = arith.addf %get3A_40, %add3A_47 : vector<8x512xf32>
    %swap3A_49 = arith.constant 1 : index
    %swap3A_50 = arith.constant 0 : index
    %swap3A_51 = arith.constant 0 : index
    %swap3A_52 = vector.load %arg3[%swap3A_49, %swap3A_50, %swap3A_51] : memref<8x256x512xf32, #tpu.memory_space<vmem>>, vector<1x8x512xf32>
    %swap3A_53 = vector.shape_cast %swap3A_52 : vector<1x8x512xf32> to vector<8x512xf32>
    %swap3A_54 = vector.shape_cast %add3A_48 : vector<8x512xf32> to vector<1x8x512xf32>
    tpu.vector_store %arg3[%swap3A_49, %swap3A_50, %swap3A_51], %swap3A_54 {strides = array<i32>} : memref<8x256x512xf32, #tpu.memory_space<vmem>>, vector<1x8x512xf32>,
    %add3A_55 = vector.broadcast %broadcast_in_dim3A_12 : vector<1x512xf32> to vector<8x512xf32>
    %add3A_56 = arith.addf %get3A_40, %add3A_55 : vector<8x512xf32>
    %swap3A_57 = arith.constant 2 : index
    %swap3A_58 = arith.constant 0 : index
    %swap3A_59 = arith.constant 0 : index
    %swap3A_60 = vector.load %arg3[%swap3A_57, %swap3A_58, %swap3A_59] : memref<8x256x512xf32, #tpu.memory_space<vmem>>, vector<1x8x512xf32>
    %swap3A_61 = vector.shape_cast %swap3A_60 : vector<1x8x512xf32> to vector<8x512xf32>
    %swap3A_62 = vector.shape_cast %add3A_56 : vector<8x512xf32> to vector<1x8x512xf32>
    tpu.vector_store %arg3[%swap3A_57, %swap3A_58, %swap3A_59], %swap3A_62 {strides = array<i32>} : memref<8x256x512xf32, #tpu.memory_space<vmem>>, vector<1x8x512xf32>,
    %add3A_63 = vector.broadcast %broadcast_in_dim3A_17 : vector<1x512xf32> to vector<8x512xf32>
    %add3A_64 = arith.addf %get3A_40, %add3A_63 : vector<8x512xf32>
    %swap3A_65 = arith.constant 3 : index
    %swap3A_66 = arith.constant 0 : index
    %swap3A_67 = arith.constant 0 : index
    %swap3A_68 = vector.load %arg3[%swap3A_65, %swap3A_66, %swap3A_67] : memref<8x256x512xf32, #tpu.memory_space<vmem>>, vector<1x8x512xf32>
    %swap3A_69 = vector.shape_cast %swap3A_68 : vector<1x8x512xf32> to vector<8x512xf32>
    %swap3A_70 = vector.shape_cast %add3A_64 : vector<8x512xf32> to vector<1x8x512xf32>
    tpu.vector_store %arg3[%swap3A_65, %swap3A_66, %swap3A_67], %swap3A_70 {strides = array<i32>} : memref<8x256x512xf32, #tpu.memory_space<vmem>>, vector<1x8x512xf32>,
    %add3A_71 = vector.broadcast %broadcast_in_dim3A_22 : vector<1x512xf32> to vector<8x512xf32>
    %add3A_72 = arith.addf %get3A_40, %add3A_71 : vector<8x512xf32>
    %swap3A_73 = arith.constant 4 : index
    %swap3A_74 = arith.constant 0 : index
    %swap3A_75 = arith.constant 0 : index
    %swap3A_76 = vector.load %arg3[%swap3A_73, %swap3A_74, %swap3A_75] : memref<8x256x512xf32, #tpu.memory_space<vmem>>, vector<1x8x512xf32>
    %swap3A_77 = vector.shape_cast %swap3A_76 : vector<1x8x512xf32> to vector<8x512xf32>
    %swap3A_78 = vector.shape_cast %add3A_72 : vector<8x512xf32> to vector<1x8x512xf32>
    tpu.vector_store %arg3[%swap3A_73, %swap3A_74, %swap3A_75], %swap3A_78 {strides = array<i32>} : memref<8x256x512xf32, #tpu.memory_space<vmem>>, vector<1x8x512xf32>,
    %add3A_79 = vector.broadcast %broadcast_in_dim3A_27 : vector<1x512xf32> to vector<8x512xf32>
    %add3A_80 = arith.addf %get3A_40, %add3A_79 : vector<8x512xf32>
    %swap3A_81 = arith.constant 5 : index
    %swap3A_82 = arith.constant 0 : index
    %swap3A_83 = arith.constant 0 : index
    %swap3A_84 = vector.load %arg3[%swap3A_81, %swap3A_82, %swap3A_83] : memref<8x256x512xf32, #tpu.memory_space<vmem>>, vector<1x8x512xf32>
    %swap3A_85 = vector.shape_cast %swap3A_84 : vector<1x8x512xf32> to vector<8x512xf32>
    %swap3A_86 = vector.shape_cast %add3A_80 : vector<8x512xf32> to vector<1x8x512xf32>
    tpu.vector_store %arg3[%swap3A_81, %swap3A_82, %swap3A_83], %swap3A_86 {strides = array<i32>} : memref<8x256x512xf32, #tpu.memory_space<vmem>>, vector<1x8x512xf32>,
    %add3A_87 = vector.broadcast %broadcast_in_dim3A_32 : vector<1x512xf32> to vector<8x512xf32>
    %add3A_88 = arith.addf %get3A_40, %add3A_87 : vector<8x512xf32>
    %swap3A_89 = arith.constant 6 : index
    %swap3A_90 = arith.constant 0 : index
    %swap3A_91 = arith.constant 0 : index
    %swap3A_92 = vector.load %arg3[%swap3A_89, %swap3A_90, %swap3A_91] : memref<8x256x512xf32, #tpu.memory_space<vmem>>, vector<1x8x512xf32>
    %swap3A_93 = vector.shape_cast %swap3A_92 : vector<1x8x512xf32> to vector<8x512xf32>
    %swap3A_94 = vector.shape_cast %add3A_88 : vector<8x512xf32> to vector<1x8x512xf32>
    tpu.vector_store %arg3[%swap3A_89, %swap3A_90, %swap3A_91], %swap3A_94 {strides = array<i32>} : memref<8x256x512xf32, #tpu.memory_space<vmem>>, vector<1x8x512xf32>,
    %add3A_95 = vector.broadcast %broadcast_in_dim3A_37 : vector<1x512xf32> to vector<8x512xf32>
    %add3A_96 = arith.addf %get3A_40, %add3A_95 : vector<8x512xf32>
    %swap3A_97 = arith.constant 7 : index
    %swap3A_98 = arith.constant 0 : index
    %swap3A_99 = arith.constant 0 : index
    %swap3A_100 = vector.load %arg3[%swap3A_97, %swap3A_98, %swap3A_99] : memref<8x256x512xf32, #tpu.memory_space<vmem>>, vector<1x8x512xf32>
    %swap3A_101 = vector.shape_cast %swap3A_100 : vector<1x8x512xf32> to vector<8x512xf32>
    %swap3A_102 = vector.shape_cast %add3A_96 : vector<8x512xf32> to vector<1x8x512xf32>
    tpu.vector_store %arg3[%swap3A_97, %swap3A_98, %swap3A_99], %swap3A_102 {strides = array<i32>} : memref<8x256x512xf32, #tpu.memory_space<vmem>>, vector<1x8x512xf32>,
    %get3A_103 = arith.constant 8 : index
    %get3A_104 = arith.constant 0 : index
    %get3A_105 = vector.load %arg1[%get3A_103, %get3A_104] : memref<256x512xf32, #tpu.memory_space<vmem>>, vector<8x512xf32>
    %add3A_106 = vector.broadcast %broadcast_in_dim3A : vector<1x512xf32> to vector<8x512xf32>
    %add3A_107 = arith.addf %get3A_105, %add3A_106 : vector<8x512xf32>
    %swap3A_108 = arith.constant 0 : index
    %swap3A_109 = arith.constant 8 : index
    %swap3A_110 = arith.constant 0 : index
    %swap3A_111 = vector.load %arg3[%swap3A_108, %swap3A_109, %swap3A_110] : memref<8x256x512xf32, #tpu.memory_space<vmem>>, vector<1x8x512xf32>
    %swap3A_112 = vector.shape_cast %swap3A_111 : vector<1x8x512xf32> to vector<8x512xf32>
    %swap3A_113 = vector.shape_cast %add3A_107 : vector<8x512xf32> to vector<1x8x512xf32>
    tpu.vector_store %arg3[%swap3A_108, %swap3A_109, %swap3A_110], %swap3A_113 {strides = array<i32>} : memref<8x256x512xf32, #tpu.memory_space<vmem>>, vector<1x8x512xf32>,
    %add3A_114 = vector.broadcast %broadcast_in_dim3A_7 : vector<1x512xf32> to vector<8x512xf32>
    %add3A_115 = arith.addf %get3A_105, %add3A_114 : vector<8x512xf32>
    %swap3A_116 = arith.constant 1 : index
    %swap3A_117 = arith.constant 8 : index
    %swap3A_118 = arith.constant 0 : index
    %swap3A_119 = vector.load %arg3[%swap3A_116, %swap3A_117, %swap3A_118] : memref<8x256x512xf32, #tpu.memory_space<vmem>>, vector<1x8x512xf32>
    %swap3A_120 = vector.shape_cast %swap3A_119 : vector<1x8x512xf32> to vector<8x512xf32>
    %swap3A_121 = vector.shape_cast %add3A_115 : vector<8x512xf32> to vector<1x8x512xf32>
    tpu.vector_store %arg3[%swap3A_116, %swap3A_117, %swap3A_118], %swap3A_121 {strides = array<i32>} : memref<8x256x512xf32, #tpu.memory_space<vmem>>, vector<1x8x512xf32>,
    %add3A_122 = vector.broadcast %broadcast_in_dim3A_12 : vector<1x512xf32> to vector<8x512xf32>
    %add3A_123 = arith.addf %get3A_105, %add3A_122 : vector<8x512xf32>
    %swap3A_124 = arith.constant 2 : index
    %swap3A_125 = arith.constant 8 : index
    %swap3A_126 = arith.constant 0 : index
    %swap3A_127 = vector.load %arg3[%swap3A_124, %swap3A_125, %swap3A_126] : memref<8x256x512xf32, #tpu.memory_space<vmem>>, vector<1x8x512xf32>
    %swap3A_128 = vector.shape_cast %swap3A_127 : vector<1x8x512xf32> to vector<8x512xf32>
    %swap3A_129 = vector.shape_cast %add3A_123 : vector<8x512xf32> to vector<1x8x512xf32>
    tpu.vector_store %arg3[%swap3A_124, %swap3A_125, %swap3A_126], %swap3A_129 {strides = array<i32>} : memref<8x256x512xf32, #tpu.memory_space<vmem>>, vector<1x8x512xf32>,
    %add3A_130 = vector.broadcast %broadcast_in_dim3A_17 : vector<1x512xf32> to vector<8x512xf32>
    %add3A_131 = arith.addf %get3A_105, %add3A_130 : vector<8x512xf32>
    %swap3A_132 = arith.constant 3 : index
    %swap3A_133 = arith.constant 8 : index
    %swap3A_134 = arith.constant 0 : index
    %swap3A_135 = vector.load %arg3[%swap3A_132, %swap3A_133, %swap3A_134] : memref<8x256x512xf32, #tpu.memory_space<vmem>>, vector<1x8x512xf32>
    %swap3A_136 = vector.shape_cast %swap3A_135 : vector<1x8x512xf32> to vector<8x512xf32>
    %swap3A_137 = vector.shape_cast %add3A_131 : vector<8x512xf32> to vector<1x8x512xf32>
    tpu.vector_store %arg3[%swap3A_132, %swap3A_133, %swap3A_134], %swap3A_137 {strides = array<i32>} : memref<8x256x512xf32, #tpu.memory_space<vmem>>, vector<1x8x512xf32>,
    %add3A_138 = vector.broadcast %broadcast_in_dim3A_22 : vector<1x512xf32> to vector<8x512xf32>
    %add3A_139 = arith.addf %get3A_105, %add3A_138 : vector<8x512xf32>
    %swap3A_140 = arith.constant 4 : index
    %swap3A_141 = arith.constant 8 : index
    %swap3A_142 = arith.constant 0 : index
    %swap3A_143 = vector.load %arg3[%swap3A_140, %swap3A_141, %swap3A_142] : memref<8x256x512xf32, #tpu.memory_space<vmem>>, vector<1x8x512xf32>
    %swap3A_144 = vector.shape_cast %swap3A_143 : vector<1x8x512xf32> to vector<8x512xf32>
    %swap3A_145 = vector.shape_cast %add3A_139 : vector<8x512xf32> to vector<1x8x512xf32>
    tpu.vector_store %arg3[%swap3A_140, %swap3A_141, %swap3A_142], %swap3A_145 {strides = array<i32>} : memref<8x256x512xf32, #tpu.memory_space<vmem>>, vector<1x8x512xf32>,
    %add3A_146 = vector.broadcast %broadcast_in_dim3A_27 : vector<1x512xf32> to vector<8x512xf32>
    %add3A_147 = arith.addf %get3A_105, %add3A_146 : vector<8x512xf32>
    %swap3A_148 = arith.constant 5 : index
    %swap3A_149 = arith.constant 8 : index
    %swap3A_150 = arith.constant 0 : index
    %swap3A_151 = vector.load %arg3[%swap3A_148, %swap3A_149, %swap3A_150] : memref<8x256x512xf32, #tpu.memory_space<vmem>>, vector<1x8x512xf32>
    %swap3A_152 = vector.shape_cast %swap3A_151 : vector<1x8x512xf32> to vector<8x512xf32>
    %swap3A_153 = vector.shape_cast %add3A_147 : vector<8x512xf32> to vector<1x8x512xf32>
    tpu.vector_store %arg3[%swap3A_148, %swap3A_149, %swap3A_150], %swap3A_153 {strides = array<i32>} : memref<8x256x512xf32, #tpu.memory_space<vmem>>, vector<1x8x512xf32>,
    %add3A_154 = vector.broadcast %broadcast_in_dim3A_32 : vector<1x512xf32> to vector<8x512xf32>
    %add3A_155 = arith.addf %get3A_105, %add3A_154 : vector<8x512xf32>
    %swap3A_156 = arith.constant 6 : index
    %swap3A_157 = arith.constant 8 : index
    %swap3A_158 = arith.constant 0 : index
    %swap3A_159 = vector.load %arg3[%swap3A_156, %swap3A_157, %swap3A_158] : memref<8x256x512xf32, #tpu.memory_space<vmem>>, vector<1x8x512xf32>
    %swap3A_160 = vector.shape_cast %swap3A_159 : vector<1x8x512xf32> to vector<8x512xf32>
    %swap3A_161 = vector.shape_cast %add3A_155 : vector<8x512xf32> to vector<1x8x512xf32>
    tpu.vector_store %arg3[%swap3A_156, %swap3A_157, %swap3A_158], %swap3A_161 {strides = array<i32>} : memref<8x256x512xf32, #tpu.memory_space<vmem>>, vector<1x8x512xf32>,
    %add3A_162 = vector.broadcast %broadcast_in_dim3A_37 : vector<1x512xf32> to vector<8x512xf32>
    %add3A_163 = arith.addf %get3A_105, %add3A_162 : vector<8x512xf32>
    %swap3A_164 = arith.constant 7 : index
    %swap3A_165 = arith.constant 8 : index
    %swap3A_166 = arith.constant 0 : index
    %swap3A_167 = vector.load %arg3[%swap3A_164, %swap3A_165, %swap3A_166] : memref<8x256x512xf32, #tpu.memory_space<vmem>>, vector<1x8x512xf32>
    %swap3A_168 = vector.shape_cast %swap3A_167 : vector<1x8x512xf32> to vector<8x512xf32>
    %swap3A_169 = vector.shape_cast %add3A_163 : vector<8x512xf32> to vector<1x8x512xf32>
    tpu.vector_store %arg3[%swap3A_164, %swap3A_165, %swap3A_166], %swap3A_169 {strides = array<i32>} : memref<8x256x512xf32, #tpu.memory_space<vmem>>, vector<1x8x512xf32>,
    %get3A_170 = arith.constant 16 : index
    %get3A_171 = arith.constant 0 : index
    %get3A_172 = vector.load %arg1[%get3A_170, %get3A_171] : memref<256x512xf32, #tpu.memory_space<vmem>>, vector<8x512xf32>
    %add3A_173 = vector.broadcast %broadcast_in_dim3A : vector<1x512xf32> to vector<8x512xf32>
    %add3A_174 = arith.addf %get3A_172, %add3A_173 : vector<8x512xf32>
    %swap3A_175 = arith.constant 0 : index
    %swap3A_176 = arith.constant 16 : index
    %swap3A_177 = arith.constant 0 : index
    %swap3A_178 = vector.load %arg3[%swap3A_175, %swap3A_176, %swap3A_177] : memref<8x256x512xf32, #tpu.memory_space<vmem>>, vector<1x8x512xf32>
    %swap3A_179 = vector.shape_cast %swap3A_178 : vector<1x8x512xf32> to vector<8x512xf32>
    %swap3A_180 = vector.shape_cast %add3A_174 : vector<8x512xf32> to vector<1x8x512xf32>
    tpu.vector_store %arg3[%swap3A_175, %swap3A_176, %swap3A_177], %swap3A_180 {strides = array<i32>} : memref<8x256x512xf32, #tpu.memory_space<vmem>>, vector<1x8x512xf32>,
    %add3A_181 = vector.broadcast %broadcast_in_dim3A_7 : vector<1x512xf32> to vector<8x512xf32>
    %add3A_182 = arith.addf %get3A_172, %add3A_181 : vector<8x512xf32>
    %swap3A_183 = arith.constant 1 : index
    %swap3A_184 = arith.constant 16 : index
    %swap3A_185 = arith.constant 0 : index
    %swap3A_186 = vector.load %arg3[%swap3A_183, %swap3A_184, %swap3A_185] : memref<8x256x512xf32, #tpu.memory_space<vmem>>, vector<1x8x512xf32>
    %swap3A_187 = vector.shape_cast %swap3A_186 : vector<1x8x512xf32> to vector<8x512xf32>
    %swap3A_188 = vector.shape_cast %add3A_182 : vector<8x512xf32> to vector<1x8x512xf32>
    tpu.vector_store %arg3[%swap3A_183, %swap3A_184, %swap3A_185], %swap3A_188 {strides = array<i32>} : memref<8x256x512xf32, #tpu.memory_space<vmem>>, vector<1x8x512xf32>,
    %add3A_189 = vector.broadcast %broadcast_in_dim3A_12 : vector<1x512xf32> to vector<8x512xf32>
    %add3A_190 = arith.addf %get3A_172, %add3A_189 : vector<8x512xf32>
    %swap3A_191 = arith.constant 2 : index
    %swap3A_192 = arith.constant 16 : index
    %swap3A_193 = arith.constant 0 : index
    %swap3A_194 = vector.load %arg3[%swap3A_191, %swap3A_192, %swap3A_193] : memref<8x256x512xf32, #tpu.memory_space<vmem>>, vector<1x8x512xf32>
    %swap3A_195 = vector.shape_cast %swap3A_194 : vector<1x8x512xf32> to vector<8x512xf32>
    %swap3A_196 = vector.shape_cast %add3A_190 : vector<8x512xf32> to vector<1x8x512xf32>
    tpu.vector_store %arg3[%swap3A_191, %swap3A_192, %swap3A_193], %swap3A_196 {strides = array<i32>} : memref<8x256x512xf32, #tpu.memory_space<vmem>>, vector<1x8x512xf32>,
    %add3A_197 = vector.broadcast %broadcast_in_dim3A_17 : vector<1x512xf32> to vector<8x512xf32>
    %add3A_198 = arith.addf %get3A_172, %add3A_197 : vector<8x512xf32>
    %swap3A_199 = arith.constant 3 : index
    %swap3A_200 = arith.constant 16 : index
    %swap3A_201 = arith.constant 0 : index
    %swap3A_202 = vector.load %arg3[%swap3A_199, %swap3A_200, %swap3A_201] : memref<8x256x512xf32, #tpu.memory_space<vmem>>, vector<1x8x512xf32>
    %swap3A_203 = vector.shape_cast %swap3A_202 : vector<1x8x512xf32> to vector<8x512xf32>
    %swap3A_204 = vector.shape_cast %add3A_198 : vector<8x512xf32> to vector<1x8x512xf32>
    tpu.vector_store %arg3[%swap3A_199, %swap3A_200, %swap3A_201], %swap3A_204 {strides = array<i32>} : memref<8x256x512xf32, #tpu.memory_space<vmem>>, vector<1x8x512xf32>,
    %add3A_205 = vector.broadcast %broadcast_in_dim3A_22 : vector<1x512xf32> to vector<8x512xf32>
    %add3A_206 = arith.addf %get3A_172, %add3A_205 : vector<8x512xf32>
    %swap3A_207 = arith.constant 4 : index
    %swap3A_208 = arith.constant 16 : index
    %swap3A_209 = arith.constant 0 : index
    %swap3A_210 = vector.load %arg3[%swap3A_207, %swap3A_208, %swap3A_209] : memref<8x256x512xf32, #tpu.memory_space<vmem>>, vector<1x8x512xf32>
    %swap3A_211 = vector.shape_cast %swap3A_210 : vector<1x8x512xf32> to vector<8x512xf32>
    %swap3A_212 = vector.shape_cast %add3A_206 : vector<8x512xf32> to vector<1x8x512xf32>
    tpu.vector_store %arg3[%swap3A_207, %swap3A_208, %swap3A_209], %swap3A_212 {strides = array<i32>} : memref<8x256x512xf32, #tpu.memory_space<vmem>>, vector<1x8x512xf32>,
    %add3A_213 = vector.broadcast %broadcast_in_dim3A_27 : vector<1x512xf32> to vector<8x512xf32>
    %add3A_214 = arith.addf %get3A_172, %add3A_213 : vector<8x512xf32>
    %swap3A_215 = arith.constant 5 : index
    %swap3A_216 = arith.constant 16 : index
    %swap3A_217 = arith.constant 0 : index
    %swap3A_218 = vector.load %arg3[%swap3A_215, %swap3A_216, %swap3A_217] : memref<8x256x512xf32, #tpu.memory_space<vmem>>, vector<1x8x512xf32>
    %swap3A_219 = vector.shape_cast %swap3A_218 : vector<1x8x512xf32> to vector<8x512xf32>
    %swap3A_220 = vector.shape_cast %add3A_214 : vector<8x512xf32> to vector<1x8x512xf32>
    tpu.vector_store %arg3[%swap3A_215, %swap3A_216, %swap3A_217], %swap3A_220 {strides = array<i32>} : memref<8x256x512xf32, #tpu.memory_space<vmem>>, vector<1x8x512xf32>,
    %add3A_221 = vector.broadcast %broadcast_in_dim3A_32 : vector<1x512xf32> to vector<8x512xf32>
    %add3A_222 = arith.addf %get3A_172, %add3A_221 : vector<8x512xf32>
    %swap3A_223 = arith.constant 6 : index
    %swap3A_224 = arith.constant 16 : index
    %swap3A_225 = arith.constant 0 : index
    %swap3A_226 = vector.load %arg3[%swap3A_223, %swap3A_224, %swap3A_225] : memref<8x256x512xf32, #tpu.memory_space<vmem>>, vector<1x8x512xf32>
    %swap3A_227 = vector.shape_cast %swap3A_226 : vector<1x8x512xf32> to vector<8x512xf32>
    %swap3A_228 = vector.shape_cast %add3A_222 : vector<8x512xf32> to vector<1x8x512xf32>
    tpu.vector_store %arg3[%swap3A_223, %swap3A_224, %swap3A_225], %swap3A_228 {strides = array<i32>} : memref<8x256x512xf32, #tpu.memory_space<vmem>>, vector<1x8x512xf32>,
    %add3A_229 = vector.broadcast %broadcast_in_dim3A_37 : vector<1x512xf32> to vector<8x512xf32>
    %add3A_230 = arith.addf %get3A_172, %add3A_229 : vector<8x512xf32>
    %swap3A_231 = arith.constant 7 : index
    %swap3A_232 = arith.constant 16 : index
    %swap3A_233 = arith.constant 0 : index
    %swap3A_234 = vector.load %arg3[%swap3A_231, %swap3A_232, %swap3A_233] : memref<8x256x512xf32, #tpu.memory_space<vmem>>, vector<1x8x512xf32>
    %swap3A_235 = vector.shape_cast %swap3A_234 : vector<1x8x512xf32> to vector<8x512xf32>
    %swap3A_236 = vector.shape_cast %add3A_230 : vector<8x512xf32> to vector<1x8x512xf32>
    tpu.vector_store %arg3[%swap3A_231, %swap3A_232, %swap3A_233], %swap3A_236 {strides = array<i32>} : memref<8x256x512xf32, #tpu.memory_space<vmem>>, vector<1x8x512xf32>,
    %get3A_237 = arith.constant 24 : index
    %get3A_238 = arith.constant 0 : index
    %get3A_239 = vector.load %arg1[%get3A_237, %get3A_238] : memref<256x512xf32, #tpu.memory_space<vmem>>, vector<8x512xf32>
    %add3A_240 = vector.broadcast %broadcast_in_dim3A : vector<1x512xf32> to vector<8x512xf32>
    %add3A_241 = arith.addf %get3A_239, %add3A_240 : vector<8x512xf32>
    %swap3A_242 = arith.constant 0 : index
    %swap3A_243 = arith.constant 24 : index
    %swap3A_244 = arith.constant 0 : index
    %swap3A_245 = vector.load %arg3[%swap3A_242, %swap3A_243, %swap3A_244] : memref<8x256x512xf32, #tpu.memory_space<vmem>>, vector<1x8x512xf32>
    %swap3A_246 = vector.shape_cast %swap3A_245 : vector<1x8x512xf32> to vector<8x512xf32>
    %swap3A_247 = vector.shape_cast %add3A_241 : vector<8x512xf32> to vector<1x8x512xf32>
    tpu.vector_store %arg3[%swap3A_242, %swap3A_243, %swap3A_244], %swap3A_247 {strides = array<i32>} : memref<8x256x512xf32, #tpu.memory_space<vmem>>, vector<1x8x512xf32>,
    %add3A_248 = vector.broadcast %broadcast_in_dim3A_7 : vector<1x512xf32> to vector<8x512xf32>
    %add3A_249 = arith.addf %get3A_239, %add3A_248 : vector<8x512xf32>
    %swap3A_250 = arith.constant 1 : index
    %swap3A_251 = arith.constant 24 : index
    %swap3A_252 = arith.constant 0 : index
    %swap3A_253 = vector.load %arg3[%swap3A_250, %swap3A_251, %swap3A_252] : memref<8x256x512xf32, #tpu.memory_space<vmem>>, vector<1x8x512xf32>
    %swap3A_254 = vector.shape_cast %swap3A_253 : vector<1x8x512xf32> to vector<8x512xf32>
    %swap3A_255 = vector.shape_cast %add3A_249 : vector<8x512xf32> to vector<1x8x512xf32>
    tpu.vector_store %arg3[%swap3A_250, %swap3A_251, %swap3A_252], %swap3A_255 {strides = array<i32>} : memref<8x256x512xf32, #tpu.memory_space<vmem>>, vector<1x8x512xf32>,
    %add3A_256 = vector.broadcast %broadcast_in_dim3A_12 : vector<1x512xf32> to vector<8x512xf32>
    %add3A_257 = arith.addf %get3A_239, %add3A_256 : vector<8x512xf32>
    %swap3A_258 = arith.constant 2 : index
    %swap3A_259 = arith.constant 24 : index
    %swap3A_260 = arith.constant 0 : index
    %swap3A_261 = vector.load %arg3[%swap3A_258, %swap3A_259, %swap3A_260] : memref<8x256x512xf32, #tpu.memory_space<vmem>>, vector<1x8x512xf32>
    %swap3A_262 = vector.shape_cast %swap3A_261 : vector<1x8x512xf32> to vector<8x512xf32>
    %swap3A_263 = vector.shape_cast %add3A_257 : vector<8x512xf32> to vector<1x8x512xf32>
    tpu.vector_store %arg3[%swap3A_258, %swap3A_259, %swap3A_260], %swap3A_263 {strides = array<i32>} : memref<8x256x512xf32, #tpu.memory_space<vmem>>, vector<1x8x512xf32>,
    %add3A_264 = vector.broadcast %broadcast_in_dim3A_17 : vector<1x512xf32> to vector<8x512xf32>
    %add3A_265 = arith.addf %get3A_239, %add3A_264 : vector<8x512xf32>
    %swap3A_266 = arith.constant 3 : index
    %swap3A_267 = arith.constant 24 : index
    %swap3A_268 = arith.constant 0 : index
    %swap3A_269 = vector.load %arg3[%swap3A_266, %swap3A_267, %swap3A_268] : memref<8x256x512xf32, #tpu.memory_space<vmem>>, vector<1x8x512xf32>
    %swap3A_270 = vector.shape_cast %swap3A_269 : vector<1x8x512xf32> to vector<8x512xf32>
    %swap3A_271 = vector.shape_cast %add3A_265 : vector<8x512xf32> to vector<1x8x512xf32>
    tpu.vector_store %arg3[%swap3A_266, %swap3A_267, %swap3A_268], %swap3A_271 {strides = array<i32>} : memref<8x256x512xf32, #tpu.memory_space<vmem>>, vector<1x8x512xf32>,
    %add3A_272 = vector.broadcast %broadcast_in_dim3A_22 : vector<1x512xf32> to vector<8x512xf32>
    %add3A_273 = arith.addf %get3A_239, %add3A_272 : vector<8x512xf32>
    %swap3A_274 = arith.constant 4 : index
    %swap3A_275 = arith.constant 24 : index
    %swap3A_276 = arith.constant 0 : index
    %swap3A_277 = vector.load %arg3[%swap3A_274, %swap3A_275, %swap3A_276] : memref<8x256x512xf32, #tpu.memory_space<vmem>>, vector<1x8x512xf32>
    %swap3A_278 = vector.shape_cast %swap3A_277 : vector<1x8x512xf32> to vector<8x512xf32>
    %swap3A_279 = vector.shape_cast %add3A_273 : vector<8x512xf32> to vector<1x8x512xf32>
    tpu.vector_store %arg3[%swap3A_274, %swap3A_275, %swap3A_276], %swap3A_279 {strides = array<i32>} : memref<8x256x512xf32, #tpu.memory_space<vmem>>, vector<1x8x512xf32>,
    %add3A_280 = vector.broadcast %broadcast_in_dim3A_27 : vector<1x512xf32> to vector<8x512xf32>
    %add3A_281 = arith.addf %get3A_239, %add3A_280 : vector<8x512xf32>
    %swap3A_282 = arith.constant 5 : index
    %swap3A_283 = arith.constant 24 : index
    %swap3A_284 = arith.constant 0 : index
    %swap3A_285 = vector.load %arg3[%swap3A_282, %swap3A_283, %swap3A_284] : memref<8x256x512xf32, #tpu.memory_space<vmem>>, vector<1x8x512xf32>
    %swap3A_286 = vector.shape_cast %swap3A_285 : vector<1x8x512xf32> to vector<8x512xf32>
    %swap3A_287 = vector.shape_cast %add3A_281 : vector<8x512xf32> to vector<1x8x512xf32>
    tpu.vector_store %arg3[%swap3A_282, %swap3A_283, %swap3A_284], %swap3A_287 {strides = array<i32>} : memref<8x256x512xf32, #tpu.memory_space<vmem>>, vector<1x8x512xf32>,
    %add3A_288 = vector.broadcast %broadcast_in_dim3A_32 : vector<1x512xf32> to vector<8x512xf32>
    %add3A_289 = arith.addf %get3A_239, %add3A_288 : vector<8x512xf32>
    %swap3A_290 = arith.constant 6 : index
    %swap3A_291 = arith.constant 24 : index
    %swap3A_292 = arith.constant 0 : index
    %swap3A_293 = vector.load %arg3[%swap3A_290, %swap3A_291, %swap3A_292] : memref<8x256x512xf32, #tpu.memory_space<vmem>>, vector<1x8x512xf32>
    %swap3A_294 = vector.shape_cast %swap3A_293 : vector<1x8x512xf32> to vector<8x512xf32>
    %swap3A_295 = vector.shape_cast %add3A_289 : vector<8x512xf32> to vector<1x8x512xf32>
    tpu.vector_store %arg3[%swap3A_290, %swap3A_291, %swap3A_292], %swap3A_295 {strides = array<i32>} : memref<8x256x512xf32, #tpu.memory_space<vmem>>, vector<1x8x512xf32>,
    %add3A_296 = vector.broadcast %broadcast_in_dim3A_37 : vector<1x512xf32> to vector<8x512xf32>
    %add3A_297 = arith.addf %get3A_239, %add3A_296 : vector<8x512xf32>
    %swap3A_298 = arith.constant 7 : index
    %swap3A_299 = arith.constant 24 : index
    %swap3A_300 = arith.constant 0 : index
    %swap3A_301 = vector.load %arg3[%swap3A_298, %swap3A_299, %swap3A_300] : memref<8x256x512xf32, #tpu.memory_space<vmem>>, vector<1x8x512xf32>
    %swap3A_302 = vector.shape_cast %swap3A_301 : vector<1x8x512xf32> to vector<8x512xf32>
    %swap3A_303 = vector.shape_cast %add3A_297 : vector<8x512xf32> to vector<1x8x512xf32>
    tpu.vector_store %arg3[%swap3A_298, %swap3A_299, %swap3A_300], %swap3A_303 {strides = array<i32>} : memref<8x256x512xf32, #tpu.memory_space<vmem>>, vector<1x8x512xf32>,
    %get3A_304 = arith.constant 32 : index
    %get3A_305 = arith.constant 0 : index
    %get3A_306 = vector.load %arg1[%get3A_304, %get3A_305] : memref<256x512xf32, #tpu.memory_space<vmem>>, vector<8x512xf32>
    %add3A_307 = vector.broadcast %broadcast_in_dim3A : vector<1x512xf32> to vector<8x512xf32>
    %add3A_308 = arith.addf %get3A_306, %add3A_307 : vector<8x512xf32>
    %swap3A_309 = arith.constant 0 : index
    %swap3A_310 = arith.constant 32 : index
    %swap3A_311 = arith.constant 0 : index
    %swap3A_312 = vector.load %arg3[%swap3A_309, %swap3A_310, %swap3A_311] : memref<8x256x512xf32, #tpu.memory_space<vmem>>, vector<1x8x512xf32>
    %swap3A_313 = vector.shape_cast %swap3A_312 : vector<1x8x512xf32> to vector<8x512xf32>
    %swap3A_314 = vector.shape_cast %add3A_308 : vector<8x512xf32> to vector<1x8x512xf32>
    tpu.vector_store %arg3[%swap3A_309, %swap3A_310, %swap3A_311], %swap3A_314 {strides = array<i32>} : memref<8x256x512xf32, #tpu.memory_space<vmem>>, vector<1x8x512xf32>,
    %add3A_315 = vector.broadcast %broadcast_in_dim3A_7 : vector<1x512xf32> to vector<8x512xf32>
    %add3A_316 = arith.addf %get3A_306, %add3A_315 : vector<8x512xf32>
    %swap3A_317 = arith.constant 1 : index
    %swap3A_318 = arith.constant 32 : index
    %swap3A_319 = arith.constant 0 : index
    %swap3A_320 = vector.load %arg3[%swap3A_317, %swap3A_318, %swap3A_319] : memref<8x256x512xf32, #tpu.memory_space<vmem>>, vector<1x8x512xf32>
    %swap3A_321 = vector.shape_cast %swap3A_320 : vector<1x8x512xf32> to vector<8x512xf32>
    %swap3A_322 = vector.shape_cast %add3A_316 : vector<8x512xf32> to vector<1x8x512xf32>
    tpu.vector_store %arg3[%swap3A_317, %swap3A_318, %swap3A_319], %swap3A_322 {strides = array<i32>} : memref<8x256x512xf32, #tpu.memory_space<vmem>>, vector<1x8x512xf32>,
    %add3A_323 = vector.broadcast %broadcast_in_dim3A_12 : vector<1x512xf32> to vector<8x512xf32>
    %add3A_324 = arith.addf %get3A_306, %add3A_323 : vector<8x512xf32>
    %swap3A_325 = arith.constant 2 : index
    %swap3A_326 = arith.constant 32 : index
    %swap3A_327 = arith.constant 0 : index
    %swap3A_328 = vector.load %arg3[%swap3A_325, %swap3A_326, %swap3A_327] : memref<8x256x512xf32, #tpu.memory_space<vmem>>, vector<1x8x512xf32>
    %swap3A_329 = vector.shape_cast %swap3A_328 : vector<1x8x512xf32> to vector<8x512xf32>
    %swap3A_330 = vector.shape_cast %add3A_324 : vector<8x512xf32> to vector<1x8x512xf32>
    tpu.vector_store %arg3[%swap3A_325, %swap3A_326, %swap3A_327], %swap3A_330 {strides = array<i32>} : memref<8x256x512xf32, #tpu.memory_space<vmem>>, vector<1x8x512xf32>,
    %add3A_331 = vector.broadcast %broadcast_in_dim3A_17 : vector<1x512xf32> to vector<8x512xf32>
    %add3A_332 = arith.addf %get3A_306, %add3A_331 : vector<8x512xf32>
    %swap3A_333 = arith.constant 3 : index
    %swap3A_334 = arith.constant 32 : index
    %swap3A_335 = arith.constant 0 : index
    %swap3A_336 = vector.load %arg3[%swap3A_333, %swap3A_334, %swap3A_335] : memref<8x256x512xf32, #tpu.memory_space<vmem>>, vector<1x8x512xf32>
    %swap3A_337 = vector.shape_cast %swap3A_336 : vector<1x8x512xf32> to vector<8x512xf32>
    %swap3A_338 = vector.shape_cast %add3A_332 : vector<8x512xf32> to vector<1x8x512xf32>
    tpu.vector_store %arg3[%swap3A_333, %swap3A_334, %swap3A_335], %swap3A_338 {strides = array<i32>} : memref<8x256x512xf32, #tpu.memory_space<vmem>>, vector<1x8x512xf32>,
    %add3A_339 = vector.broadcast %broadcast_in_dim3A_22 : vector<1x512xf32> to vector<8x512xf32>
    %add3A_340 = arith.addf %get3A_306, %add3A_339 : vector<8x512xf32>
    %swap3A_341 = arith.constant 4 : index
    %swap3A_342 = arith.constant 32 : index
    %swap3A_343 = arith.constant 0 : index
    %swap3A_344 = vector.load %arg3[%swap3A_341, %swap3A_342, %swap3A_343] : memref<8x256x512xf32, #tpu.memory_space<vmem>>, vector<1x8x512xf32>
    %swap3A_345 = vector.shape_cast %swap3A_344 : vector<1x8x512xf32> to vector<8x512xf32>
    %swap3A_346 = vector.shape_cast %add3A_340 : vector<8x512xf32> to vector<1x8x512xf32>
    tpu.vector_store %arg3[%swap3A_341, %swap3A_342, %swap3A_343], %swap3A_346 {strides = array<i32>} : memref<8x256x512xf32, #tpu.memory_space<vmem>>, vector<1x8x512xf32>,
    %add3A_347 = vector.broadcast %broadcast_in_dim3A_27 : vector<1x512xf32> to vector<8x512xf32>
    %add3A_348 = arith.addf %get3A_306, %add3A_347 : vector<8x512xf32>
    %swap3A_349 = arith.constant 5 : index
    %swap3A_350 = arith.constant 32 : index
    %swap3A_351 = arith.constant 0 : index
    %swap3A_352 = vector.load %arg3[%swap3A_349, %swap3A_350, %swap3A_351] : memref<8x256x512xf32, #tpu.memory_space<vmem>>, vector<1x8x512xf32>
    %swap3A_353 = vector.shape_cast %swap3A_352 : vector<1x8x512xf32> to vector<8x512xf32>
    %swap3A_354 = vector.shape_cast %add3A_348 : vector<8x512xf32> to vector<1x8x512xf32>
    tpu.vector_store %arg3[%swap3A_349, %swap3A_350, %swap3A_351], %swap3A_354 {strides = array<i32>} : memref<8x256x512xf32, #tpu.memory_space<vmem>>, vector<1x8x512xf32>,
    %add3A_355 = vector.broadcast %broadcast_in_dim3A_32 : vector<1x512xf32> to vector<8x512xf32>
    %add3A_356 = arith.addf %get3A_306, %add3A_355 : vector<8x512xf32>
    %swap3A_357 = arith.constant 6 : index
    %swap3A_358 = arith.constant 32 : index
    %swap3A_359 = arith.constant 0 : index
    %swap3A_360 = vector.load %arg3[%swap3A_357, %swap3A_358, %swap3A_359] : memref<8x256x512xf32, #tpu.memory_space<vmem>>, vector<1x8x512xf32>
    %swap3A_361 = vector.shape_cast %swap3A_360 : vector<1x8x512xf32> to vector<8x512xf32>
    %swap3A_362 = vector.shape_cast %add3A_356 : vector<8x512xf32> to vector<1x8x512xf32>
    tpu.vector_store %arg3[%swap3A_357, %swap3A_358, %swap3A_359], %swap3A_362 {strides = array<i32>} : memref<8x256x512xf32, #tpu.memory_space<vmem>>, vector<1x8x512xf32>,
    %add3A_363 = vector.broadcast %broadcast_in_dim3A_37 : vector<1x512xf32> to vector<8x512xf32>
    %add3A_364 = arith.addf %get3A_306, %add3A_363 : vector<8x512xf32>
    %swap3A_365 = arith.constant 7 : index
    %swap3A_366 = arith.constant 32 : index
    %swap3A_367 = arith.constant 0 : index
    %swap3A_368 = vector.load %arg3[%swap3A_365, %swap3A_366, %swap3A_367] : memref<8x256x512xf32, #tpu.memory_space<vmem>>, vector<1x8x512xf32>
    %swap3A_369 = vector.shape_cast %swap3A_368 : vector<1x8x512xf32> to vector<8x512xf32>
    %swap3A_370 = vector.shape_cast %add3A_364 : vector<8x512xf32> to vector<1x8x512xf32>
    tpu.vector_store %arg3[%swap3A_365, %swap3A_366, %swap3A_367], %swap3A_370 {strides = array<i32>} : memref<8x256x512xf32, #tpu.memory_space<vmem>>, vector<1x8x512xf32>,
    %get3A_371 = arith.constant 40 : index
    %get3A_372 = arith.constant 0 : index
    %get3A_373 = vector.load %arg1[%get3A_371, %get3A_372] : memref<256x512xf32, #tpu.memory_space<vmem>>, vector<8x512xf32>
    %add3A_374 = vector.broadcast %broadcast_in_dim3A : vector<1x512xf32> to vector<8x512xf32>
    %add3A_375 = arith.addf %get3A_373, %add3A_374 : vector<8x512xf32>
    %swap3A_376 = arith.constant 0 : index
    %swap3A_377 = arith.constant 40 : index
    %swap3A_378 = arith.constant 0 : index
    %swap3A_379 = vector.load %arg3[%swap3A_376, %swap3A_377, %swap3A_378] : memref<8x256x512xf32, #tpu.memory_space<vmem>>, vector<1x8x512xf32>
    %swap3A_380 = vector.shape_cast %swap3A_379 : vector<1x8x512xf32> to vector<8x512xf32>
    %swap3A_381 = vector.shape_cast %add3A_375 : vector<8x512xf32> to vector<1x8x512xf32>
    tpu.vector_store %arg3[%swap3A_376, %swap3A_377, %swap3A_378], %swap3A_381 {strides = array<i32>} : memref<8x256x512xf32, #tpu.memory_space<vmem>>, vector<1x8x512xf32>,
    %add3A_382 = vector.broadcast %broadcast_in_dim3A_7 : vector<1x512xf32> to vector<8x512xf32>
    %add3A_383 = arith.addf %get3A_373, %add3A_382 : vector<8x512xf32>
    %swap3A_384 = arith.constant 1 : index
    %swap3A_385 = arith.constant 40 : index
    %swap3A_386 = arith.constant 0 : index
    %swap3A_387 = vector.load %arg3[%swap3A_384, %swap3A_385, %swap3A_386] : memref<8x256x512xf32, #tpu.memory_space<vmem>>, vector<1x8x512xf32>
    %swap3A_388 = vector.shape_cast %swap3A_387 : vector<1x8x512xf32> to vector<8x512xf32>
    %swap3A_389 = vector.shape_cast %add3A_383 : vector<8x512xf32> to vector<1x8x512xf32>
    tpu.vector_store %arg3[%swap3A_384, %swap3A_385, %swap3A_386], %swap3A_389 {strides = array<i32>} : memref<8x256x512xf32, #tpu.memory_space<vmem>>, vector<1x8x512xf32>,
    %add3A_390 = vector.broadcast %broadcast_in_dim3A_12 : vector<1x512xf32> to vector<8x512xf32>
    %add3A_391 = arith.addf %get3A_373, %add3A_390 : vector<8x512xf32>
    %swap3A_392 = arith.constant 2 : index
    %swap3A_393 = arith.constant 40 : index
    %swap3A_394 = arith.constant 0 : index
    %swap3A_395 = vector.load %arg3[%swap3A_392, %swap3A_393, %swap3A_394] : memref<8x256x512xf32, #tpu.memory_space<vmem>>, vector<1x8x512xf32>
    %swap3A_396 = vector.shape_cast %swap3A_395 : vector<1x8x512xf32> to vector<8x512xf32>
    %swap3A_397 = vector.shape_cast %add3A_391 : vector<8x512xf32> to vector<1x8x512xf32>
    tpu.vector_store %arg3[%swap3A_392, %swap3A_393, %swap3A_394], %swap3A_397 {strides = array<i32>} : memref<8x256x512xf32, #tpu.memory_space<vmem>>, vector<1x8x512xf32>,
    %add3A_398 = vector.broadcast %broadcast_in_dim3A_17 : vector<1x512xf32> to vector<8x512xf32>
    %add3A_399 = arith.addf %get3A_373, %add3A_398 : vector<8x512xf32>
    %swap3A_400 = arith.constant 3 : index
    %swap3A_401 = arith.constant 40 : index
    %swap3A_402 = arith.constant 0 : index
    %swap3A_403 = vector.load %arg3[%swap3A_400, %swap3A_401, %swap3A_402] : memref<8x256x512xf32, #tpu.memory_space<vmem>>, vector<1x8x512xf32>
    %swap3A_404 = vector.shape_cast %swap3A_403 : vector<1x8x512xf32> to vector<8x512xf32>
    %swap3A_405 = vector.shape_cast %add3A_399 : vector<8x512xf32> to vector<1x8x512xf32>
    tpu.vector_store %arg3[%swap3A_400, %swap3A_401, %swap3A_402], %swap3A_405 {strides = array<i32>} : memref<8x256x512xf32, #tpu.memory_space<vmem>>, vector<1x8x512xf32>,
    %add3A_406 = vector.broadcast %broadcast_in_dim3A_22 : vector<1x512xf32> to vector<8x512xf32>
    %add3A_407 = arith.addf %get3A_373, %add3A_406 : vector<8x512xf32>
    %swap3A_408 = arith.constant 4 : index
    %swap3A_409 = arith.constant 40 : index
    %swap3A_410 = arith.constant 0 : index
    %swap3A_411 = vector.load %arg3[%swap3A_408, %swap3A_409, %swap3A_410] : memref<8x256x512xf32, #tpu.memory_space<vmem>>, vector<1x8x512xf32>
    %swap3A_412 = vector.shape_cast %swap3A_411 : vector<1x8x512xf32> to vector<8x512xf32>
    %swap3A_413 = vector.shape_cast %add3A_407 : vector<8x512xf32> to vector<1x8x512xf32>
    tpu.vector_store %arg3[%swap3A_408, %swap3A_409, %swap3A_410], %swap3A_413 {strides = array<i32>} : memref<8x256x512xf32, #tpu.memory_space<vmem>>, vector<1x8x512xf32>,
    %add3A_414 = vector.broadcast %broadcast_in_dim3A_27 : vector<1x512xf32> to vector<8x512xf32>
    %add3A_415 = arith.addf %get3A_373, %add3A_414 : vector<8x512xf32>
    %swap3A_416 = arith.constant 5 : index
    %swap3A_417 = arith.constant 40 : index
    %swap3A_418 = arith.constant 0 : index
    %swap3A_419 = vector.load %arg3[%swap3A_416, %swap3A_417, %swap3A_418] : memref<8x256x512xf32, #tpu.memory_space<vmem>>, vector<1x8x512xf32>
    %swap3A_420 = vector.shape_cast %swap3A_419 : vector<1x8x512xf32> to vector<8x512xf32>
    %swap3A_421 = vector.shape_cast %add3A_415 : vector<8x512xf32> to vector<1x8x512xf32>
    tpu.vector_store %arg3[%swap3A_416, %swap3A_417, %swap3A_418], %swap3A_421 {strides = array<i32>} : memref<8x256x512xf32, #tpu.memory_space<vmem>>, vector<1x8x512xf32>,
    %add3A_422 = vector.broadcast %broadcast_in_dim3A_32 : vector<1x512xf32> to vector<8x512xf32>
    %add3A_423 = arith.addf %get3A_373, %add3A_422 : vector<8x512xf32>
    %swap3A_424 = arith.constant 6 : index
    %swap3A_425 = arith.constant 40 : index
    %swap3A_426 = arith.constant 0 : index
    %swap3A_427 = vector.load %arg3[%swap3A_424, %swap3A_425, %swap3A_426] : memref<8x256x512xf32, #tpu.memory_space<vmem>>, vector<1x8x512xf32>
    %swap3A_428 = vector.shape_cast %swap3A_427 : vector<1x8x512xf32> to vector<8x512xf32>
    %swap3A_429 = vector.shape_cast %add3A_423 : vector<8x512xf32> to vector<1x8x512xf32>
    tpu.vector_store %arg3[%swap3A_424, %swap3A_425, %swap3A_426], %swap3A_429 {strides = array<i32>} : memref<8x256x512xf32, #tpu.memory_space<vmem>>, vector<1x8x512xf32>,
    %add3A_430 = vector.broadcast %broadcast_in_dim3A_37 : vector<1x512xf32> to vector<8x512xf32>
    %add3A_431 = arith.addf %get3A_373, %add3A_430 : vector<8x512xf32>
    %swap3A_432 = arith.constant 7 : index
    %swap3A_433 = arith.constant 40 : index
    %swap3A_434 = arith.constant 0 : index
    %swap3A_435 = vector.load %arg3[%swap3A_432, %swap3A_433, %swap3A_434] : memref<8x256x512xf32, #tpu.memory_space<vmem>>, vector<1x8x512xf32>
    %swap3A_436 = vector.shape_cast %swap3A_435 : vector<1x8x512xf32> to vector<8x512xf32>
    %swap3A_437 = vector.shape_cast %add3A_431 : vector<8x512xf32> to vector<1x8x512xf32>
    tpu.vector_store %arg3[%swap3A_432, %swap3A_433, %swap3A_434], %swap3A_437 {strides = array<i32>} : memref<8x256x512xf32, #tpu.memory_space<vmem>>, vector<1x8x512xf32>,
    %get3A_438 = arith.constant 48 : index
    %get3A_439 = arith.constant 0 : index
    %get3A_440 = vector.load %arg1[%get3A_438, %get3A_439] : memref<256x512xf32, #tpu.memory_space<vmem>>, vector<8x512xf32>
    %add3A_441 = vector.broadcast %broadcast_in_dim3A : vector<1x512xf32> to vector<8x512xf32>
    %add3A_442 = arith.addf %get3A_440, %add3A_441 : vector<8x512xf32>
    %swap3A_443 = arith.constant 0 : index
    %swap3A_444 = arith.constant 48 : index
    %swap3A_445 = arith.constant 0 : index
    %swap3A_446 = vector.load %arg3[%swap3A_443, %swap3A_444, %swap3A_445] : memref<8x256x512xf32, #tpu.memory_space<vmem>>, vector<1x8x512xf32>
    %swap3A_447 = vector.shape_cast %swap3A_446 : vector<1x8x512xf32> to vector<8x512xf32>
    %swap3A_448 = vector.shape_cast %add3A_442 : vector<8x512xf32> to vector<1x8x512xf32>
    tpu.vector_store %arg3[%swap3A_443, %swap3A_444, %swap3A_445], %swap3A_448 {strides = array<i32>} : memref<8x256x512xf32, #tpu.memory_space<vmem>>, vector<1x8x512xf32>,
    %add3A_449 = vector.broadcast %broadcast_in_dim3A_7 : vector<1x512xf32> to vector<8x512xf32>
    %add3A_450 = arith.addf %get3A_440, %add3A_449 : vector<8x512xf32>
    %swap3A_451 = arith.constant 1 : index
    %swap3A_452 = arith.constant 48 : index
    %swap3A_453 = arith.constant 0 : index
    %swap3A_454 = vector.load %arg3[%swap3A_451, %swap3A_452, %swap3A_453] : memref<8x256x512xf32, #tpu.memory_space<vmem>>, vector<1x8x512xf32>
    %swap3A_455 = vector.shape_cast %swap3A_454 : vector<1x8x512xf32> to vector<8x512xf32>
    %swap3A_456 = vector.shape_cast %add3A_450 : vector<8x512xf32> to vector<1x8x512xf32>
    tpu.vector_store %arg3[%swap3A_451, %swap3A_452, %swap3A_453], %swap3A_456 {strides = array<i32>} : memref<8x256x512xf32, #tpu.memory_space<vmem>>, vector<1x8x512xf32>,
    %add3A_457 = vector.broadcast %broadcast_in_dim3A_12 : vector<1x512xf32> to vector<8x512xf32>
    %add3A_458 = arith.addf %get3A_440, %add3A_457 : vector<8x512xf32>
    %swap3A_459 = arith.constant 2 : index
    %swap3A_460 = arith.constant 48 : index
    %swap3A_461 = arith.constant 0 : index
    %swap3A_462 = vector.load %arg3[%swap3A_459, %swap3A_460, %swap3A_461] : memref<8x256x512xf32, #tpu.memory_space<vmem>>, vector<1x8x512xf32>
    %swap3A_463 = vector.shape_cast %swap3A_462 : vector<1x8x512xf32> to vector<8x512xf32>
    %swap3A_464 = vector.shape_cast %add3A_458 : vector<8x512xf32> to vector<1x8x512xf32>
    tpu.vector_store %arg3[%swap3A_459, %swap3A_460, %swap3A_461], %swap3A_464 {strides = array<i32>} : memref<8x256x512xf32, #tpu.memory_space<vmem>>, vector<1x8x512xf32>,
    %add3A_465 = vector.broadcast %broadcast_in_dim3A_17 : vector<1x512xf32> to vector<8x512xf32>
    %add3A_466 = arith.addf %get3A_440, %add3A_465 : vector<8x512xf32>
    %swap3A_467 = arith.constant 3 : index
    %swap3A_468 = arith.constant 48 : index
    %swap3A_469 = arith.constant 0 : index
    %swap3A_470 = vector.load %arg3[%swap3A_467, %swap3A_468, %swap3A_469] : memref<8x256x512xf32, #tpu.memory_space<vmem>>, vector<1x8x512xf32>
    %swap3A_471 = vector.shape_cast %swap3A_470 : vector<1x8x512xf32> to vector<8x512xf32>
    %swap3A_472 = vector.shape_cast %add3A_466 : vector<8x512xf32> to vector<1x8x512xf32>
    tpu.vector_store %arg3[%swap3A_467, %swap3A_468, %swap3A_469], %swap3A_472 {strides = array<i32>} : memref<8x256x512xf32, #tpu.memory_space<vmem>>, vector<1x8x512xf32>,
    %add3A_473 = vector.broadcast %broadcast_in_dim3A_22 : vector<1x512xf32> to vector<8x512xf32>
    %add3A_474 = arith.addf %get3A_440, %add3A_473 : vector<8x512xf32>
    %swap3A_475 = arith.constant 4 : index
    %swap3A_476 = arith.constant 48 : index
    %swap3A_477 = arith.constant 0 : index
    %swap3A_478 = vector.load %arg3[%swap3A_475, %swap3A_476, %swap3A_477] : memref<8x256x512xf32, #tpu.memory_space<vmem>>, vector<1x8x512xf32>
    %swap3A_479 = vector.shape_cast %swap3A_478 : vector<1x8x512xf32> to vector<8x512xf32>
    %swap3A_480 = vector.shape_cast %add3A_474 : vector<8x512xf32> to vector<1x8x512xf32>
    tpu.vector_store %arg3[%swap3A_475, %swap3A_476, %swap3A_477], %swap3A_480 {strides = array<i32>} : memref<8x256x512xf32, #tpu.memory_space<vmem>>, vector<1x8x512xf32>,
    %add3A_481 = vector.broadcast %broadcast_in_dim3A_27 : vector<1x512xf32> to vector<8x512xf32>
    %add3A_482 = arith.addf %get3A_440, %add3A_481 : vector<8x512xf32>
    %swap3A_483 = arith.constant 5 : index
    %swap3A_484 = arith.constant 48 : index
    %swap3A_485 = arith.constant 0 : index
    %swap3A_486 = vector.load %arg3[%swap3A_483, %swap3A_484, %swap3A_485] : memref<8x256x512xf32, #tpu.memory_space<vmem>>, vector<1x8x512xf32>
    %swap3A_487 = vector.shape_cast %swap3A_486 : vector<1x8x512xf32> to vector<8x512xf32>
    %swap3A_488 = vector.shape_cast %add3A_482 : vector<8x512xf32> to vector<1x8x512xf32>
    tpu.vector_store %arg3[%swap3A_483, %swap3A_484, %swap3A_485], %swap3A_488 {strides = array<i32>} : memref<8x256x512xf32, #tpu.memory_space<vmem>>, vector<1x8x512xf32>,
    %add3A_489 = vector.broadcast %broadcast_in_dim3A_32 : vector<1x512xf32> to vector<8x512xf32>
    %add3A_490 = arith.addf %get3A_440, %add3A_489 : vector<8x512xf32>
    %swap3A_491 = arith.constant 6 : index
    %swap3A_492 = arith.constant 48 : index
    %swap3A_493 = arith.constant 0 : index
    %swap3A_494 = vector.load %arg3[%swap3A_491, %swap3A_492, %swap3A_493] : memref<8x256x512xf32, #tpu.memory_space<vmem>>, vector<1x8x512xf32>
    %swap3A_495 = vector.shape_cast %swap3A_494 : vector<1x8x512xf32> to vector<8x512xf32>
    %swap3A_496 = vector.shape_cast %add3A_490 : vector<8x512xf32> to vector<1x8x512xf32>
    tpu.vector_store %arg3[%swap3A_491, %swap3A_492, %swap3A_493], %swap3A_496 {strides = array<i32>} : memref<8x256x512xf32, #tpu.memory_space<vmem>>, vector<1x8x512xf32>,
    %add3A_497 = vector.broadcast %broadcast_in_dim3A_37 : vector<1x512xf32> to vector<8x512xf32>
    %add3A_498 = arith.addf %get3A_440, %add3A_497 : vector<8x512xf32>
    %swap3A_499 = arith.constant 7 : index
    %swap3A_500 = arith.constant 48 : index
    %swap3A_501 = arith.constant 0 : index
    %swap3A_502 = vector.load %arg3[%swap3A_499, %swap3A_500, %swap3A_501] : memref<8x256x512xf32, #tpu.memory_space<vmem>>, vector<1x8x512xf32>
    %swap3A_503 = vector.shape_cast %swap3A_502 : vector<1x8x512xf32> to vector<8x512xf32>
    %swap3A_504 = vector.shape_cast %add3A_498 : vector<8x512xf32> to vector<1x8x512xf32>
    tpu.vector_store %arg3[%swap3A_499, %swap3A_500, %swap3A_501], %swap3A_504 {strides = array<i32>} : memref<8x256x512xf32, #tpu.memory_space<vmem>>, vector<1x8x512xf32>,
    %get3A_505 = arith.constant 56 : index
    %get3A_506 = arith.constant 0 : index
    %get3A_507 = vector.load %arg1[%get3A_505, %get3A_506] : memref<256x512xf32, #tpu.memory_space<vmem>>, vector<8x512xf32>
    %add3A_508 = vector.broadcast %broadcast_in_dim3A : vector<1x512xf32> to vector<8x512xf32>
    %add3A_509 = arith.addf %get3A_507, %add3A_508 : vector<8x512xf32>
    %swap3A_510 = arith.constant 0 : index
    %swap3A_511 = arith.constant 56 : index
    %swap3A_512 = arith.constant 0 : index
    %swap3A_513 = vector.load %arg3[%swap3A_510, %swap3A_511, %swap3A_512] : memref<8x256x512xf32, #tpu.memory_space<vmem>>, vector<1x8x512xf32>
    %swap3A_514 = vector.shape_cast %swap3A_513 : vector<1x8x512xf32> to vector<8x512xf32>
    %swap3A_515 = vector.shape_cast %add3A_509 : vector<8x512xf32> to vector<1x8x512xf32>
    tpu.vector_store %arg3[%swap3A_510, %swap3A_511, %swap3A_512], %swap3A_515 {strides = array<i32>} : memref<8x256x512xf32, #tpu.memory_space<vmem>>, vector<1x8x512xf32>,
    %add3A_516 = vector.broadcast %broadcast_in_dim3A_7 : vector<1x512xf32> to vector<8x512xf32>
    %add3A_517 = arith.addf %get3A_507, %add3A_516 : vector<8x512xf32>
    %swap3A_518 = arith.constant 1 : index
    %swap3A_519 = arith.constant 56 : index
    %swap3A_520 = arith.constant 0 : index
    %swap3A_521 = vector.load %arg3[%swap3A_518, %swap3A_519, %swap3A_520] : memref<8x256x512xf32, #tpu.memory_space<vmem>>, vector<1x8x512xf32>
    %swap3A_522 = vector.shape_cast %swap3A_521 : vector<1x8x512xf32> to vector<8x512xf32>
    %swap3A_523 = vector.shape_cast %add3A_517 : vector<8x512xf32> to vector<1x8x512xf32>
    tpu.vector_store %arg3[%swap3A_518, %swap3A_519, %swap3A_520], %swap3A_523 {strides = array<i32>} : memref<8x256x512xf32, #tpu.memory_space<vmem>>, vector<1x8x512xf32>,
    %add3A_524 = vector.broadcast %broadcast_in_dim3A_12 : vector<1x512xf32> to vector<8x512xf32>
    %add3A_525 = arith.addf %get3A_507, %add3A_524 : vector<8x512xf32>
    %swap3A_526 = arith.constant 2 : index
    %swap3A_527 = arith.constant 56 : index
    %swap3A_528 = arith.constant 0 : index
    %swap3A_529 = vector.load %arg3[%swap3A_526, %swap3A_527, %swap3A_528] : memref<8x256x512xf32, #tpu.memory_space<vmem>>, vector<1x8x512xf32>
    %swap3A_530 = vector.shape_cast %swap3A_529 : vector<1x8x512xf32> to vector<8x512xf32>
    %swap3A_531 = vector.shape_cast %add3A_525 : vector<8x512xf32> to vector<1x8x512xf32>
    tpu.vector_store %arg3[%swap3A_526, %swap3A_527, %swap3A_528], %swap3A_531 {strides = array<i32>} : memref<8x256x512xf32, #tpu.memory_space<vmem>>, vector<1x8x512xf32>,
    %add3A_532 = vector.broadcast %broadcast_in_dim3A_17 : vector<1x512xf32> to vector<8x512xf32>
    %add3A_533 = arith.addf %get3A_507, %add3A_532 : vector<8x512xf32>
    %swap3A_534 = arith.constant 3 : index
    %swap3A_535 = arith.constant 56 : index
    %swap3A_536 = arith.constant 0 : index
    %swap3A_537 = vector.load %arg3[%swap3A_534, %swap3A_535, %swap3A_536] : memref<8x256x512xf32, #tpu.memory_space<vmem>>, vector<1x8x512xf32>
    %swap3A_538 = vector.shape_cast %swap3A_537 : vector<1x8x512xf32> to vector<8x512xf32>
    %swap3A_539 = vector.shape_cast %add3A_533 : vector<8x512xf32> to vector<1x8x512xf32>
    tpu.vector_store %arg3[%swap3A_534, %swap3A_535, %swap3A_536], %swap3A_539 {strides = array<i32>} : memref<8x256x512xf32, #tpu.memory_space<vmem>>, vector<1x8x512xf32>,
    %add3A_540 = vector.broadcast %broadcast_in_dim3A_22 : vector<1x512xf32> to vector<8x512xf32>
    %add3A_541 = arith.addf %get3A_507, %add3A_540 : vector<8x512xf32>
    %swap3A_542 = arith.constant 4 : index
    %swap3A_543 = arith.constant 56 : index
    %swap3A_544 = arith.constant 0 : index
    %swap3A_545 = vector.load %arg3[%swap3A_542, %swap3A_543, %swap3A_544] : memref<8x256x512xf32, #tpu.memory_space<vmem>>, vector<1x8x512xf32>
    %swap3A_546 = vector.shape_cast %swap3A_545 : vector<1x8x512xf32> to vector<8x512xf32>
    %swap3A_547 = vector.shape_cast %add3A_541 : vector<8x512xf32> to vector<1x8x512xf32>
    tpu.vector_store %arg3[%swap3A_542, %swap3A_543, %swap3A_544], %swap3A_547 {strides = array<i32>} : memref<8x256x512xf32, #tpu.memory_space<vmem>>, vector<1x8x512xf32>,
    %add3A_548 = vector.broadcast %broadcast_in_dim3A_27 : vector<1x512xf32> to vector<8x512xf32>
    %add3A_549 = arith.addf %get3A_507, %add3A_548 : vector<8x512xf32>
    %swap3A_550 = arith.constant 5 : index
    %swap3A_551 = arith.constant 56 : index
    %swap3A_552 = arith.constant 0 : index
    %swap3A_553 = vector.load %arg3[%swap3A_550, %swap3A_551, %swap3A_552] : memref<8x256x512xf32, #tpu.memory_space<vmem>>, vector<1x8x512xf32>
    %swap3A_554 = vector.shape_cast %swap3A_553 : vector<1x8x512xf32> to vector<8x512xf32>
    %swap3A_555 = vector.shape_cast %add3A_549 : vector<8x512xf32> to vector<1x8x512xf32>
    tpu.vector_store %arg3[%swap3A_550, %swap3A_551, %swap3A_552], %swap3A_555 {strides = array<i32>} : memref<8x256x512xf32, #tpu.memory_space<vmem>>, vector<1x8x512xf32>,
    %add3A_556 = vector.broadcast %broadcast_in_dim3A_32 : vector<1x512xf32> to vector<8x512xf32>
    %add3A_557 = arith.addf %get3A_507, %add3A_556 : vector<8x512xf32>
    %swap3A_558 = arith.constant 6 : index
    %swap3A_559 = arith.constant 56 : index
    %swap3A_560 = arith.constant 0 : index
    %swap3A_561 = vector.load %arg3[%swap3A_558, %swap3A_559, %swap3A_560] : memref<8x256x512xf32, #tpu.memory_space<vmem>>, vector<1x8x512xf32>
    %swap3A_562 = vector.shape_cast %swap3A_561 : vector<1x8x512xf32> to vector<8x512xf32>
    %swap3A_563 = vector.shape_cast %add3A_557 : vector<8x512xf32> to vector<1x8x512xf32>
    tpu.vector_store %arg3[%swap3A_558, %swap3A_559, %swap3A_560], %swap3A_563 {strides = array<i32>} : memref<8x256x512xf32, #tpu.memory_space<vmem>>, vector<1x8x512xf32>,
    %add3A_564 = vector.broadcast %broadcast_in_dim3A_37 : vector<1x512xf32> to vector<8x512xf32>
    %add3A_565 = arith.addf %get3A_507, %add3A_564 : vector<8x512xf32>
    %swap3A_566 = arith.constant 7 : index
    %swap3A_567 = arith.constant 56 : index
    %swap3A_568 = arith.constant 0 : index
    %swap3A_569 = vector.load %arg3[%swap3A_566, %swap3A_567, %swap3A_568] : memref<8x256x512xf32, #tpu.memory_space<vmem>>, vector<1x8x512xf32>
    %swap3A_570 = vector.shape_cast %swap3A_569 : vector<1x8x512xf32> to vector<8x512xf32>
    %swap3A_571 = vector.shape_cast %add3A_565 : vector<8x512xf32> to vector<1x8x512xf32>
    tpu.vector_store %arg3[%swap3A_566, %swap3A_567, %swap3A_568], %swap3A_571 {strides = array<i32>} : memref<8x256x512xf32, #tpu.memory_space<vmem>>, vector<1x8x512xf32>,
    %get3A_572 = arith.constant 64 : index
    %get3A_573 = arith.constant 0 : index
    %get3A_574 = vector.load %arg1[%get3A_572, %get3A_573] : memref<256x512xf32, #tpu.memory_space<vmem>>, vector<8x512xf32>
    %add3A_575 = vector.broadcast %broadcast_in_dim3A : vector<1x512xf32> to vector<8x512xf32>
    %add3A_576 = arith.addf %get3A_574, %add3A_575 : vector<8x512xf32>
    %swap3A_577 = arith.constant 0 : index
    %swap3A_578 = arith.constant 64 : index
    %swap3A_579 = arith.constant 0 : index
    %swap3A_580 = vector.load %arg3[%swap3A_577, %swap3A_578, %swap3A_579] : memref<8x256x512xf32, #tpu.memory_space<vmem>>, vector<1x8x512xf32>
    %swap3A_581 = vector.shape_cast %swap3A_580 : vector<1x8x512xf32> to vector<8x512xf32>
    %swap3A_582 = vector.shape_cast %add3A_576 : vector<8x512xf32> to vector<1x8x512xf32>
    tpu.vector_store %arg3[%swap3A_577, %swap3A_578, %swap3A_579], %swap3A_582 {strides = array<i32>} : memref<8x256x512xf32, #tpu.memory_space<vmem>>, vector<1x8x512xf32>,
    %add3A_583 = vector.broadcast %broadcast_in_dim3A_7 : vector<1x512xf32> to vector<8x512xf32>
    %add3A_584 = arith.addf %get3A_574, %add3A_583 : vector<8x512xf32>
    %swap3A_585 = arith.constant 1 : index
    %swap3A_586 = arith.constant 64 : index
    %swap3A_587 = arith.constant 0 : index
    %swap3A_588 = vector.load %arg3[%swap3A_585, %swap3A_586, %swap3A_587] : memref<8x256x512xf32, #tpu.memory_space<vmem>>, vector<1x8x512xf32>
    %swap3A_589 = vector.shape_cast %swap3A_588 : vector<1x8x512xf32> to vector<8x512xf32>
    %swap3A_590 = vector.shape_cast %add3A_584 : vector<8x512xf32> to vector<1x8x512xf32>
    tpu.vector_store %arg3[%swap3A_585, %swap3A_586, %swap3A_587], %swap3A_590 {strides = array<i32>} : memref<8x256x512xf32, #tpu.memory_space<vmem>>, vector<1x8x512xf32>,
    %add3A_591 = vector.broadcast %broadcast_in_dim3A_12 : vector<1x512xf32> to vector<8x512xf32>
    %add3A_592 = arith.addf %get3A_574, %add3A_591 : vector<8x512xf32>
    %swap3A_593 = arith.constant 2 : index
    %swap3A_594 = arith.constant 64 : index
    %swap3A_595 = arith.constant 0 : index
    %swap3A_596 = vector.load %arg3[%swap3A_593, %swap3A_594, %swap3A_595] : memref<8x256x512xf32, #tpu.memory_space<vmem>>, vector<1x8x512xf32>
    %swap3A_597 = vector.shape_cast %swap3A_596 : vector<1x8x512xf32> to vector<8x512xf32>
    %swap3A_598 = vector.shape_cast %add3A_592 : vector<8x512xf32> to vector<1x8x512xf32>
    tpu.vector_store %arg3[%swap3A_593, %swap3A_594, %swap3A_595], %swap3A_598 {strides = array<i32>} : memref<8x256x512xf32, #tpu.memory_space<vmem>>, vector<1x8x512xf32>,
    %add3A_599 = vector.broadcast %broadcast_in_dim3A_17 : vector<1x512xf32> to vector<8x512xf32>
    %add3A_600 = arith.addf %get3A_574, %add3A_599 : vector<8x512xf32>
    %swap3A_601 = arith.constant 3 : index
    %swap3A_602 = arith.constant 64 : index
    %swap3A_603 = arith.constant 0 : index
    %swap3A_604 = vector.load %arg3[%swap3A_601, %swap3A_602, %swap3A_603] : memref<8x256x512xf32, #tpu.memory_space<vmem>>, vector<1x8x512xf32>
    %swap3A_605 = vector.shape_cast %swap3A_604 : vector<1x8x512xf32> to vector<8x512xf32>
    %swap3A_606 = vector.shape_cast %add3A_600 : vector<8x512xf32> to vector<1x8x512xf32>
    tpu.vector_store %arg3[%swap3A_601, %swap3A_602, %swap3A_603], %swap3A_606 {strides = array<i32>} : memref<8x256x512xf32, #tpu.memory_space<vmem>>, vector<1x8x512xf32>,
    %add3A_607 = vector.broadcast %broadcast_in_dim3A_22 : vector<1x512xf32> to vector<8x512xf32>
    %add3A_608 = arith.addf %get3A_574, %add3A_607 : vector<8x512xf32>
    %swap3A_609 = arith.constant 4 : index
    %swap3A_610 = arith.constant 64 : index
    %swap3A_611 = arith.constant 0 : index
    %swap3A_612 = vector.load %arg3[%swap3A_609, %swap3A_610, %swap3A_611] : memref<8x256x512xf32, #tpu.memory_space<vmem>>, vector<1x8x512xf32>
    %swap3A_613 = vector.shape_cast %swap3A_612 : vector<1x8x512xf32> to vector<8x512xf32>
    %swap3A_614 = vector.shape_cast %add3A_608 : vector<8x512xf32> to vector<1x8x512xf32>
    tpu.vector_store %arg3[%swap3A_609, %swap3A_610, %swap3A_611], %swap3A_614 {strides = array<i32>} : memref<8x256x512xf32, #tpu.memory_space<vmem>>, vector<1x8x512xf32>,
    %add3A_615 = vector.broadcast %broadcast_in_dim3A_27 : vector<1x512xf32> to vector<8x512xf32>
    %add3A_616 = arith.addf %get3A_574, %add3A_615 : vector<8x512xf32>
    %swap3A_617 = arith.constant 5 : index
    %swap3A_618 = arith.constant 64 : index
    %swap3A_619 = arith.constant 0 : index
    %swap3A_620 = vector.load %arg3[%swap3A_617, %swap3A_618, %swap3A_619] : memref<8x256x512xf32, #tpu.memory_space<vmem>>, vector<1x8x512xf32>
    %swap3A_621 = vector.shape_cast %swap3A_620 : vector<1x8x512xf32> to vector<8x512xf32>
    %swap3A_622 = vector.shape_cast %add3A_616 : vector<8x512xf32> to vector<1x8x512xf32>
    tpu.vector_store %arg3[%swap3A_617, %swap3A_618, %swap3A_619], %swap3A_622 {strides = array<i32>} : memref<8x256x512xf32, #tpu.memory_space<vmem>>, vector<1x8x512xf32>,
    %add3A_623 = vector.broadcast %broadcast_in_dim3A_32 : vector<1x512xf32> to vector<8x512xf32>
    %add3A_624 = arith.addf %get3A_574, %add3A_623 : vector<8x512xf32>
    %swap3A_625 = arith.constant 6 : index
    %swap3A_626 = arith.constant 64 : index
    %swap3A_627 = arith.constant 0 : index
    %swap3A_628 = vector.load %arg3[%swap3A_625, %swap3A_626, %swap3A_627] : memref<8x256x512xf32, #tpu.memory_space<vmem>>, vector<1x8x512xf32>
    %swap3A_629 = vector.shape_cast %swap3A_628 : vector<1x8x512xf32> to vector<8x512xf32>
    %swap3A_630 = vector.shape_cast %add3A_624 : vector<8x512xf32> to vector<1x8x512xf32>
    tpu.vector_store %arg3[%swap3A_625, %swap3A_626, %swap3A_627], %swap3A_630 {strides = array<i32>} : memref<8x256x512xf32, #tpu.memory_space<vmem>>, vector<1x8x512xf32>,
    %add3A_631 = vector.broadcast %broadcast_in_dim3A_37 : vector<1x512xf32> to vector<8x512xf32>
    %add3A_632 = arith.addf %get3A_574, %add3A_631 : vector<8x512xf32>
    %swap3A_633 = arith.constant 7 : index
    %swap3A_634 = arith.constant 64 : index
    %swap3A_635 = arith.constant 0 : index
    %swap3A_636 = vector.load %arg3[%swap3A_633, %swap3A_634, %swap3A_635] : memref<8x256x512xf32, #tpu.memory_space<vmem>>, vector<1x8x512xf32>
    %swap3A_637 = vector.shape_cast %swap3A_636 : vector<1x8x512xf32> to vector<8x512xf32>
    %swap3A_638 = vector.shape_cast %add3A_632 : vector<8x512xf32> to vector<1x8x512xf32>
    tpu.vector_store %arg3[%swap3A_633, %swap3A_634, %swap3A_635], %swap3A_638 {strides = array<i32>} : memref<8x256x512xf32, #tpu.memory_space<vmem>>, vector<1x8x512xf32>,
    %get3A_639 = arith.constant 72 : index
    %get3A_640 = arith.constant 0 : index
    %get3A_641 = vector.load %arg1[%get3A_639, %get3A_640] : memref<256x512xf32, #tpu.memory_space<vmem>>, vector<8x512xf32>
    %add3A_642 = vector.broadcast %broadcast_in_dim3A : vector<1x512xf32> to vector<8x512xf32>
    %add3A_643 = arith.addf %get3A_641, %add3A_642 : vector<8x512xf32>
    %swap3A_644 = arith.constant 0 : index
    %swap3A_645 = arith.constant 72 : index
    %swap3A_646 = arith.constant 0 : index
    %swap3A_647 = vector.load %arg3[%swap3A_644, %swap3A_645, %swap3A_646] : memref<8x256x512xf32, #tpu.memory_space<vmem>>, vector<1x8x512xf32>
    %swap3A_648 = vector.shape_cast %swap3A_647 : vector<1x8x512xf32> to vector<8x512xf32>
    %swap3A_649 = vector.shape_cast %add3A_643 : vector<8x512xf32> to vector<1x8x512xf32>
    tpu.vector_store %arg3[%swap3A_644, %swap3A_645, %swap3A_646], %swap3A_649 {strides = array<i32>} : memref<8x256x512xf32, #tpu.memory_space<vmem>>, vector<1x8x512xf32>,
    %add3A_650 = vector.broadcast %broadcast_in_dim3A_7 : vector<1x512xf32> to vector<8x512xf32>
    %add3A_651 = arith.addf %get3A_641, %add3A_650 : vector<8x512xf32>
    %swap3A_652 = arith.constant 1 : index
    %swap3A_653 = arith.constant 72 : index
    %swap3A_654 = arith.constant 0 : index
    %swap3A_655 = vector.load %arg3[%swap3A_652, %swap3A_653, %swap3A_654] : memref<8x256x512xf32, #tpu.memory_space<vmem>>, vector<1x8x512xf32>
    %swap3A_656 = vector.shape_cast %swap3A_655 : vector<1x8x512xf32> to vector<8x512xf32>
    %swap3A_657 = vector.shape_cast %add3A_651 : vector<8x512xf32> to vector<1x8x512xf32>
    tpu.vector_store %arg3[%swap3A_652, %swap3A_653, %swap3A_654], %swap3A_657 {strides = array<i32>} : memref<8x256x512xf32, #tpu.memory_space<vmem>>, vector<1x8x512xf32>,
    %add3A_658 = vector.broadcast %broadcast_in_dim3A_12 : vector<1x512xf32> to vector<8x512xf32>
    %add3A_659 = arith.addf %get3A_641, %add3A_658 : vector<8x512xf32>
    %swap3A_660 = arith.constant 2 : index
    %swap3A_661 = arith.constant 72 : index
    %swap3A_662 = arith.constant 0 : index
    %swap3A_663 = vector.load %arg3[%swap3A_660, %swap3A_661, %swap3A_662] : memref<8x256x512xf32, #tpu.memory_space<vmem>>, vector<1x8x512xf32>
    %swap3A_664 = vector.shape_cast %swap3A_663 : vector<1x8x512xf32> to vector<8x512xf32>
    %swap3A_665 = vector.shape_cast %add3A_659 : vector<8x512xf32> to vector<1x8x512xf32>
    tpu.vector_store %arg3[%swap3A_660, %swap3A_661, %swap3A_662], %swap3A_665 {strides = array<i32>} : memref<8x256x512xf32, #tpu.memory_space<vmem>>, vector<1x8x512xf32>,
    %add3A_666 = vector.broadcast %broadcast_in_dim3A_17 : vector<1x512xf32> to vector<8x512xf32>
    %add3A_667 = arith.addf %get3A_641, %add3A_666 : vector<8x512xf32>
    %swap3A_668 = arith.constant 3 : index
    %swap3A_669 = arith.constant 72 : index
    %swap3A_670 = arith.constant 0 : index
    %swap3A_671 = vector.load %arg3[%swap3A_668, %swap3A_669, %swap3A_670] : memref<8x256x512xf32, #tpu.memory_space<vmem>>, vector<1x8x512xf32>
    %swap3A_672 = vector.shape_cast %swap3A_671 : vector<1x8x512xf32> to vector<8x512xf32>
    %swap3A_673 = vector.shape_cast %add3A_667 : vector<8x512xf32> to vector<1x8x512xf32>
    tpu.vector_store %arg3[%swap3A_668, %swap3A_669, %swap3A_670], %swap3A_673 {strides = array<i32>} : memref<8x256x512xf32, #tpu.memory_space<vmem>>, vector<1x8x512xf32>,
    %add3A_674 = vector.broadcast %broadcast_in_dim3A_22 : vector<1x512xf32> to vector<8x512xf32>
    %add3A_675 = arith.addf %get3A_641, %add3A_674 : vector<8x512xf32>
    %swap3A_676 = arith.constant 4 : index
    %swap3A_677 = arith.constant 72 : index
    %swap3A_678 = arith.constant 0 : index
    %swap3A_679 = vector.load %arg3[%swap3A_676, %swap3A_677, %swap3A_678] : memref<8x256x512xf32, #tpu.memory_space<vmem>>, vector<1x8x512xf32>
    %swap3A_680 = vector.shape_cast %swap3A_679 : vector<1x8x512xf32> to vector<8x512xf32>
    %swap3A_681 = vector.shape_cast %add3A_675 : vector<8x512xf32> to vector<1x8x512xf32>
    tpu.vector_store %arg3[%swap3A_676, %swap3A_677, %swap3A_678], %swap3A_681 {strides = array<i32>} : memref<8x256x512xf32, #tpu.memory_space<vmem>>, vector<1x8x512xf32>,
    %add3A_682 = vector.broadcast %broadcast_in_dim3A_27 : vector<1x512xf32> to vector<8x512xf32>
    %add3A_683 = arith.addf %get3A_641, %add3A_682 : vector<8x512xf32>
    %swap3A_684 = arith.constant 5 : index
    %swap3A_685 = arith.constant 72 : index
    %swap3A_686 = arith.constant 0 : index
    %swap3A_687 = vector.load %arg3[%swap3A_684, %swap3A_685, %swap3A_686] : memref<8x256x512xf32, #tpu.memory_space<vmem>>, vector<1x8x512xf32>
    %swap3A_688 = vector.shape_cast %swap3A_687 : vector<1x8x512xf32> to vector<8x512xf32>
    %swap3A_689 = vector.shape_cast %add3A_683 : vector<8x512xf32> to vector<1x8x512xf32>
    tpu.vector_store %arg3[%swap3A_684, %swap3A_685, %swap3A_686], %swap3A_689 {strides = array<i32>} : memref<8x256x512xf32, #tpu.memory_space<vmem>>, vector<1x8x512xf32>,
    %add3A_690 = vector.broadcast %broadcast_in_dim3A_32 : vector<1x512xf32> to vector<8x512xf32>
    %add3A_691 = arith.addf %get3A_641, %add3A_690 : vector<8x512xf32>
    %swap3A_692 = arith.constant 6 : index
    %swap3A_693 = arith.constant 72 : index
    %swap3A_694 = arith.constant 0 : index
    %swap3A_695 = vector.load %arg3[%swap3A_692, %swap3A_693, %swap3A_694] : memref<8x256x512xf32, #tpu.memory_space<vmem>>, vector<1x8x512xf32>
    %swap3A_696 = vector.shape_cast %swap3A_695 : vector<1x8x512xf32> to vector<8x512xf32>
    %swap3A_697 = vector.shape_cast %add3A_691 : vector<8x512xf32> to vector<1x8x512xf32>
    tpu.vector_store %arg3[%swap3A_692, %swap3A_693, %swap3A_694], %swap3A_697 {strides = array<i32>} : memref<8x256x512xf32, #tpu.memory_space<vmem>>, vector<1x8x512xf32>,
    %add3A_698 = vector.broadcast %broadcast_in_dim3A_37 : vector<1x512xf32> to vector<8x512xf32>
    %add3A_699 = arith.addf %get3A_641, %add3A_698 : vector<8x512xf32>
    %swap3A_700 = arith.constant 7 : index
    %swap3A_701 = arith.constant 72 : index
    %swap3A_702 = arith.constant 0 : index
    %swap3A_703 = vector.load %arg3[%swap3A_700, %swap3A_701, %swap3A_702] : memref<8x256x512xf32, #tpu.memory_space<vmem>>, vector<1x8x512xf32>
    %swap3A_704 = vector.shape_cast %swap3A_703 : vector<1x8x512xf32> to vector<8x512xf32>
    %swap3A_705 = vector.shape_cast %add3A_699 : vector<8x512xf32> to vector<1x8x512xf32>
    tpu.vector_store %arg3[%swap3A_700, %swap3A_701, %swap3A_702], %swap3A_705 {strides = array<i32>} : memref<8x256x512xf32, #tpu.memory_space<vmem>>, vector<1x8x512xf32>,
    %get3A_706 = arith.constant 80 : index
    %get3A_707 = arith.constant 0 : index
    %get3A_708 = vector.load %arg1[%get3A_706, %get3A_707] : memref<256x512xf32, #tpu.memory_space<vmem>>, vector<8x512xf32>
    %add3A_709 = vector.broadcast %broadcast_in_dim3A : vector<1x512xf32> to vector<8x512xf32>
    %add3A_710 = arith.addf %get3A_708, %add3A_709 : vector<8x512xf32>
    %swap3A_711 = arith.constant 0 : index
    %swap3A_712 = arith.constant 80 : index
    %swap3A_713 = arith.constant 0 : index
    %swap3A_714 = vector.load %arg3[%swap3A_711, %swap3A_712, %swap3A_713] : memref<8x256x512xf32, #tpu.memory_space<vmem>>, vector<1x8x512xf32>
    %swap3A_715 = vector.shape_cast %swap3A_714 : vector<1x8x512xf32> to vector<8x512xf32>
    %swap3A_716 = vector.shape_cast %add3A_710 : vector<8x512xf32> to vector<1x8x512xf32>
    tpu.vector_store %arg3[%swap3A_711, %swap3A_712, %swap3A_713], %swap3A_716 {strides = array<i32>} : memref<8x256x512xf32, #tpu.memory_space<vmem>>, vector<1x8x512xf32>,
    %add3A_717 = vector.broadcast %broadcast_in_dim3A_7 : vector<1x512xf32> to vector<8x512xf32>
    %add3A_718 = arith.addf %get3A_708, %add3A_717 : vector<8x512xf32>
    %swap3A_719 = arith.constant 1 : index
    %swap3A_720 = arith.constant 80 : index
    %swap3A_721 = arith.constant 0 : index
    %swap3A_722 = vector.load %arg3[%swap3A_719, %swap3A_720, %swap3A_721] : memref<8x256x512xf32, #tpu.memory_space<vmem>>, vector<1x8x512xf32>
    %swap3A_723 = vector.shape_cast %swap3A_722 : vector<1x8x512xf32> to vector<8x512xf32>
    %swap3A_724 = vector.shape_cast %add3A_718 : vector<8x512xf32> to vector<1x8x512xf32>
    tpu.vector_store %arg3[%swap3A_719, %swap3A_720, %swap3A_721], %swap3A_724 {strides = array<i32>} : memref<8x256x512xf32, #tpu.memory_space<vmem>>, vector<1x8x512xf32>,
    %add3A_725 = vector.broadcast %broadcast_in_dim3A_12 : vector<1x512xf32> to vector<8x512xf32>
    %add3A_726 = arith.addf %get3A_708, %add3A_725 : vector<8x512xf32>
    %swap3A_727 = arith.constant 2 : index
    %swap3A_728 = arith.constant 80 : index
    %swap3A_729 = arith.constant 0 : index
    %swap3A_730 = vector.load %arg3[%swap3A_727, %swap3A_728, %swap3A_729] : memref<8x256x512xf32, #tpu.memory_space<vmem>>, vector<1x8x512xf32>
    %swap3A_731 = vector.shape_cast %swap3A_730 : vector<1x8x512xf32> to vector<8x512xf32>
    %swap3A_732 = vector.shape_cast %add3A_726 : vector<8x512xf32> to vector<1x8x512xf32>
    tpu.vector_store %arg3[%swap3A_727, %swap3A_728, %swap3A_729], %swap3A_732 {strides = array<i32>} : memref<8x256x512xf32, #tpu.memory_space<vmem>>, vector<1x8x512xf32>,
    %add3A_733 = vector.broadcast %broadcast_in_dim3A_17 : vector<1x512xf32> to vector<8x512xf32>
    %add3A_734 = arith.addf %get3A_708, %add3A_733 : vector<8x512xf32>
    %swap3A_735 = arith.constant 3 : index
    %swap3A_736 = arith.constant 80 : index
    %swap3A_737 = arith.constant 0 : index
    %swap3A_738 = vector.load %arg3[%swap3A_735, %swap3A_736, %swap3A_737] : memref<8x256x512xf32, #tpu.memory_space<vmem>>, vector<1x8x512xf32>
    %swap3A_739 = vector.shape_cast %swap3A_738 : vector<1x8x512xf32> to vector<8x512xf32>
    %swap3A_740 = vector.shape_cast %add3A_734 : vector<8x512xf32> to vector<1x8x512xf32>
    tpu.vector_store %arg3[%swap3A_735, %swap3A_736, %swap3A_737], %swap3A_740 {strides = array<i32>} : memref<8x256x512xf32, #tpu.memory_space<vmem>>, vector<1x8x512xf32>,
    %add3A_741 = vector.broadcast %broadcast_in_dim3A_22 : vector<1x512xf32> to vector<8x512xf32>
    %add3A_742 = arith.addf %get3A_708, %add3A_741 : vector<8x512xf32>
    %swap3A_743 = arith.constant 4 : index
    %swap3A_744 = arith.constant 80 : index
    %swap3A_745 = arith.constant 0 : index
    %swap3A_746 = vector.load %arg3[%swap3A_743, %swap3A_744, %swap3A_745] : memref<8x256x512xf32, #tpu.memory_space<vmem>>, vector<1x8x512xf32>
    %swap3A_747 = vector.shape_cast %swap3A_746 : vector<1x8x512xf32> to vector<8x512xf32>
    %swap3A_748 = vector.shape_cast %add3A_742 : vector<8x512xf32> to vector<1x8x512xf32>
    tpu.vector_store %arg3[%swap3A_743, %swap3A_744, %swap3A_745], %swap3A_748 {strides = array<i32>} : memref<8x256x512xf32, #tpu.memory_space<vmem>>, vector<1x8x512xf32>,
    %add3A_749 = vector.broadcast %broadcast_in_dim3A_27 : vector<1x512xf32> to vector<8x512xf32>
    %add3A_750 = arith.addf %get3A_708, %add3A_749 : vector<8x512xf32>
    %swap3A_751 = arith.constant 5 : index
    %swap3A_752 = arith.constant 80 : index
    %swap3A_753 = arith.constant 0 : index
    %swap3A_754 = vector.load %arg3[%swap3A_751, %swap3A_752, %swap3A_753] : memref<8x256x512xf32, #tpu.memory_space<vmem>>, vector<1x8x512xf32>
    %swap3A_755 = vector.shape_cast %swap3A_754 : vector<1x8x512xf32> to vector<8x512xf32>
    %swap3A_756 = vector.shape_cast %add3A_750 : vector<8x512xf32> to vector<1x8x512xf32>
    tpu.vector_store %arg3[%swap3A_751, %swap3A_752, %swap3A_753], %swap3A_756 {strides = array<i32>} : memref<8x256x512xf32, #tpu.memory_space<vmem>>, vector<1x8x512xf32>,
    %add3A_757 = vector.broadcast %broadcast_in_dim3A_32 : vector<1x512xf32> to vector<8x512xf32>
    %add3A_758 = arith.addf %get3A_708, %add3A_757 : vector<8x512xf32>
    %swap3A_759 = arith.constant 6 : index
    %swap3A_760 = arith.constant 80 : index
    %swap3A_761 = arith.constant 0 : index
    %swap3A_762 = vector.load %arg3[%swap3A_759, %swap3A_760, %swap3A_761] : memref<8x256x512xf32, #tpu.memory_space<vmem>>, vector<1x8x512xf32>
    %swap3A_763 = vector.shape_cast %swap3A_762 : vector<1x8x512xf32> to vector<8x512xf32>
    %swap3A_764 = vector.shape_cast %add3A_758 : vector<8x512xf32> to vector<1x8x512xf32>
    tpu.vector_store %arg3[%swap3A_759, %swap3A_760, %swap3A_761], %swap3A_764 {strides = array<i32>} : memref<8x256x512xf32, #tpu.memory_space<vmem>>, vector<1x8x512xf32>,
    %add3A_765 = vector.broadcast %broadcast_in_dim3A_37 : vector<1x512xf32> to vector<8x512xf32>
    %add3A_766 = arith.addf %get3A_708, %add3A_765 : vector<8x512xf32>
    %swap3A_767 = arith.constant 7 : index
    %swap3A_768 = arith.constant 80 : index
    %swap3A_769 = arith.constant 0 : index
    %swap3A_770 = vector.load %arg3[%swap3A_767, %swap3A_768, %swap3A_769] : memref<8x256x512xf32, #tpu.memory_space<vmem>>, vector<1x8x512xf32>
    %swap3A_771 = vector.shape_cast %swap3A_770 : vector<1x8x512xf32> to vector<8x512xf32>
    %swap3A_772 = vector.shape_cast %add3A_766 : vector<8x512xf32> to vector<1x8x512xf32>
    tpu.vector_store %arg3[%swap3A_767, %swap3A_768, %swap3A_769], %swap3A_772 {strides = array<i32>} : memref<8x256x512xf32, #tpu.memory_space<vmem>>, vector<1x8x512xf32>,
    %get3A_773 = arith.constant 88 : index
    %get3A_774 = arith.constant 0 : index
    %get3A_775 = vector.load %arg1[%get3A_773, %get3A_774] : memref<256x512xf32, #tpu.memory_space<vmem>>, vector<8x512xf32>
    %add3A_776 = vector.broadcast %broadcast_in_dim3A : vector<1x512xf32> to vector<8x512xf32>
    %add3A_777 = arith.addf %get3A_775, %add3A_776 : vector<8x512xf32>
    %swap3A_778 = arith.constant 0 : index
    %swap3A_779 = arith.constant 88 : index
    %swap3A_780 = arith.constant 0 : index
    %swap3A_781 = vector.load %arg3[%swap3A_778, %swap3A_779, %swap3A_780] : memref<8x256x512xf32, #tpu.memory_space<vmem>>, vector<1x8x512xf32>
    %swap3A_782 = vector.shape_cast %swap3A_781 : vector<1x8x512xf32> to vector<8x512xf32>
    %swap3A_783 = vector.shape_cast %add3A_777 : vector<8x512xf32> to vector<1x8x512xf32>
    tpu.vector_store %arg3[%swap3A_778, %swap3A_779, %swap3A_780], %swap3A_783 {strides = array<i32>} : memref<8x256x512xf32, #tpu.memory_space<vmem>>, vector<1x8x512xf32>,
    %add3A_784 = vector.broadcast %broadcast_in_dim3A_7 : vector<1x512xf32> to vector<8x512xf32>
    %add3A_785 = arith.addf %get3A_775, %add3A_784 : vector<8x512xf32>
    %swap3A_786 = arith.constant 1 : index
    %swap3A_787 = arith.constant 88 : index
    %swap3A_788 = arith.constant 0 : index
    %swap3A_789 = vector.load %arg3[%swap3A_786, %swap3A_787, %swap3A_788] : memref<8x256x512xf32, #tpu.memory_space<vmem>>, vector<1x8x512xf32>
    %swap3A_790 = vector.shape_cast %swap3A_789 : vector<1x8x512xf32> to vector<8x512xf32>
    %swap3A_791 = vector.shape_cast %add3A_785 : vector<8x512xf32> to vector<1x8x512xf32>
    tpu.vector_store %arg3[%swap3A_786, %swap3A_787, %swap3A_788], %swap3A_791 {strides = array<i32>} : memref<8x256x512xf32, #tpu.memory_space<vmem>>, vector<1x8x512xf32>,
    %add3A_792 = vector.broadcast %broadcast_in_dim3A_12 : vector<1x512xf32> to vector<8x512xf32>
    %add3A_793 = arith.addf %get3A_775, %add3A_792 : vector<8x512xf32>
    %swap3A_794 = arith.constant 2 : index
    %swap3A_795 = arith.constant 88 : index
    %swap3A_796 = arith.constant 0 : index
    %swap3A_797 = vector.load %arg3[%swap3A_794, %swap3A_795, %swap3A_796] : memref<8x256x512xf32, #tpu.memory_space<vmem>>, vector<1x8x512xf32>
    %swap3A_798 = vector.shape_cast %swap3A_797 : vector<1x8x512xf32> to vector<8x512xf32>
    %swap3A_799 = vector.shape_cast %add3A_793 : vector<8x512xf32> to vector<1x8x512xf32>
    tpu.vector_store %arg3[%swap3A_794, %swap3A_795, %swap3A_796], %swap3A_799 {strides = array<i32>} : memref<8x256x512xf32, #tpu.memory_space<vmem>>, vector<1x8x512xf32>,
    %add3A_800 = vector.broadcast %broadcast_in_dim3A_17 : vector<1x512xf32> to vector<8x512xf32>
    %add3A_801 = arith.addf %get3A_775, %add3A_800 : vector<8x512xf32>
    %swap3A_802 = arith.constant 3 : index
    %swap3A_803 = arith.constant 88 : index
    %swap3A_804 = arith.constant 0 : index
    %swap3A_805 = vector.load %arg3[%swap3A_802, %swap3A_803, %swap3A_804] : memref<8x256x512xf32, #tpu.memory_space<vmem>>, vector<1x8x512xf32>
    %swap3A_806 = vector.shape_cast %swap3A_805 : vector<1x8x512xf32> to vector<8x512xf32>
    %swap3A_807 = vector.shape_cast %add3A_801 : vector<8x512xf32> to vector<1x8x512xf32>
    tpu.vector_store %arg3[%swap3A_802, %swap3A_803, %swap3A_804], %swap3A_807 {strides = array<i32>} : memref<8x256x512xf32, #tpu.memory_space<vmem>>, vector<1x8x512xf32>,
    %add3A_808 = vector.broadcast %broadcast_in_dim3A_22 : vector<1x512xf32> to vector<8x512xf32>
    %add3A_809 = arith.addf %get3A_775, %add3A_808 : vector<8x512xf32>
    %swap3A_810 = arith.constant 4 : index
    %swap3A_811 = arith.constant 88 : index
    %swap3A_812 = arith.constant 0 : index
    %swap3A_813 = vector.load %arg3[%swap3A_810, %swap3A_811, %swap3A_812] : memref<8x256x512xf32, #tpu.memory_space<vmem>>, vector<1x8x512xf32>
    %swap3A_814 = vector.shape_cast %swap3A_813 : vector<1x8x512xf32> to vector<8x512xf32>
    %swap3A_815 = vector.shape_cast %add3A_809 : vector<8x512xf32> to vector<1x8x512xf32>
    tpu.vector_store %arg3[%swap3A_810, %swap3A_811, %swap3A_812], %swap3A_815 {strides = array<i32>} : memref<8x256x512xf32, #tpu.memory_space<vmem>>, vector<1x8x512xf32>,
    %add3A_816 = vector.broadcast %broadcast_in_dim3A_27 : vector<1x512xf32> to vector<8x512xf32>
    %add3A_817 = arith.addf %get3A_775, %add3A_816 : vector<8x512xf32>
    %swap3A_818 = arith.constant 5 : index
    %swap3A_819 = arith.constant 88 : index
    %swap3A_820 = arith.constant 0 : index
    %swap3A_821 = vector.load %arg3[%swap3A_818, %swap3A_819, %swap3A_820] : memref<8x256x512xf32, #tpu.memory_space<vmem>>, vector<1x8x512xf32>
    %swap3A_822 = vector.shape_cast %swap3A_821 : vector<1x8x512xf32> to vector<8x512xf32>
    %swap3A_823 = vector.shape_cast %add3A_817 : vector<8x512xf32> to vector<1x8x512xf32>
    tpu.vector_store %arg3[%swap3A_818, %swap3A_819, %swap3A_820], %swap3A_823 {strides = array<i32>} : memref<8x256x512xf32, #tpu.memory_space<vmem>>, vector<1x8x512xf32>,
    %add3A_824 = vector.broadcast %broadcast_in_dim3A_32 : vector<1x512xf32> to vector<8x512xf32>
    %add3A_825 = arith.addf %get3A_775, %add3A_824 : vector<8x512xf32>
    %swap3A_826 = arith.constant 6 : index
    %swap3A_827 = arith.constant 88 : index
    %swap3A_828 = arith.constant 0 : index
    %swap3A_829 = vector.load %arg3[%swap3A_826, %swap3A_827, %swap3A_828] : memref<8x256x512xf32, #tpu.memory_space<vmem>>, vector<1x8x512xf32>
    %swap3A_830 = vector.shape_cast %swap3A_829 : vector<1x8x512xf32> to vector<8x512xf32>
    %swap3A_831 = vector.shape_cast %add3A_825 : vector<8x512xf32> to vector<1x8x512xf32>
    tpu.vector_store %arg3[%swap3A_826, %swap3A_827, %swap3A_828], %swap3A_831 {strides = array<i32>} : memref<8x256x512xf32, #tpu.memory_space<vmem>>, vector<1x8x512xf32>,
    %add3A_832 = vector.broadcast %broadcast_in_dim3A_37 : vector<1x512xf32> to vector<8x512xf32>
    %add3A_833 = arith.addf %get3A_775, %add3A_832 : vector<8x512xf32>
    %swap3A_834 = arith.constant 7 : index
    %swap3A_835 = arith.constant 88 : index
    %swap3A_836 = arith.constant 0 : index
    %swap3A_837 = vector.load %arg3[%swap3A_834, %swap3A_835, %swap3A_836] : memref<8x256x512xf32, #tpu.memory_space<vmem>>, vector<1x8x512xf32>
    %swap3A_838 = vector.shape_cast %swap3A_837 : vector<1x8x512xf32> to vector<8x512xf32>
    %swap3A_839 = vector.shape_cast %add3A_833 : vector<8x512xf32> to vector<1x8x512xf32>
    tpu.vector_store %arg3[%swap3A_834, %swap3A_835, %swap3A_836], %swap3A_839 {strides = array<i32>} : memref<8x256x512xf32, #tpu.memory_space<vmem>>, vector<1x8x512xf32>,
    %get3A_840 = arith.constant 96 : index
    %get3A_841 = arith.constant 0 : index
    %get3A_842 = vector.load %arg1[%get3A_840, %get3A_841] : memref<256x512xf32, #tpu.memory_space<vmem>>, vector<8x512xf32>
    %add3A_843 = vector.broadcast %broadcast_in_dim3A : vector<1x512xf32> to vector<8x512xf32>
    %add3A_844 = arith.addf %get3A_842, %add3A_843 : vector<8x512xf32>
    %swap3A_845 = arith.constant 0 : index
    %swap3A_846 = arith.constant 96 : index
    %swap3A_847 = arith.constant 0 : index
    %swap3A_848 = vector.load %arg3[%swap3A_845, %swap3A_846, %swap3A_847] : memref<8x256x512xf32, #tpu.memory_space<vmem>>, vector<1x8x512xf32>
    %swap3A_849 = vector.shape_cast %swap3A_848 : vector<1x8x512xf32> to vector<8x512xf32>
    %swap3A_850 = vector.shape_cast %add3A_844 : vector<8x512xf32> to vector<1x8x512xf32>
    tpu.vector_store %arg3[%swap3A_845, %swap3A_846, %swap3A_847], %swap3A_850 {strides = array<i32>} : memref<8x256x512xf32, #tpu.memory_space<vmem>>, vector<1x8x512xf32>,
    %add3A_851 = vector.broadcast %broadcast_in_dim3A_7 : vector<1x512xf32> to vector<8x512xf32>
    %add3A_852 = arith.addf %get3A_842, %add3A_851 : vector<8x512xf32>
    %swap3A_853 = arith.constant 1 : index
    %swap3A_854 = arith.constant 96 : index
    %swap3A_855 = arith.constant 0 : index
    %swap3A_856 = vector.load %arg3[%swap3A_853, %swap3A_854, %swap3A_855] : memref<8x256x512xf32, #tpu.memory_space<vmem>>, vector<1x8x512xf32>
    %swap3A_857 = vector.shape_cast %swap3A_856 : vector<1x8x512xf32> to vector<8x512xf32>
    %swap3A_858 = vector.shape_cast %add3A_852 : vector<8x512xf32> to vector<1x8x512xf32>
    tpu.vector_store %arg3[%swap3A_853, %swap3A_854, %swap3A_855], %swap3A_858 {strides = array<i32>} : memref<8x256x512xf32, #tpu.memory_space<vmem>>, vector<1x8x512xf32>,
    %add3A_859 = vector.broadcast %broadcast_in_dim3A_12 : vector<1x512xf32> to vector<8x512xf32>
    %add3A_860 = arith.addf %get3A_842, %add3A_859 : vector<8x512xf32>
    %swap3A_861 = arith.constant 2 : index
    %swap3A_862 = arith.constant 96 : index
    %swap3A_863 = arith.constant 0 : index
    %swap3A_864 = vector.load %arg3[%swap3A_861, %swap3A_862, %swap3A_863] : memref<8x256x512xf32, #tpu.memory_space<vmem>>, vector<1x8x512xf32>
    %swap3A_865 = vector.shape_cast %swap3A_864 : vector<1x8x512xf32> to vector<8x512xf32>
    %swap3A_866 = vector.shape_cast %add3A_860 : vector<8x512xf32> to vector<1x8x512xf32>
    tpu.vector_store %arg3[%swap3A_861, %swap3A_862, %swap3A_863], %swap3A_866 {strides = array<i32>} : memref<8x256x512xf32, #tpu.memory_space<vmem>>, vector<1x8x512xf32>,
    %add3A_867 = vector.broadcast %broadcast_in_dim3A_17 : vector<1x512xf32> to vector<8x512xf32>
    %add3A_868 = arith.addf %get3A_842, %add3A_867 : vector<8x512xf32>
    %swap3A_869 = arith.constant 3 : index
    %swap3A_870 = arith.constant 96 : index
    %swap3A_871 = arith.constant 0 : index
    %swap3A_872 = vector.load %arg3[%swap3A_869, %swap3A_870, %swap3A_871] : memref<8x256x512xf32, #tpu.memory_space<vmem>>, vector<1x8x512xf32>
    %swap3A_873 = vector.shape_cast %swap3A_872 : vector<1x8x512xf32> to vector<8x512xf32>
    %swap3A_874 = vector.shape_cast %add3A_868 : vector<8x512xf32> to vector<1x8x512xf32>
    tpu.vector_store %arg3[%swap3A_869, %swap3A_870, %swap3A_871], %swap3A_874 {strides = array<i32>} : memref<8x256x512xf32, #tpu.memory_space<vmem>>, vector<1x8x512xf32>,
    %add3A_875 = vector.broadcast %broadcast_in_dim3A_22 : vector<1x512xf32> to vector<8x512xf32>
    %add3A_876 = arith.addf %get3A_842, %add3A_875 : vector<8x512xf32>
    %swap3A_877 = arith.constant 4 : index
    %swap3A_878 = arith.constant 96 : index
    %swap3A_879 = arith.constant 0 : index
    %swap3A_880 = vector.load %arg3[%swap3A_877, %swap3A_878, %swap3A_879] : memref<8x256x512xf32, #tpu.memory_space<vmem>>, vector<1x8x512xf32>
    %swap3A_881 = vector.shape_cast %swap3A_880 : vector<1x8x512xf32> to vector<8x512xf32>
    %swap3A_882 = vector.shape_cast %add3A_876 : vector<8x512xf32> to vector<1x8x512xf32>
    tpu.vector_store %arg3[%swap3A_877, %swap3A_878, %swap3A_879], %swap3A_882 {strides = array<i32>} : memref<8x256x512xf32, #tpu.memory_space<vmem>>, vector<1x8x512xf32>,
    %add3A_883 = vector.broadcast %broadcast_in_dim3A_27 : vector<1x512xf32> to vector<8x512xf32>
    %add3A_884 = arith.addf %get3A_842, %add3A_883 : vector<8x512xf32>
    %swap3A_885 = arith.constant 5 : index
    %swap3A_886 = arith.constant 96 : index
    %swap3A_887 = arith.constant 0 : index
    %swap3A_888 = vector.load %arg3[%swap3A_885, %swap3A_886, %swap3A_887] : memref<8x256x512xf32, #tpu.memory_space<vmem>>, vector<1x8x512xf32>
    %swap3A_889 = vector.shape_cast %swap3A_888 : vector<1x8x512xf32> to vector<8x512xf32>
    %swap3A_890 = vector.shape_cast %add3A_884 : vector<8x512xf32> to vector<1x8x512xf32>
    tpu.vector_store %arg3[%swap3A_885, %swap3A_886, %swap3A_887], %swap3A_890 {strides = array<i32>} : memref<8x256x512xf32, #tpu.memory_space<vmem>>, vector<1x8x512xf32>,
    %add3A_891 = vector.broadcast %broadcast_in_dim3A_32 : vector<1x512xf32> to vector<8x512xf32>
    %add3A_892 = arith.addf %get3A_842, %add3A_891 : vector<8x512xf32>
    %swap3A_893 = arith.constant 6 : index
    %swap3A_894 = arith.constant 96 : index
    %swap3A_895 = arith.constant 0 : index
    %swap3A_896 = vector.load %arg3[%swap3A_893, %swap3A_894, %swap3A_895] : memref<8x256x512xf32, #tpu.memory_space<vmem>>, vector<1x8x512xf32>
    %swap3A_897 = vector.shape_cast %swap3A_896 : vector<1x8x512xf32> to vector<8x512xf32>
    %swap3A_898 = vector.shape_cast %add3A_892 : vector<8x512xf32> to vector<1x8x512xf32>
    tpu.vector_store %arg3[%swap3A_893, %swap3A_894, %swap3A_895], %swap3A_898 {strides = array<i32>} : memref<8x256x512xf32, #tpu.memory_space<vmem>>, vector<1x8x512xf32>,
    %add3A_899 = vector.broadcast %broadcast_in_dim3A_37 : vector<1x512xf32> to vector<8x512xf32>
    %add3A_900 = arith.addf %get3A_842, %add3A_899 : vector<8x512xf32>
    %swap3A_901 = arith.constant 7 : index
    %swap3A_902 = arith.constant 96 : index
    %swap3A_903 = arith.constant 0 : index
    %swap3A_904 = vector.load %arg3[%swap3A_901, %swap3A_902, %swap3A_903] : memref<8x256x512xf32, #tpu.memory_space<vmem>>, vector<1x8x512xf32>
    %swap3A_905 = vector.shape_cast %swap3A_904 : vector<1x8x512xf32> to vector<8x512xf32>
    %swap3A_906 = vector.shape_cast %add3A_900 : vector<8x512xf32> to vector<1x8x512xf32>
    tpu.vector_store %arg3[%swap3A_901, %swap3A_902, %swap3A_903], %swap3A_906 {strides = array<i32>} : memref<8x256x512xf32, #tpu.memory_space<vmem>>, vector<1x8x512xf32>,
    %get3A_907 = arith.constant 104 : index
    %get3A_908 = arith.constant 0 : index
    %get3A_909 = vector.load %arg1[%get3A_907, %get3A_908] : memref<256x512xf32, #tpu.memory_space<vmem>>, vector<8x512xf32>
    %add3A_910 = vector.broadcast %broadcast_in_dim3A : vector<1x512xf32> to vector<8x512xf32>
    %add3A_911 = arith.addf %get3A_909, %add3A_910 : vector<8x512xf32>
    %swap3A_912 = arith.constant 0 : index
    %swap3A_913 = arith.constant 104 : index
    %swap3A_914 = arith.constant 0 : index
    %swap3A_915 = vector.load %arg3[%swap3A_912, %swap3A_913, %swap3A_914] : memref<8x256x512xf32, #tpu.memory_space<vmem>>, vector<1x8x512xf32>
    %swap3A_916 = vector.shape_cast %swap3A_915 : vector<1x8x512xf32> to vector<8x512xf32>
    %swap3A_917 = vector.shape_cast %add3A_911 : vector<8x512xf32> to vector<1x8x512xf32>
    tpu.vector_store %arg3[%swap3A_912, %swap3A_913, %swap3A_914], %swap3A_917 {strides = array<i32>} : memref<8x256x512xf32, #tpu.memory_space<vmem>>, vector<1x8x512xf32>,
    %add3A_918 = vector.broadcast %broadcast_in_dim3A_7 : vector<1x512xf32> to vector<8x512xf32>
    %add3A_919 = arith.addf %get3A_909, %add3A_918 : vector<8x512xf32>
    %swap3A_920 = arith.constant 1 : index
    %swap3A_921 = arith.constant 104 : index
    %swap3A_922 = arith.constant 0 : index
    %swap3A_923 = vector.load %arg3[%swap3A_920, %swap3A_921, %swap3A_922] : memref<8x256x512xf32, #tpu.memory_space<vmem>>, vector<1x8x512xf32>
    %swap3A_924 = vector.shape_cast %swap3A_923 : vector<1x8x512xf32> to vector<8x512xf32>
    %swap3A_925 = vector.shape_cast %add3A_919 : vector<8x512xf32> to vector<1x8x512xf32>
    tpu.vector_store %arg3[%swap3A_920, %swap3A_921, %swap3A_922], %swap3A_925 {strides = array<i32>} : memref<8x256x512xf32, #tpu.memory_space<vmem>>, vector<1x8x512xf32>,
    %add3A_926 = vector.broadcast %broadcast_in_dim3A_12 : vector<1x512xf32> to vector<8x512xf32>
    %add3A_927 = arith.addf %get3A_909, %add3A_926 : vector<8x512xf32>
    %swap3A_928 = arith.constant 2 : index
    %swap3A_929 = arith.constant 104 : index
    %swap3A_930 = arith.constant 0 : index
    %swap3A_931 = vector.load %arg3[%swap3A_928, %swap3A_929, %swap3A_930] : memref<8x256x512xf32, #tpu.memory_space<vmem>>, vector<1x8x512xf32>
    %swap3A_932 = vector.shape_cast %swap3A_931 : vector<1x8x512xf32> to vector<8x512xf32>
    %swap3A_933 = vector.shape_cast %add3A_927 : vector<8x512xf32> to vector<1x8x512xf32>
    tpu.vector_store %arg3[%swap3A_928, %swap3A_929, %swap3A_930], %swap3A_933 {strides = array<i32>} : memref<8x256x512xf32, #tpu.memory_space<vmem>>, vector<1x8x512xf32>,
    %add3A_934 = vector.broadcast %broadcast_in_dim3A_17 : vector<1x512xf32> to vector<8x512xf32>
    %add3A_935 = arith.addf %get3A_909, %add3A_934 : vector<8x512xf32>
    %swap3A_936 = arith.constant 3 : index
    %swap3A_937 = arith.constant 104 : index
    %swap3A_938 = arith.constant 0 : index
    %swap3A_939 = vector.load %arg3[%swap3A_936, %swap3A_937, %swap3A_938] : memref<8x256x512xf32, #tpu.memory_space<vmem>>, vector<1x8x512xf32>
    %swap3A_940 = vector.shape_cast %swap3A_939 : vector<1x8x512xf32> to vector<8x512xf32>
    %swap3A_941 = vector.shape_cast %add3A_935 : vector<8x512xf32> to vector<1x8x512xf32>
    tpu.vector_store %arg3[%swap3A_936, %swap3A_937, %swap3A_938], %swap3A_941 {strides = array<i32>} : memref<8x256x512xf32, #tpu.memory_space<vmem>>, vector<1x8x512xf32>,
    %add3A_942 = vector.broadcast %broadcast_in_dim3A_22 : vector<1x512xf32> to vector<8x512xf32>
    %add3A_943 = arith.addf %get3A_909, %add3A_942 : vector<8x512xf32>
    %swap3A_944 = arith.constant 4 : index
    %swap3A_945 = arith.constant 104 : index
    %swap3A_946 = arith.constant 0 : index
    %swap3A_947 = vector.load %arg3[%swap3A_944, %swap3A_945, %swap3A_946] : memref<8x256x512xf32, #tpu.memory_space<vmem>>, vector<1x8x512xf32>
    %swap3A_948 = vector.shape_cast %swap3A_947 : vector<1x8x512xf32> to vector<8x512xf32>
    %swap3A_949 = vector.shape_cast %add3A_943 : vector<8x512xf32> to vector<1x8x512xf32>
    tpu.vector_store %arg3[%swap3A_944, %swap3A_945, %swap3A_946], %swap3A_949 {strides = array<i32>} : memref<8x256x512xf32, #tpu.memory_space<vmem>>, vector<1x8x512xf32>,
    %add3A_950 = vector.broadcast %broadcast_in_dim3A_27 : vector<1x512xf32> to vector<8x512xf32>
    %add3A_951 = arith.addf %get3A_909, %add3A_950 : vector<8x512xf32>
    %swap3A_952 = arith.constant 5 : index
    %swap3A_953 = arith.constant 104 : index
    %swap3A_954 = arith.constant 0 : index
    %swap3A_955 = vector.load %arg3[%swap3A_952, %swap3A_953, %swap3A_954] : memref<8x256x512xf32, #tpu.memory_space<vmem>>, vector<1x8x512xf32>
    %swap3A_956 = vector.shape_cast %swap3A_955 : vector<1x8x512xf32> to vector<8x512xf32>
    %swap3A_957 = vector.shape_cast %add3A_951 : vector<8x512xf32> to vector<1x8x512xf32>
    tpu.vector_store %arg3[%swap3A_952, %swap3A_953, %swap3A_954], %swap3A_957 {strides = array<i32>} : memref<8x256x512xf32, #tpu.memory_space<vmem>>, vector<1x8x512xf32>,
    %add3A_958 = vector.broadcast %broadcast_in_dim3A_32 : vector<1x512xf32> to vector<8x512xf32>
    %add3A_959 = arith.addf %get3A_909, %add3A_958 : vector<8x512xf32>
    %swap3A_960 = arith.constant 6 : index
    %swap3A_961 = arith.constant 104 : index
    %swap3A_962 = arith.constant 0 : index
    %swap3A_963 = vector.load %arg3[%swap3A_960, %swap3A_961, %swap3A_962] : memref<8x256x512xf32, #tpu.memory_space<vmem>>, vector<1x8x512xf32>
    %swap3A_964 = vector.shape_cast %swap3A_963 : vector<1x8x512xf32> to vector<8x512xf32>
    %swap3A_965 = vector.shape_cast %add3A_959 : vector<8x512xf32> to vector<1x8x512xf32>
    tpu.vector_store %arg3[%swap3A_960, %swap3A_961, %swap3A_962], %swap3A_965 {strides = array<i32>} : memref<8x256x512xf32, #tpu.memory_space<vmem>>, vector<1x8x512xf32>,
    %add3A_966 = vector.broadcast %broadcast_in_dim3A_37 : vector<1x512xf32> to vector<8x512xf32>
    %add3A_967 = arith.addf %get3A_909, %add3A_966 : vector<8x512xf32>
    %swap3A_968 = arith.constant 7 : index
    %swap3A_969 = arith.constant 104 : index
    %swap3A_970 = arith.constant 0 : index
    %swap3A_971 = vector.load %arg3[%swap3A_968, %swap3A_969, %swap3A_970] : memref<8x256x512xf32, #tpu.memory_space<vmem>>, vector<1x8x512xf32>
    %swap3A_972 = vector.shape_cast %swap3A_971 : vector<1x8x512xf32> to vector<8x512xf32>
    %swap3A_973 = vector.shape_cast %add3A_967 : vector<8x512xf32> to vector<1x8x512xf32>
    tpu.vector_store %arg3[%swap3A_968, %swap3A_969, %swap3A_970], %swap3A_973 {strides = array<i32>} : memref<8x256x512xf32, #tpu.memory_space<vmem>>, vector<1x8x512xf32>,
    %get3A_974 = arith.constant 112 : index
    %get3A_975 = arith.constant 0 : index
    %get3A_976 = vector.load %arg1[%get3A_974, %get3A_975] : memref<256x512xf32, #tpu.memory_space<vmem>>, vector<8x512xf32>
    %add3A_977 = vector.broadcast %broadcast_in_dim3A : vector<1x512xf32> to vector<8x512xf32>
    %add3A_978 = arith.addf %get3A_976, %add3A_977 : vector<8x512xf32>
    %swap3A_979 = arith.constant 0 : index
    %swap3A_980 = arith.constant 112 : index
    %swap3A_981 = arith.constant 0 : index
    %swap3A_982 = vector.load %arg3[%swap3A_979, %swap3A_980, %swap3A_981] : memref<8x256x512xf32, #tpu.memory_space<vmem>>, vector<1x8x512xf32>
    %swap3A_983 = vector.shape_cast %swap3A_982 : vector<1x8x512xf32> to vector<8x512xf32>
    %swap3A_984 = vector.shape_cast %add3A_978 : vector<8x512xf32> to vector<1x8x512xf32>
    tpu.vector_store %arg3[%swap3A_979, %swap3A_980, %swap3A_981], %swap3A_984 {strides = array<i32>} : memref<8x256x512xf32, #tpu.memory_space<vmem>>, vector<1x8x512xf32>,
    %add3A_985 = vector.broadcast %broadcast_in_dim3A_7 : vector<1x512xf32> to vector<8x512xf32>
    %add3A_986 = arith.addf %get3A_976, %add3A_985 : vector<8x512xf32>
    %swap3A_987 = arith.constant 1 : index
    %swap3A_988 = arith.constant 112 : index
    %swap3A_989 = arith.constant 0 : index
    %swap3A_990 = vector.load %arg3[%swap3A_987, %swap3A_988, %swap3A_989] : memref<8x256x512xf32, #tpu.memory_space<vmem>>, vector<1x8x512xf32>
    %swap3A_991 = vector.shape_cast %swap3A_990 : vector<1x8x512xf32> to vector<8x512xf32>
    %swap3A_992 = vector.shape_cast %add3A_986 : vector<8x512xf32> to vector<1x8x512xf32>
    tpu.vector_store %arg3[%swap3A_987, %swap3A_988, %swap3A_989], %swap3A_992 {strides = array<i32>} : memref<8x256x512xf32, #tpu.memory_space<vmem>>, vector<1x8x512xf32>,
    %add3A_993 = vector.broadcast %broadcast_in_dim3A_12 : vector<1x512xf32> to vector<8x512xf32>
    %add3A_994 = arith.addf %get3A_976, %add3A_993 : vector<8x512xf32>
    %swap3A_995 = arith.constant 2 : index
    %swap3A_996 = arith.constant 112 : index
    %swap3A_997 = arith.constant 0 : index
    %swap3A_998 = vector.load %arg3[%swap3A_995, %swap3A_996, %swap3A_997] : memref<8x256x512xf32, #tpu.memory_space<vmem>>, vector<1x8x512xf32>
    %swap3A_999 = vector.shape_cast %swap3A_998 : vector<1x8x512xf32> to vector<8x512xf32>
    %swap3A_1000 = vector.shape_cast %add3A_994 : vector<8x512xf32> to vector<1x8x512xf32>
    tpu.vector_store %arg3[%swap3A_995, %swap3A_996, %swap3A_997], %swap3A_1000 {strides = array<i32>} : memref<8x256x512xf32, #tpu.memory_space<vmem>>, vector<1x8x512xf32>,
    %add3A_1001 = vector.broadcast %broadcast_in_dim3A_17 : vector<1x512xf32> to vector<8x512xf32>
    %add3A_1002 = arith.addf %get3A_976, %add3A_1001 : vector<8x512xf32>
    %swap3A_1003 = arith.constant 3 : index
    %swap3A_1004 = arith.constant 112 : index
    %swap3A_1005 = arith.constant 0 : index
    %swap3A_1006 = vector.load %arg3[%swap3A_1003, %swap3A_1004, %swap3A_1005] : memref<8x256x512xf32, #tpu.memory_space<vmem>>, vector<1x8x512xf32>
    %swap3A_1007 = vector.shape_cast %swap3A_1006 : vector<1x8x512xf32> to vector<8x512xf32>
    %swap3A_1008 = vector.shape_cast %add3A_1002 : vector<8x512xf32> to vector<1x8x512xf32>
    tpu.vector_store %arg3[%swap3A_1003, %swap3A_1004, %swap3A_1005], %swap3A_1008 {strides = array<i32>} : memref<8x256x512xf32, #tpu.memory_space<vmem>>, vector<1x8x512xf32>,
    %add3A_1009 = vector.broadcast %broadcast_in_dim3A_22 : vector<1x512xf32> to vector<8x512xf32>
    %add3A_1010 = arith.addf %get3A_976, %add3A_1009 : vector<8x512xf32>
    %swap3A_1011 = arith.constant 4 : index
    %swap3A_1012 = arith.constant 112 : index
    %swap3A_1013 = arith.constant 0 : index
    %swap3A_1014 = vector.load %arg3[%swap3A_1011, %swap3A_1012, %swap3A_1013] : memref<8x256x512xf32, #tpu.memory_space<vmem>>, vector<1x8x512xf32>
    %swap3A_1015 = vector.shape_cast %swap3A_1014 : vector<1x8x512xf32> to vector<8x512xf32>
    %swap3A_1016 = vector.shape_cast %add3A_1010 : vector<8x512xf32> to vector<1x8x512xf32>
    tpu.vector_store %arg3[%swap3A_1011, %swap3A_1012, %swap3A_1013], %swap3A_1016 {strides = array<i32>} : memref<8x256x512xf32, #tpu.memory_space<vmem>>, vector<1x8x512xf32>,
    %add3A_1017 = vector.broadcast %broadcast_in_dim3A_27 : vector<1x512xf32> to vector<8x512xf32>
    %add3A_1018 = arith.addf %get3A_976, %add3A_1017 : vector<8x512xf32>
    %swap3A_1019 = arith.constant 5 : index
    %swap3A_1020 = arith.constant 112 : index
    %swap3A_1021 = arith.constant 0 : index
    %swap3A_1022 = vector.load %arg3[%swap3A_1019, %swap3A_1020, %swap3A_1021] : memref<8x256x512xf32, #tpu.memory_space<vmem>>, vector<1x8x512xf32>
    %swap3A_1023 = vector.shape_cast %swap3A_1022 : vector<1x8x512xf32> to vector<8x512xf32>
    %swap3A_1024 = vector.shape_cast %add3A_1018 : vector<8x512xf32> to vector<1x8x512xf32>
    tpu.vector_store %arg3[%swap3A_1019, %swap3A_1020, %swap3A_1021], %swap3A_1024 {strides = array<i32>} : memref<8x256x512xf32, #tpu.memory_space<vmem>>, vector<1x8x512xf32>,
    %add3A_1025 = vector.broadcast %broadcast_in_dim3A_32 : vector<1x512xf32> to vector<8x512xf32>
    %add3A_1026 = arith.addf %get3A_976, %add3A_1025 : vector<8x512xf32>
    %swap3A_1027 = arith.constant 6 : index
    %swap3A_1028 = arith.constant 112 : index
    %swap3A_1029 = arith.constant 0 : index
    %swap3A_1030 = vector.load %arg3[%swap3A_1027, %swap3A_1028, %swap3A_1029] : memref<8x256x512xf32, #tpu.memory_space<vmem>>, vector<1x8x512xf32>
    %swap3A_1031 = vector.shape_cast %swap3A_1030 : vector<1x8x512xf32> to vector<8x512xf32>
    %swap3A_1032 = vector.shape_cast %add3A_1026 : vector<8x512xf32> to vector<1x8x512xf32>
    tpu.vector_store %arg3[%swap3A_1027, %swap3A_1028, %swap3A_1029], %swap3A_1032 {strides = array<i32>} : memref<8x256x512xf32, #tpu.memory_space<vmem>>, vector<1x8x512xf32>,
    %add3A_1033 = vector.broadcast %broadcast_in_dim3A_37 : vector<1x512xf32> to vector<8x512xf32>
    %add3A_1034 = arith.addf %get3A_976, %add3A_1033 : vector<8x512xf32>
    %swap3A_1035 = arith.constant 7 : index
    %swap3A_1036 = arith.constant 112 : index
    %swap3A_1037 = arith.constant 0 : index
    %swap3A_1038 = vector.load %arg3[%swap3A_1035, %swap3A_1036, %swap3A_1037] : memref<8x256x512xf32, #tpu.memory_space<vmem>>, vector<1x8x512xf32>
    %swap3A_1039 = vector.shape_cast %swap3A_1038 : vector<1x8x512xf32> to vector<8x512xf32>
    %swap3A_1040 = vector.shape_cast %add3A_1034 : vector<8x512xf32> to vector<1x8x512xf32>
    tpu.vector_store %arg3[%swap3A_1035, %swap3A_1036, %swap3A_1037], %swap3A_1040 {strides = array<i32>} : memref<8x256x512xf32, #tpu.memory_space<vmem>>, vector<1x8x512xf32>,
    %get3A_1041 = arith.constant 120 : index
    %get3A_1042 = arith.constant 0 : index
    %get3A_1043 = vector.load %arg1[%get3A_1041, %get3A_1042] : memref<256x512xf32, #tpu.memory_space<vmem>>, vector<8x512xf32>
    %add3A_1044 = vector.broadcast %broadcast_in_dim3A : vector<1x512xf32> to vector<8x512xf32>
    %add3A_1045 = arith.addf %get3A_1043, %add3A_1044 : vector<8x512xf32>
    %swap3A_1046 = arith.constant 0 : index
    %swap3A_1047 = arith.constant 120 : index
    %swap3A_1048 = arith.constant 0 : index
    %swap3A_1049 = vector.load %arg3[%swap3A_1046, %swap3A_1047, %swap3A_1048] : memref<8x256x512xf32, #tpu.memory_space<vmem>>, vector<1x8x512xf32>
    %swap3A_1050 = vector.shape_cast %swap3A_1049 : vector<1x8x512xf32> to vector<8x512xf32>
    %swap3A_1051 = vector.shape_cast %add3A_1045 : vector<8x512xf32> to vector<1x8x512xf32>
    tpu.vector_store %arg3[%swap3A_1046, %swap3A_1047, %swap3A_1048], %swap3A_1051 {strides = array<i32>} : memref<8x256x512xf32, #tpu.memory_space<vmem>>, vector<1x8x512xf32>,
    %add3A_1052 = vector.broadcast %broadcast_in_dim3A_7 : vector<1x512xf32> to vector<8x512xf32>
    %add3A_1053 = arith.addf %get3A_1043, %add3A_1052 : vector<8x512xf32>
    %swap3A_1054 = arith.constant 1 : index
    %swap3A_1055 = arith.constant 120 : index
    %swap3A_1056 = arith.constant 0 : index
    %swap3A_1057 = vector.load %arg3[%swap3A_1054, %swap3A_1055, %swap3A_1056] : memref<8x256x512xf32, #tpu.memory_space<vmem>>, vector<1x8x512xf32>
    %swap3A_1058 = vector.shape_cast %swap3A_1057 : vector<1x8x512xf32> to vector<8x512xf32>
    %swap3A_1059 = vector.shape_cast %add3A_1053 : vector<8x512xf32> to vector<1x8x512xf32>
    tpu.vector_store %arg3[%swap3A_1054, %swap3A_1055, %swap3A_1056], %swap3A_1059 {strides = array<i32>} : memref<8x256x512xf32, #tpu.memory_space<vmem>>, vector<1x8x512xf32>,
    %add3A_1060 = vector.broadcast %broadcast_in_dim3A_12 : vector<1x512xf32> to vector<8x512xf32>
    %add3A_1061 = arith.addf %get3A_1043, %add3A_1060 : vector<8x512xf32>
    %swap3A_1062 = arith.constant 2 : index
    %swap3A_1063 = arith.constant 120 : index
    %swap3A_1064 = arith.constant 0 : index
    %swap3A_1065 = vector.load %arg3[%swap3A_1062, %swap3A_1063, %swap3A_1064] : memref<8x256x512xf32, #tpu.memory_space<vmem>>, vector<1x8x512xf32>
    %swap3A_1066 = vector.shape_cast %swap3A_1065 : vector<1x8x512xf32> to vector<8x512xf32>
    %swap3A_1067 = vector.shape_cast %add3A_1061 : vector<8x512xf32> to vector<1x8x512xf32>
    tpu.vector_store %arg3[%swap3A_1062, %swap3A_1063, %swap3A_1064], %swap3A_1067 {strides = array<i32>} : memref<8x256x512xf32, #tpu.memory_space<vmem>>, vector<1x8x512xf32>,
    %add3A_1068 = vector.broadcast %broadcast_in_dim3A_17 : vector<1x512xf32> to vector<8x512xf32>
    %add3A_1069 = arith.addf %get3A_1043, %add3A_1068 : vector<8x512xf32>
    %swap3A_1070 = arith.constant 3 : index
    %swap3A_1071 = arith.constant 120 : index
    %swap3A_1072 = arith.constant 0 : index
    %swap3A_1073 = vector.load %arg3[%swap3A_1070, %swap3A_1071, %swap3A_1072] : memref<8x256x512xf32, #tpu.memory_space<vmem>>, vector<1x8x512xf32>
    %swap3A_1074 = vector.shape_cast %swap3A_1073 : vector<1x8x512xf32> to vector<8x512xf32>
    %swap3A_1075 = vector.shape_cast %add3A_1069 : vector<8x512xf32> to vector<1x8x512xf32>
    tpu.vector_store %arg3[%swap3A_1070, %swap3A_1071, %swap3A_1072], %swap3A_1075 {strides = array<i32>} : memref<8x256x512xf32, #tpu.memory_space<vmem>>, vector<1x8x512xf32>,
    %add3A_1076 = vector.broadcast %broadcast_in_dim3A_22 : vector<1x512xf32> to vector<8x512xf32>
    %add3A_1077 = arith.addf %get3A_1043, %add3A_1076 : vector<8x512xf32>
    %swap3A_1078 = arith.constant 4 : index
    %swap3A_1079 = arith.constant 120 : index
    %swap3A_1080 = arith.constant 0 : index
    %swap3A_1081 = vector.load %arg3[%swap3A_1078, %swap3A_1079, %swap3A_1080] : memref<8x256x512xf32, #tpu.memory_space<vmem>>, vector<1x8x512xf32>
    %swap3A_1082 = vector.shape_cast %swap3A_1081 : vector<1x8x512xf32> to vector<8x512xf32>
    %swap3A_1083 = vector.shape_cast %add3A_1077 : vector<8x512xf32> to vector<1x8x512xf32>
    tpu.vector_store %arg3[%swap3A_1078, %swap3A_1079, %swap3A_1080], %swap3A_1083 {strides = array<i32>} : memref<8x256x512xf32, #tpu.memory_space<vmem>>, vector<1x8x512xf32>,
    %add3A_1084 = vector.broadcast %broadcast_in_dim3A_27 : vector<1x512xf32> to vector<8x512xf32>
    %add3A_1085 = arith.addf %get3A_1043, %add3A_1084 : vector<8x512xf32>
    %swap3A_1086 = arith.constant 5 : index
    %swap3A_1087 = arith.constant 120 : index
    %swap3A_1088 = arith.constant 0 : index
    %swap3A_1089 = vector.load %arg3[%swap3A_1086, %swap3A_1087, %swap3A_1088] : memref<8x256x512xf32, #tpu.memory_space<vmem>>, vector<1x8x512xf32>
    %swap3A_1090 = vector.shape_cast %swap3A_1089 : vector<1x8x512xf32> to vector<8x512xf32>
    %swap3A_1091 = vector.shape_cast %add3A_1085 : vector<8x512xf32> to vector<1x8x512xf32>
    tpu.vector_store %arg3[%swap3A_1086, %swap3A_1087, %swap3A_1088], %swap3A_1091 {strides = array<i32>} : memref<8x256x512xf32, #tpu.memory_space<vmem>>, vector<1x8x512xf32>,
    %add3A_1092 = vector.broadcast %broadcast_in_dim3A_32 : vector<1x512xf32> to vector<8x512xf32>
    %add3A_1093 = arith.addf %get3A_1043, %add3A_1092 : vector<8x512xf32>
    %swap3A_1094 = arith.constant 6 : index
    %swap3A_1095 = arith.constant 120 : index
    %swap3A_1096 = arith.constant 0 : index
    %swap3A_1097 = vector.load %arg3[%swap3A_1094, %swap3A_1095, %swap3A_1096] : memref<8x256x512xf32, #tpu.memory_space<vmem>>, vector<1x8x512xf32>
    %swap3A_1098 = vector.shape_cast %swap3A_1097 : vector<1x8x512xf32> to vector<8x512xf32>
    %swap3A_1099 = vector.shape_cast %add3A_1093 : vector<8x512xf32> to vector<1x8x512xf32>
    tpu.vector_store %arg3[%swap3A_1094, %swap3A_1095, %swap3A_1096], %swap3A_1099 {strides = array<i32>} : memref<8x256x512xf32, #tpu.memory_space<vmem>>, vector<1x8x512xf32>,
    %add3A_1100 = vector.broadcast %broadcast_in_dim3A_37 : vector<1x512xf32> to vector<8x512xf32>
    %add3A_1101 = arith.addf %get3A_1043, %add3A_1100 : vector<8x512xf32>
    %swap3A_1102 = arith.constant 7 : index
    %swap3A_1103 = arith.constant 120 : index
    %swap3A_1104 = arith.constant 0 : index
    %swap3A_1105 = vector.load %arg3[%swap3A_1102, %swap3A_1103, %swap3A_1104] : memref<8x256x512xf32, #tpu.memory_space<vmem>>, vector<1x8x512xf32>
    %swap3A_1106 = vector.shape_cast %swap3A_1105 : vector<1x8x512xf32> to vector<8x512xf32>
    %swap3A_1107 = vector.shape_cast %add3A_1101 : vector<8x512xf32> to vector<1x8x512xf32>
    tpu.vector_store %arg3[%swap3A_1102, %swap3A_1103, %swap3A_1104], %swap3A_1107 {strides = array<i32>} : memref<8x256x512xf32, #tpu.memory_space<vmem>>, vector<1x8x512xf32>,
    %get3A_1108 = arith.constant 128 : index
    %get3A_1109 = arith.constant 0 : index
    %get3A_1110 = vector.load %arg1[%get3A_1108, %get3A_1109] : memref<256x512xf32, #tpu.memory_space<vmem>>, vector<8x512xf32>
    %add3A_1111 = vector.broadcast %broadcast_in_dim3A : vector<1x512xf32> to vector<8x512xf32>
    %add3A_1112 = arith.addf %get3A_1110, %add3A_1111 : vector<8x512xf32>
    %swap3A_1113 = arith.constant 0 : index
    %swap3A_1114 = arith.constant 128 : index
    %swap3A_1115 = arith.constant 0 : index
    %swap3A_1116 = vector.load %arg3[%swap3A_1113, %swap3A_1114, %swap3A_1115] : memref<8x256x512xf32, #tpu.memory_space<vmem>>, vector<1x8x512xf32>
    %swap3A_1117 = vector.shape_cast %swap3A_1116 : vector<1x8x512xf32> to vector<8x512xf32>
    %swap3A_1118 = vector.shape_cast %add3A_1112 : vector<8x512xf32> to vector<1x8x512xf32>
    tpu.vector_store %arg3[%swap3A_1113, %swap3A_1114, %swap3A_1115], %swap3A_1118 {strides = array<i32>} : memref<8x256x512xf32, #tpu.memory_space<vmem>>, vector<1x8x512xf32>,
    %add3A_1119 = vector.broadcast %broadcast_in_dim3A_7 : vector<1x512xf32> to vector<8x512xf32>
    %add3A_1120 = arith.addf %get3A_1110, %add3A_1119 : vector<8x512xf32>
    %swap3A_1121 = arith.constant 1 : index
    %swap3A_1122 = arith.constant 128 : index
    %swap3A_1123 = arith.constant 0 : index
    %swap3A_1124 = vector.load %arg3[%swap3A_1121, %swap3A_1122, %swap3A_1123] : memref<8x256x512xf32, #tpu.memory_space<vmem>>, vector<1x8x512xf32>
    %swap3A_1125 = vector.shape_cast %swap3A_1124 : vector<1x8x512xf32> to vector<8x512xf32>
    %swap3A_1126 = vector.shape_cast %add3A_1120 : vector<8x512xf32> to vector<1x8x512xf32>
    tpu.vector_store %arg3[%swap3A_1121, %swap3A_1122, %swap3A_1123], %swap3A_1126 {strides = array<i32>} : memref<8x256x512xf32, #tpu.memory_space<vmem>>, vector<1x8x512xf32>,
    %add3A_1127 = vector.broadcast %broadcast_in_dim3A_12 : vector<1x512xf32> to vector<8x512xf32>
    %add3A_1128 = arith.addf %get3A_1110, %add3A_1127 : vector<8x512xf32>
    %swap3A_1129 = arith.constant 2 : index
    %swap3A_1130 = arith.constant 128 : index
    %swap3A_1131 = arith.constant 0 : index
    %swap3A_1132 = vector.load %arg3[%swap3A_1129, %swap3A_1130, %swap3A_1131] : memref<8x256x512xf32, #tpu.memory_space<vmem>>, vector<1x8x512xf32>
    %swap3A_1133 = vector.shape_cast %swap3A_1132 : vector<1x8x512xf32> to vector<8x512xf32>
    %swap3A_1134 = vector.shape_cast %add3A_1128 : vector<8x512xf32> to vector<1x8x512xf32>
    tpu.vector_store %arg3[%swap3A_1129, %swap3A_1130, %swap3A_1131], %swap3A_1134 {strides = array<i32>} : memref<8x256x512xf32, #tpu.memory_space<vmem>>, vector<1x8x512xf32>,
    %add3A_1135 = vector.broadcast %broadcast_in_dim3A_17 : vector<1x512xf32> to vector<8x512xf32>
    %add3A_1136 = arith.addf %get3A_1110, %add3A_1135 : vector<8x512xf32>
    %swap3A_1137 = arith.constant 3 : index
    %swap3A_1138 = arith.constant 128 : index
    %swap3A_1139 = arith.constant 0 : index
    %swap3A_1140 = vector.load %arg3[%swap3A_1137, %swap3A_1138, %swap3A_1139] : memref<8x256x512xf32, #tpu.memory_space<vmem>>, vector<1x8x512xf32>
    %swap3A_1141 = vector.shape_cast %swap3A_1140 : vector<1x8x512xf32> to vector<8x512xf32>
    %swap3A_1142 = vector.shape_cast %add3A_1136 : vector<8x512xf32> to vector<1x8x512xf32>
    tpu.vector_store %arg3[%swap3A_1137, %swap3A_1138, %swap3A_1139], %swap3A_1142 {strides = array<i32>} : memref<8x256x512xf32, #tpu.memory_space<vmem>>, vector<1x8x512xf32>,
    %add3A_1143 = vector.broadcast %broadcast_in_dim3A_22 : vector<1x512xf32> to vector<8x512xf32>
    %add3A_1144 = arith.addf %get3A_1110, %add3A_1143 : vector<8x512xf32>
    %swap3A_1145 = arith.constant 4 : index
    %swap3A_1146 = arith.constant 128 : index
    %swap3A_1147 = arith.constant 0 : index
    %swap3A_1148 = vector.load %arg3[%swap3A_1145, %swap3A_1146, %swap3A_1147] : memref<8x256x512xf32, #tpu.memory_space<vmem>>, vector<1x8x512xf32>
    %swap3A_1149 = vector.shape_cast %swap3A_1148 : vector<1x8x512xf32> to vector<8x512xf32>
    %swap3A_1150 = vector.shape_cast %add3A_1144 : vector<8x512xf32> to vector<1x8x512xf32>
    tpu.vector_store %arg3[%swap3A_1145, %swap3A_1146, %swap3A_1147], %swap3A_1150 {strides = array<i32>} : memref<8x256x512xf32, #tpu.memory_space<vmem>>, vector<1x8x512xf32>,
    %add3A_1151 = vector.broadcast %broadcast_in_dim3A_27 : vector<1x512xf32> to vector<8x512xf32>
    %add3A_1152 = arith.addf %get3A_1110, %add3A_1151 : vector<8x512xf32>
    %swap3A_1153 = arith.constant 5 : index
    %swap3A_1154 = arith.constant 128 : index
    %swap3A_1155 = arith.constant 0 : index
    %swap3A_1156 = vector.load %arg3[%swap3A_1153, %swap3A_1154, %swap3A_1155] : memref<8x256x512xf32, #tpu.memory_space<vmem>>, vector<1x8x512xf32>
    %swap3A_1157 = vector.shape_cast %swap3A_1156 : vector<1x8x512xf32> to vector<8x512xf32>
    %swap3A_1158 = vector.shape_cast %add3A_1152 : vector<8x512xf32> to vector<1x8x512xf32>
    tpu.vector_store %arg3[%swap3A_1153, %swap3A_1154, %swap3A_1155], %swap3A_1158 {strides = array<i32>} : memref<8x256x512xf32, #tpu.memory_space<vmem>>, vector<1x8x512xf32>,
    %add3A_1159 = vector.broadcast %broadcast_in_dim3A_32 : vector<1x512xf32> to vector<8x512xf32>
    %add3A_1160 = arith.addf %get3A_1110, %add3A_1159 : vector<8x512xf32>
    %swap3A_1161 = arith.constant 6 : index
    %swap3A_1162 = arith.constant 128 : index
    %swap3A_1163 = arith.constant 0 : index
    %swap3A_1164 = vector.load %arg3[%swap3A_1161, %swap3A_1162, %swap3A_1163] : memref<8x256x512xf32, #tpu.memory_space<vmem>>, vector<1x8x512xf32>
    %swap3A_1165 = vector.shape_cast %swap3A_1164 : vector<1x8x512xf32> to vector<8x512xf32>
    %swap3A_1166 = vector.shape_cast %add3A_1160 : vector<8x512xf32> to vector<1x8x512xf32>
    tpu.vector_store %arg3[%swap3A_1161, %swap3A_1162, %swap3A_1163], %swap3A_1166 {strides = array<i32>} : memref<8x256x512xf32, #tpu.memory_space<vmem>>, vector<1x8x512xf32>,
    %add3A_1167 = vector.broadcast %broadcast_in_dim3A_37 : vector<1x512xf32> to vector<8x512xf32>
    %add3A_1168 = arith.addf %get3A_1110, %add3A_1167 : vector<8x512xf32>
    %swap3A_1169 = arith.constant 7 : index
    %swap3A_1170 = arith.constant 128 : index
    %swap3A_1171 = arith.constant 0 : index
    %swap3A_1172 = vector.load %arg3[%swap3A_1169, %swap3A_1170, %swap3A_1171] : memref<8x256x512xf32, #tpu.memory_space<vmem>>, vector<1x8x512xf32>
    %swap3A_1173 = vector.shape_cast %swap3A_1172 : vector<1x8x512xf32> to vector<8x512xf32>
    %swap3A_1174 = vector.shape_cast %add3A_1168 : vector<8x512xf32> to vector<1x8x512xf32>
    tpu.vector_store %arg3[%swap3A_1169, %swap3A_1170, %swap3A_1171], %swap3A_1174 {strides = array<i32>} : memref<8x256x512xf32, #tpu.memory_space<vmem>>, vector<1x8x512xf32>,
    %get3A_1175 = arith.constant 136 : index
    %get3A_1176 = arith.constant 0 : index
    %get3A_1177 = vector.load %arg1[%get3A_1175, %get3A_1176] : memref<256x512xf32, #tpu.memory_space<vmem>>, vector<8x512xf32>
    %add3A_1178 = vector.broadcast %broadcast_in_dim3A : vector<1x512xf32> to vector<8x512xf32>
    %add3A_1179 = arith.addf %get3A_1177, %add3A_1178 : vector<8x512xf32>
    %swap3A_1180 = arith.constant 0 : index
    %swap3A_1181 = arith.constant 136 : index
    %swap3A_1182 = arith.constant 0 : index
    %swap3A_1183 = vector.load %arg3[%swap3A_1180, %swap3A_1181, %swap3A_1182] : memref<8x256x512xf32, #tpu.memory_space<vmem>>, vector<1x8x512xf32>
    %swap3A_1184 = vector.shape_cast %swap3A_1183 : vector<1x8x512xf32> to vector<8x512xf32>
    %swap3A_1185 = vector.shape_cast %add3A_1179 : vector<8x512xf32> to vector<1x8x512xf32>
    tpu.vector_store %arg3[%swap3A_1180, %swap3A_1181, %swap3A_1182], %swap3A_1185 {strides = array<i32>} : memref<8x256x512xf32, #tpu.memory_space<vmem>>, vector<1x8x512xf32>,
    %add3A_1186 = vector.broadcast %broadcast_in_dim3A_7 : vector<1x512xf32> to vector<8x512xf32>
    %add3A_1187 = arith.addf %get3A_1177, %add3A_1186 : vector<8x512xf32>
    %swap3A_1188 = arith.constant 1 : index
    %swap3A_1189 = arith.constant 136 : index
    %swap3A_1190 = arith.constant 0 : index
    %swap3A_1191 = vector.load %arg3[%swap3A_1188, %swap3A_1189, %swap3A_1190] : memref<8x256x512xf32, #tpu.memory_space<vmem>>, vector<1x8x512xf32>
    %swap3A_1192 = vector.shape_cast %swap3A_1191 : vector<1x8x512xf32> to vector<8x512xf32>
    %swap3A_1193 = vector.shape_cast %add3A_1187 : vector<8x512xf32> to vector<1x8x512xf32>
    tpu.vector_store %arg3[%swap3A_1188, %swap3A_1189, %swap3A_1190], %swap3A_1193 {strides = array<i32>} : memref<8x256x512xf32, #tpu.memory_space<vmem>>, vector<1x8x512xf32>,
    %add3A_1194 = vector.broadcast %broadcast_in_dim3A_12 : vector<1x512xf32> to vector<8x512xf32>
    %add3A_1195 = arith.addf %get3A_1177, %add3A_1194 : vector<8x512xf32>
    %swap3A_1196 = arith.constant 2 : index
    %swap3A_1197 = arith.constant 136 : index
    %swap3A_1198 = arith.constant 0 : index
    %swap3A_1199 = vector.load %arg3[%swap3A_1196, %swap3A_1197, %swap3A_1198] : memref<8x256x512xf32, #tpu.memory_space<vmem>>, vector<1x8x512xf32>
    %swap3A_1200 = vector.shape_cast %swap3A_1199 : vector<1x8x512xf32> to vector<8x512xf32>
    %swap3A_1201 = vector.shape_cast %add3A_1195 : vector<8x512xf32> to vector<1x8x512xf32>
    tpu.vector_store %arg3[%swap3A_1196, %swap3A_1197, %swap3A_1198], %swap3A_1201 {strides = array<i32>} : memref<8x256x512xf32, #tpu.memory_space<vmem>>, vector<1x8x512xf32>,
    %add3A_1202 = vector.broadcast %broadcast_in_dim3A_17 : vector<1x512xf32> to vector<8x512xf32>
    %add3A_1203 = arith.addf %get3A_1177, %add3A_1202 : vector<8x512xf32>
    %swap3A_1204 = arith.constant 3 : index
    %swap3A_1205 = arith.constant 136 : index
    %swap3A_1206 = arith.constant 0 : index
    %swap3A_1207 = vector.load %arg3[%swap3A_1204, %swap3A_1205, %swap3A_1206] : memref<8x256x512xf32, #tpu.memory_space<vmem>>, vector<1x8x512xf32>
    %swap3A_1208 = vector.shape_cast %swap3A_1207 : vector<1x8x512xf32> to vector<8x512xf32>
    %swap3A_1209 = vector.shape_cast %add3A_1203 : vector<8x512xf32> to vector<1x8x512xf32>
    tpu.vector_store %arg3[%swap3A_1204, %swap3A_1205, %swap3A_1206], %swap3A_1209 {strides = array<i32>} : memref<8x256x512xf32, #tpu.memory_space<vmem>>, vector<1x8x512xf32>,
    %add3A_1210 = vector.broadcast %broadcast_in_dim3A_22 : vector<1x512xf32> to vector<8x512xf32>
    %add3A_1211 = arith.addf %get3A_1177, %add3A_1210 : vector<8x512xf32>
    %swap3A_1212 = arith.constant 4 : index
    %swap3A_1213 = arith.constant 136 : index
    %swap3A_1214 = arith.constant 0 : index
    %swap3A_1215 = vector.load %arg3[%swap3A_1212, %swap3A_1213, %swap3A_1214] : memref<8x256x512xf32, #tpu.memory_space<vmem>>, vector<1x8x512xf32>
    %swap3A_1216 = vector.shape_cast %swap3A_1215 : vector<1x8x512xf32> to vector<8x512xf32>
    %swap3A_1217 = vector.shape_cast %add3A_1211 : vector<8x512xf32> to vector<1x8x512xf32>
    tpu.vector_store %arg3[%swap3A_1212, %swap3A_1213, %swap3A_1214], %swap3A_1217 {strides = array<i32>} : memref<8x256x512xf32, #tpu.memory_space<vmem>>, vector<1x8x512xf32>,
    %add3A_1218 = vector.broadcast %broadcast_in_dim3A_27 : vector<1x512xf32> to vector<8x512xf32>
    %add3A_1219 = arith.addf %get3A_1177, %add3A_1218 : vector<8x512xf32>
    %swap3A_1220 = arith.constant 5 : index
    %swap3A_1221 = arith.constant 136 : index
    %swap3A_1222 = arith.constant 0 : index
    %swap3A_1223 = vector.load %arg3[%swap3A_1220, %swap3A_1221, %swap3A_1222] : memref<8x256x512xf32, #tpu.memory_space<vmem>>, vector<1x8x512xf32>
    %swap3A_1224 = vector.shape_cast %swap3A_1223 : vector<1x8x512xf32> to vector<8x512xf32>
    %swap3A_1225 = vector.shape_cast %add3A_1219 : vector<8x512xf32> to vector<1x8x512xf32>
    tpu.vector_store %arg3[%swap3A_1220, %swap3A_1221, %swap3A_1222], %swap3A_1225 {strides = array<i32>} : memref<8x256x512xf32, #tpu.memory_space<vmem>>, vector<1x8x512xf32>,
    %add3A_1226 = vector.broadcast %broadcast_in_dim3A_32 : vector<1x512xf32> to vector<8x512xf32>
    %add3A_1227 = arith.addf %get3A_1177, %add3A_1226 : vector<8x512xf32>
    %swap3A_1228 = arith.constant 6 : index
    %swap3A_1229 = arith.constant 136 : index
    %swap3A_1230 = arith.constant 0 : index
    %swap3A_1231 = vector.load %arg3[%swap3A_1228, %swap3A_1229, %swap3A_1230] : memref<8x256x512xf32, #tpu.memory_space<vmem>>, vector<1x8x512xf32>
    %swap3A_1232 = vector.shape_cast %swap3A_1231 : vector<1x8x512xf32> to vector<8x512xf32>
    %swap3A_1233 = vector.shape_cast %add3A_1227 : vector<8x512xf32> to vector<1x8x512xf32>
    tpu.vector_store %arg3[%swap3A_1228, %swap3A_1229, %swap3A_1230], %swap3A_1233 {strides = array<i32>} : memref<8x256x512xf32, #tpu.memory_space<vmem>>, vector<1x8x512xf32>,
    %add3A_1234 = vector.broadcast %broadcast_in_dim3A_37 : vector<1x512xf32> to vector<8x512xf32>
    %add3A_1235 = arith.addf %get3A_1177, %add3A_1234 : vector<8x512xf32>
    %swap3A_1236 = arith.constant 7 : index
    %swap3A_1237 = arith.constant 136 : index
    %swap3A_1238 = arith.constant 0 : index
    %swap3A_1239 = vector.load %arg3[%swap3A_1236, %swap3A_1237, %swap3A_1238] : memref<8x256x512xf32, #tpu.memory_space<vmem>>, vector<1x8x512xf32>
    %swap3A_1240 = vector.shape_cast %swap3A_1239 : vector<1x8x512xf32> to vector<8x512xf32>
    %swap3A_1241 = vector.shape_cast %add3A_1235 : vector<8x512xf32> to vector<1x8x512xf32>
    tpu.vector_store %arg3[%swap3A_1236, %swap3A_1237, %swap3A_1238], %swap3A_1241 {strides = array<i32>} : memref<8x256x512xf32, #tpu.memory_space<vmem>>, vector<1x8x512xf32>,
    %get3A_1242 = arith.constant 144 : index
    %get3A_1243 = arith.constant 0 : index
    %get3A_1244 = vector.load %arg1[%get3A_1242, %get3A_1243] : memref<256x512xf32, #tpu.memory_space<vmem>>, vector<8x512xf32>
    %add3A_1245 = vector.broadcast %broadcast_in_dim3A : vector<1x512xf32> to vector<8x512xf32>
    %add3A_1246 = arith.addf %get3A_1244, %add3A_1245 : vector<8x512xf32>
    %swap3A_1247 = arith.constant 0 : index
    %swap3A_1248 = arith.constant 144 : index
    %swap3A_1249 = arith.constant 0 : index
    %swap3A_1250 = vector.load %arg3[%swap3A_1247, %swap3A_1248, %swap3A_1249] : memref<8x256x512xf32, #tpu.memory_space<vmem>>, vector<1x8x512xf32>
    %swap3A_1251 = vector.shape_cast %swap3A_1250 : vector<1x8x512xf32> to vector<8x512xf32>
    %swap3A_1252 = vector.shape_cast %add3A_1246 : vector<8x512xf32> to vector<1x8x512xf32>
    tpu.vector_store %arg3[%swap3A_1247, %swap3A_1248, %swap3A_1249], %swap3A_1252 {strides = array<i32>} : memref<8x256x512xf32, #tpu.memory_space<vmem>>, vector<1x8x512xf32>,
    %add3A_1253 = vector.broadcast %broadcast_in_dim3A_7 : vector<1x512xf32> to vector<8x512xf32>
    %add3A_1254 = arith.addf %get3A_1244, %add3A_1253 : vector<8x512xf32>
    %swap3A_1255 = arith.constant 1 : index
    %swap3A_1256 = arith.constant 144 : index
    %swap3A_1257 = arith.constant 0 : index
    %swap3A_1258 = vector.load %arg3[%swap3A_1255, %swap3A_1256, %swap3A_1257] : memref<8x256x512xf32, #tpu.memory_space<vmem>>, vector<1x8x512xf32>
    %swap3A_1259 = vector.shape_cast %swap3A_1258 : vector<1x8x512xf32> to vector<8x512xf32>
    %swap3A_1260 = vector.shape_cast %add3A_1254 : vector<8x512xf32> to vector<1x8x512xf32>
    tpu.vector_store %arg3[%swap3A_1255, %swap3A_1256, %swap3A_1257], %swap3A_1260 {strides = array<i32>} : memref<8x256x512xf32, #tpu.memory_space<vmem>>, vector<1x8x512xf32>,
    %add3A_1261 = vector.broadcast %broadcast_in_dim3A_12 : vector<1x512xf32> to vector<8x512xf32>
    %add3A_1262 = arith.addf %get3A_1244, %add3A_1261 : vector<8x512xf32>
    %swap3A_1263 = arith.constant 2 : index
    %swap3A_1264 = arith.constant 144 : index
    %swap3A_1265 = arith.constant 0 : index
    %swap3A_1266 = vector.load %arg3[%swap3A_1263, %swap3A_1264, %swap3A_1265] : memref<8x256x512xf32, #tpu.memory_space<vmem>>, vector<1x8x512xf32>
    %swap3A_1267 = vector.shape_cast %swap3A_1266 : vector<1x8x512xf32> to vector<8x512xf32>
    %swap3A_1268 = vector.shape_cast %add3A_1262 : vector<8x512xf32> to vector<1x8x512xf32>
    tpu.vector_store %arg3[%swap3A_1263, %swap3A_1264, %swap3A_1265], %swap3A_1268 {strides = array<i32>} : memref<8x256x512xf32, #tpu.memory_space<vmem>>, vector<1x8x512xf32>,
    %add3A_1269 = vector.broadcast %broadcast_in_dim3A_17 : vector<1x512xf32> to vector<8x512xf32>
    %add3A_1270 = arith.addf %get3A_1244, %add3A_1269 : vector<8x512xf32>
    %swap3A_1271 = arith.constant 3 : index
    %swap3A_1272 = arith.constant 144 : index
    %swap3A_1273 = arith.constant 0 : index
    %swap3A_1274 = vector.load %arg3[%swap3A_1271, %swap3A_1272, %swap3A_1273] : memref<8x256x512xf32, #tpu.memory_space<vmem>>, vector<1x8x512xf32>
    %swap3A_1275 = vector.shape_cast %swap3A_1274 : vector<1x8x512xf32> to vector<8x512xf32>
    %swap3A_1276 = vector.shape_cast %add3A_1270 : vector<8x512xf32> to vector<1x8x512xf32>
    tpu.vector_store %arg3[%swap3A_1271, %swap3A_1272, %swap3A_1273], %swap3A_1276 {strides = array<i32>} : memref<8x256x512xf32, #tpu.memory_space<vmem>>, vector<1x8x512xf32>,
    %add3A_1277 = vector.broadcast %broadcast_in_dim3A_22 : vector<1x512xf32> to vector<8x512xf32>
    %add3A_1278 = arith.addf %get3A_1244, %add3A_1277 : vector<8x512xf32>
    %swap3A_1279 = arith.constant 4 : index
    %swap3A_1280 = arith.constant 144 : index
    %swap3A_1281 = arith.constant 0 : index
    %swap3A_1282 = vector.load %arg3[%swap3A_1279, %swap3A_1280, %swap3A_1281] : memref<8x256x512xf32, #tpu.memory_space<vmem>>, vector<1x8x512xf32>
    %swap3A_1283 = vector.shape_cast %swap3A_1282 : vector<1x8x512xf32> to vector<8x512xf32>
    %swap3A_1284 = vector.shape_cast %add3A_1278 : vector<8x512xf32> to vector<1x8x512xf32>
    tpu.vector_store %arg3[%swap3A_1279, %swap3A_1280, %swap3A_1281], %swap3A_1284 {strides = array<i32>} : memref<8x256x512xf32, #tpu.memory_space<vmem>>, vector<1x8x512xf32>,
    %add3A_1285 = vector.broadcast %broadcast_in_dim3A_27 : vector<1x512xf32> to vector<8x512xf32>
    %add3A_1286 = arith.addf %get3A_1244, %add3A_1285 : vector<8x512xf32>
    %swap3A_1287 = arith.constant 5 : index
    %swap3A_1288 = arith.constant 144 : index
    %swap3A_1289 = arith.constant 0 : index
    %swap3A_1290 = vector.load %arg3[%swap3A_1287, %swap3A_1288, %swap3A_1289] : memref<8x256x512xf32, #tpu.memory_space<vmem>>, vector<1x8x512xf32>
    %swap3A_1291 = vector.shape_cast %swap3A_1290 : vector<1x8x512xf32> to vector<8x512xf32>
    %swap3A_1292 = vector.shape_cast %add3A_1286 : vector<8x512xf32> to vector<1x8x512xf32>
    tpu.vector_store %arg3[%swap3A_1287, %swap3A_1288, %swap3A_1289], %swap3A_1292 {strides = array<i32>} : memref<8x256x512xf32, #tpu.memory_space<vmem>>, vector<1x8x512xf32>,
    %add3A_1293 = vector.broadcast %broadcast_in_dim3A_32 : vector<1x512xf32> to vector<8x512xf32>
    %add3A_1294 = arith.addf %get3A_1244, %add3A_1293 : vector<8x512xf32>
    %swap3A_1295 = arith.constant 6 : index
    %swap3A_1296 = arith.constant 144 : index
    %swap3A_1297 = arith.constant 0 : index
    %swap3A_1298 = vector.load %arg3[%swap3A_1295, %swap3A_1296, %swap3A_1297] : memref<8x256x512xf32, #tpu.memory_space<vmem>>, vector<1x8x512xf32>
    %swap3A_1299 = vector.shape_cast %swap3A_1298 : vector<1x8x512xf32> to vector<8x512xf32>
    %swap3A_1300 = vector.shape_cast %add3A_1294 : vector<8x512xf32> to vector<1x8x512xf32>
    tpu.vector_store %arg3[%swap3A_1295, %swap3A_1296, %swap3A_1297], %swap3A_1300 {strides = array<i32>} : memref<8x256x512xf32, #tpu.memory_space<vmem>>, vector<1x8x512xf32>,
    %add3A_1301 = vector.broadcast %broadcast_in_dim3A_37 : vector<1x512xf32> to vector<8x512xf32>
    %add3A_1302 = arith.addf %get3A_1244, %add3A_1301 : vector<8x512xf32>
    %swap3A_1303 = arith.constant 7 : index
    %swap3A_1304 = arith.constant 144 : index
    %swap3A_1305 = arith.constant 0 : index
    %swap3A_1306 = vector.load %arg3[%swap3A_1303, %swap3A_1304, %swap3A_1305] : memref<8x256x512xf32, #tpu.memory_space<vmem>>, vector<1x8x512xf32>
    %swap3A_1307 = vector.shape_cast %swap3A_1306 : vector<1x8x512xf32> to vector<8x512xf32>
    %swap3A_1308 = vector.shape_cast %add3A_1302 : vector<8x512xf32> to vector<1x8x512xf32>
    tpu.vector_store %arg3[%swap3A_1303, %swap3A_1304, %swap3A_1305], %swap3A_1308 {strides = array<i32>} : memref<8x256x512xf32, #tpu.memory_space<vmem>>, vector<1x8x512xf32>,
    %get3A_1309 = arith.constant 152 : index
    %get3A_1310 = arith.constant 0 : index
    %get3A_1311 = vector.load %arg1[%get3A_1309, %get3A_1310] : memref<256x512xf32, #tpu.memory_space<vmem>>, vector<8x512xf32>
    %add3A_1312 = vector.broadcast %broadcast_in_dim3A : vector<1x512xf32> to vector<8x512xf32>
    %add3A_1313 = arith.addf %get3A_1311, %add3A_1312 : vector<8x512xf32>
    %swap3A_1314 = arith.constant 0 : index
    %swap3A_1315 = arith.constant 152 : index
    %swap3A_1316 = arith.constant 0 : index
    %swap3A_1317 = vector.load %arg3[%swap3A_1314, %swap3A_1315, %swap3A_1316] : memref<8x256x512xf32, #tpu.memory_space<vmem>>, vector<1x8x512xf32>
    %swap3A_1318 = vector.shape_cast %swap3A_1317 : vector<1x8x512xf32> to vector<8x512xf32>
    %swap3A_1319 = vector.shape_cast %add3A_1313 : vector<8x512xf32> to vector<1x8x512xf32>
    tpu.vector_store %arg3[%swap3A_1314, %swap3A_1315, %swap3A_1316], %swap3A_1319 {strides = array<i32>} : memref<8x256x512xf32, #tpu.memory_space<vmem>>, vector<1x8x512xf32>,
    %add3A_1320 = vector.broadcast %broadcast_in_dim3A_7 : vector<1x512xf32> to vector<8x512xf32>
    %add3A_1321 = arith.addf %get3A_1311, %add3A_1320 : vector<8x512xf32>
    %swap3A_1322 = arith.constant 1 : index
    %swap3A_1323 = arith.constant 152 : index
    %swap3A_1324 = arith.constant 0 : index
    %swap3A_1325 = vector.load %arg3[%swap3A_1322, %swap3A_1323, %swap3A_1324] : memref<8x256x512xf32, #tpu.memory_space<vmem>>, vector<1x8x512xf32>
    %swap3A_1326 = vector.shape_cast %swap3A_1325 : vector<1x8x512xf32> to vector<8x512xf32>
    %swap3A_1327 = vector.shape_cast %add3A_1321 : vector<8x512xf32> to vector<1x8x512xf32>
    tpu.vector_store %arg3[%swap3A_1322, %swap3A_1323, %swap3A_1324], %swap3A_1327 {strides = array<i32>} : memref<8x256x512xf32, #tpu.memory_space<vmem>>, vector<1x8x512xf32>,
    %add3A_1328 = vector.broadcast %broadcast_in_dim3A_12 : vector<1x512xf32> to vector<8x512xf32>
    %add3A_1329 = arith.addf %get3A_1311, %add3A_1328 : vector<8x512xf32>
    %swap3A_1330 = arith.constant 2 : index
    %swap3A_1331 = arith.constant 152 : index
    %swap3A_1332 = arith.constant 0 : index
    %swap3A_1333 = vector.load %arg3[%swap3A_1330, %swap3A_1331, %swap3A_1332] : memref<8x256x512xf32, #tpu.memory_space<vmem>>, vector<1x8x512xf32>
    %swap3A_1334 = vector.shape_cast %swap3A_1333 : vector<1x8x512xf32> to vector<8x512xf32>
    %swap3A_1335 = vector.shape_cast %add3A_1329 : vector<8x512xf32> to vector<1x8x512xf32>
    tpu.vector_store %arg3[%swap3A_1330, %swap3A_1331, %swap3A_1332], %swap3A_1335 {strides = array<i32>} : memref<8x256x512xf32, #tpu.memory_space<vmem>>, vector<1x8x512xf32>,
    %add3A_1336 = vector.broadcast %broadcast_in_dim3A_17 : vector<1x512xf32> to vector<8x512xf32>
    %add3A_1337 = arith.addf %get3A_1311, %add3A_1336 : vector<8x512xf32>
    %swap3A_1338 = arith.constant 3 : index
    %swap3A_1339 = arith.constant 152 : index
    %swap3A_1340 = arith.constant 0 : index
    %swap3A_1341 = vector.load %arg3[%swap3A_1338, %swap3A_1339, %swap3A_1340] : memref<8x256x512xf32, #tpu.memory_space<vmem>>, vector<1x8x512xf32>
    %swap3A_1342 = vector.shape_cast %swap3A_1341 : vector<1x8x512xf32> to vector<8x512xf32>
    %swap3A_1343 = vector.shape_cast %add3A_1337 : vector<8x512xf32> to vector<1x8x512xf32>
    tpu.vector_store %arg3[%swap3A_1338, %swap3A_1339, %swap3A_1340], %swap3A_1343 {strides = array<i32>} : memref<8x256x512xf32, #tpu.memory_space<vmem>>, vector<1x8x512xf32>,
    %add3A_1344 = vector.broadcast %broadcast_in_dim3A_22 : vector<1x512xf32> to vector<8x512xf32>
    %add3A_1345 = arith.addf %get3A_1311, %add3A_1344 : vector<8x512xf32>
    %swap3A_1346 = arith.constant 4 : index
    %swap3A_1347 = arith.constant 152 : index
    %swap3A_1348 = arith.constant 0 : index
    %swap3A_1349 = vector.load %arg3[%swap3A_1346, %swap3A_1347, %swap3A_1348] : memref<8x256x512xf32, #tpu.memory_space<vmem>>, vector<1x8x512xf32>
    %swap3A_1350 = vector.shape_cast %swap3A_1349 : vector<1x8x512xf32> to vector<8x512xf32>
    %swap3A_1351 = vector.shape_cast %add3A_1345 : vector<8x512xf32> to vector<1x8x512xf32>
    tpu.vector_store %arg3[%swap3A_1346, %swap3A_1347, %swap3A_1348], %swap3A_1351 {strides = array<i32>} : memref<8x256x512xf32, #tpu.memory_space<vmem>>, vector<1x8x512xf32>,
    %add3A_1352 = vector.broadcast %broadcast_in_dim3A_27 : vector<1x512xf32> to vector<8x512xf32>
    %add3A_1353 = arith.addf %get3A_1311, %add3A_1352 : vector<8x512xf32>
    %swap3A_1354 = arith.constant 5 : index
    %swap3A_1355 = arith.constant 152 : index
    %swap3A_1356 = arith.constant 0 : index
    %swap3A_1357 = vector.load %arg3[%swap3A_1354, %swap3A_1355, %swap3A_1356] : memref<8x256x512xf32, #tpu.memory_space<vmem>>, vector<1x8x512xf32>
    %swap3A_1358 = vector.shape_cast %swap3A_1357 : vector<1x8x512xf32> to vector<8x512xf32>
    %swap3A_1359 = vector.shape_cast %add3A_1353 : vector<8x512xf32> to vector<1x8x512xf32>
    tpu.vector_store %arg3[%swap3A_1354, %swap3A_1355, %swap3A_1356], %swap3A_1359 {strides = array<i32>} : memref<8x256x512xf32, #tpu.memory_space<vmem>>, vector<1x8x512xf32>,
    %add3A_1360 = vector.broadcast %broadcast_in_dim3A_32 : vector<1x512xf32> to vector<8x512xf32>
    %add3A_1361 = arith.addf %get3A_1311, %add3A_1360 : vector<8x512xf32>
    %swap3A_1362 = arith.constant 6 : index
    %swap3A_1363 = arith.constant 152 : index
    %swap3A_1364 = arith.constant 0 : index
    %swap3A_1365 = vector.load %arg3[%swap3A_1362, %swap3A_1363, %swap3A_1364] : memref<8x256x512xf32, #tpu.memory_space<vmem>>, vector<1x8x512xf32>
    %swap3A_1366 = vector.shape_cast %swap3A_1365 : vector<1x8x512xf32> to vector<8x512xf32>
    %swap3A_1367 = vector.shape_cast %add3A_1361 : vector<8x512xf32> to vector<1x8x512xf32>
    tpu.vector_store %arg3[%swap3A_1362, %swap3A_1363, %swap3A_1364], %swap3A_1367 {strides = array<i32>} : memref<8x256x512xf32, #tpu.memory_space<vmem>>, vector<1x8x512xf32>,
    %add3A_1368 = vector.broadcast %broadcast_in_dim3A_37 : vector<1x512xf32> to vector<8x512xf32>
    %add3A_1369 = arith.addf %get3A_1311, %add3A_1368 : vector<8x512xf32>
    %swap3A_1370 = arith.constant 7 : index
    %swap3A_1371 = arith.constant 152 : index
    %swap3A_1372 = arith.constant 0 : index
    %swap3A_1373 = vector.load %arg3[%swap3A_1370, %swap3A_1371, %swap3A_1372] : memref<8x256x512xf32, #tpu.memory_space<vmem>>, vector<1x8x512xf32>
    %swap3A_1374 = vector.shape_cast %swap3A_1373 : vector<1x8x512xf32> to vector<8x512xf32>
    %swap3A_1375 = vector.shape_cast %add3A_1369 : vector<8x512xf32> to vector<1x8x512xf32>
    tpu.vector_store %arg3[%swap3A_1370, %swap3A_1371, %swap3A_1372], %swap3A_1375 {strides = array<i32>} : memref<8x256x512xf32, #tpu.memory_space<vmem>>, vector<1x8x512xf32>,
    %get3A_1376 = arith.constant 160 : index
    %get3A_1377 = arith.constant 0 : index
    %get3A_1378 = vector.load %arg1[%get3A_1376, %get3A_1377] : memref<256x512xf32, #tpu.memory_space<vmem>>, vector<8x512xf32>
    %add3A_1379 = vector.broadcast %broadcast_in_dim3A : vector<1x512xf32> to vector<8x512xf32>
    %add3A_1380 = arith.addf %get3A_1378, %add3A_1379 : vector<8x512xf32>
    %swap3A_1381 = arith.constant 0 : index
    %swap3A_1382 = arith.constant 160 : index
    %swap3A_1383 = arith.constant 0 : index
    %swap3A_1384 = vector.load %arg3[%swap3A_1381, %swap3A_1382, %swap3A_1383] : memref<8x256x512xf32, #tpu.memory_space<vmem>>, vector<1x8x512xf32>
    %swap3A_1385 = vector.shape_cast %swap3A_1384 : vector<1x8x512xf32> to vector<8x512xf32>
    %swap3A_1386 = vector.shape_cast %add3A_1380 : vector<8x512xf32> to vector<1x8x512xf32>
    tpu.vector_store %arg3[%swap3A_1381, %swap3A_1382, %swap3A_1383], %swap3A_1386 {strides = array<i32>} : memref<8x256x512xf32, #tpu.memory_space<vmem>>, vector<1x8x512xf32>,
    %add3A_1387 = vector.broadcast %broadcast_in_dim3A_7 : vector<1x512xf32> to vector<8x512xf32>
    %add3A_1388 = arith.addf %get3A_1378, %add3A_1387 : vector<8x512xf32>
    %swap3A_1389 = arith.constant 1 : index
    %swap3A_1390 = arith.constant 160 : index
    %swap3A_1391 = arith.constant 0 : index
    %swap3A_1392 = vector.load %arg3[%swap3A_1389, %swap3A_1390, %swap3A_1391] : memref<8x256x512xf32, #tpu.memory_space<vmem>>, vector<1x8x512xf32>
    %swap3A_1393 = vector.shape_cast %swap3A_1392 : vector<1x8x512xf32> to vector<8x512xf32>
    %swap3A_1394 = vector.shape_cast %add3A_1388 : vector<8x512xf32> to vector<1x8x512xf32>
    tpu.vector_store %arg3[%swap3A_1389, %swap3A_1390, %swap3A_1391], %swap3A_1394 {strides = array<i32>} : memref<8x256x512xf32, #tpu.memory_space<vmem>>, vector<1x8x512xf32>,
    %add3A_1395 = vector.broadcast %broadcast_in_dim3A_12 : vector<1x512xf32> to vector<8x512xf32>
    %add3A_1396 = arith.addf %get3A_1378, %add3A_1395 : vector<8x512xf32>
    %swap3A_1397 = arith.constant 2 : index
    %swap3A_1398 = arith.constant 160 : index
    %swap3A_1399 = arith.constant 0 : index
    %swap3A_1400 = vector.load %arg3[%swap3A_1397, %swap3A_1398, %swap3A_1399] : memref<8x256x512xf32, #tpu.memory_space<vmem>>, vector<1x8x512xf32>
    %swap3A_1401 = vector.shape_cast %swap3A_1400 : vector<1x8x512xf32> to vector<8x512xf32>
    %swap3A_1402 = vector.shape_cast %add3A_1396 : vector<8x512xf32> to vector<1x8x512xf32>
    tpu.vector_store %arg3[%swap3A_1397, %swap3A_1398, %swap3A_1399], %swap3A_1402 {strides = array<i32>} : memref<8x256x512xf32, #tpu.memory_space<vmem>>, vector<1x8x512xf32>,
    %add3A_1403 = vector.broadcast %broadcast_in_dim3A_17 : vector<1x512xf32> to vector<8x512xf32>
    %add3A_1404 = arith.addf %get3A_1378, %add3A_1403 : vector<8x512xf32>
    %swap3A_1405 = arith.constant 3 : index
    %swap3A_1406 = arith.constant 160 : index
    %swap3A_1407 = arith.constant 0 : index
    %swap3A_1408 = vector.load %arg3[%swap3A_1405, %swap3A_1406, %swap3A_1407] : memref<8x256x512xf32, #tpu.memory_space<vmem>>, vector<1x8x512xf32>
    %swap3A_1409 = vector.shape_cast %swap3A_1408 : vector<1x8x512xf32> to vector<8x512xf32>
    %swap3A_1410 = vector.shape_cast %add3A_1404 : vector<8x512xf32> to vector<1x8x512xf32>
    tpu.vector_store %arg3[%swap3A_1405, %swap3A_1406, %swap3A_1407], %swap3A_1410 {strides = array<i32>} : memref<8x256x512xf32, #tpu.memory_space<vmem>>, vector<1x8x512xf32>,
    %add3A_1411 = vector.broadcast %broadcast_in_dim3A_22 : vector<1x512xf32> to vector<8x512xf32>
    %add3A_1412 = arith.addf %get3A_1378, %add3A_1411 : vector<8x512xf32>
    %swap3A_1413 = arith.constant 4 : index
    %swap3A_1414 = arith.constant 160 : index
    %swap3A_1415 = arith.constant 0 : index
    %swap3A_1416 = vector.load %arg3[%swap3A_1413, %swap3A_1414, %swap3A_1415] : memref<8x256x512xf32, #tpu.memory_space<vmem>>, vector<1x8x512xf32>
    %swap3A_1417 = vector.shape_cast %swap3A_1416 : vector<1x8x512xf32> to vector<8x512xf32>
    %swap3A_1418 = vector.shape_cast %add3A_1412 : vector<8x512xf32> to vector<1x8x512xf32>
    tpu.vector_store %arg3[%swap3A_1413, %swap3A_1414, %swap3A_1415], %swap3A_1418 {strides = array<i32>} : memref<8x256x512xf32, #tpu.memory_space<vmem>>, vector<1x8x512xf32>,
    %add3A_1419 = vector.broadcast %broadcast_in_dim3A_27 : vector<1x512xf32> to vector<8x512xf32>
    %add3A_1420 = arith.addf %get3A_1378, %add3A_1419 : vector<8x512xf32>
    %swap3A_1421 = arith.constant 5 : index
    %swap3A_1422 = arith.constant 160 : index
    %swap3A_1423 = arith.constant 0 : index
    %swap3A_1424 = vector.load %arg3[%swap3A_1421, %swap3A_1422, %swap3A_1423] : memref<8x256x512xf32, #tpu.memory_space<vmem>>, vector<1x8x512xf32>
    %swap3A_1425 = vector.shape_cast %swap3A_1424 : vector<1x8x512xf32> to vector<8x512xf32>
    %swap3A_1426 = vector.shape_cast %add3A_1420 : vector<8x512xf32> to vector<1x8x512xf32>
    tpu.vector_store %arg3[%swap3A_1421, %swap3A_1422, %swap3A_1423], %swap3A_1426 {strides = array<i32>} : memref<8x256x512xf32, #tpu.memory_space<vmem>>, vector<1x8x512xf32>,
    %add3A_1427 = vector.broadcast %broadcast_in_dim3A_32 : vector<1x512xf32> to vector<8x512xf32>
    %add3A_1428 = arith.addf %get3A_1378, %add3A_1427 : vector<8x512xf32>
    %swap3A_1429 = arith.constant 6 : index
    %swap3A_1430 = arith.constant 160 : index
    %swap3A_1431 = arith.constant 0 : index
    %swap3A_1432 = vector.load %arg3[%swap3A_1429, %swap3A_1430, %swap3A_1431] : memref<8x256x512xf32, #tpu.memory_space<vmem>>, vector<1x8x512xf32>
    %swap3A_1433 = vector.shape_cast %swap3A_1432 : vector<1x8x512xf32> to vector<8x512xf32>
    %swap3A_1434 = vector.shape_cast %add3A_1428 : vector<8x512xf32> to vector<1x8x512xf32>
    tpu.vector_store %arg3[%swap3A_1429, %swap3A_1430, %swap3A_1431], %swap3A_1434 {strides = array<i32>} : memref<8x256x512xf32, #tpu.memory_space<vmem>>, vector<1x8x512xf32>,
    %add3A_1435 = vector.broadcast %broadcast_in_dim3A_37 : vector<1x512xf32> to vector<8x512xf32>
    %add3A_1436 = arith.addf %get3A_1378, %add3A_1435 : vector<8x512xf32>
    %swap3A_1437 = arith.constant 7 : index
    %swap3A_1438 = arith.constant 160 : index
    %swap3A_1439 = arith.constant 0 : index
    %swap3A_1440 = vector.load %arg3[%swap3A_1437, %swap3A_1438, %swap3A_1439] : memref<8x256x512xf32, #tpu.memory_space<vmem>>, vector<1x8x512xf32>
    %swap3A_1441 = vector.shape_cast %swap3A_1440 : vector<1x8x512xf32> to vector<8x512xf32>
    %swap3A_1442 = vector.shape_cast %add3A_1436 : vector<8x512xf32> to vector<1x8x512xf32>
    tpu.vector_store %arg3[%swap3A_1437, %swap3A_1438, %swap3A_1439], %swap3A_1442 {strides = array<i32>} : memref<8x256x512xf32, #tpu.memory_space<vmem>>, vector<1x8x512xf32>,
    %get3A_1443 = arith.constant 168 : index
    %get3A_1444 = arith.constant 0 : index
    %get3A_1445 = vector.load %arg1[%get3A_1443, %get3A_1444] : memref<256x512xf32, #tpu.memory_space<vmem>>, vector<8x512xf32>
    %add3A_1446 = vector.broadcast %broadcast_in_dim3A : vector<1x512xf32> to vector<8x512xf32>
    %add3A_1447 = arith.addf %get3A_1445, %add3A_1446 : vector<8x512xf32>
    %swap3A_1448 = arith.constant 0 : index
    %swap3A_1449 = arith.constant 168 : index
    %swap3A_1450 = arith.constant 0 : index
    %swap3A_1451 = vector.load %arg3[%swap3A_1448, %swap3A_1449, %swap3A_1450] : memref<8x256x512xf32, #tpu.memory_space<vmem>>, vector<1x8x512xf32>
    %swap3A_1452 = vector.shape_cast %swap3A_1451 : vector<1x8x512xf32> to vector<8x512xf32>
    %swap3A_1453 = vector.shape_cast %add3A_1447 : vector<8x512xf32> to vector<1x8x512xf32>
    tpu.vector_store %arg3[%swap3A_1448, %swap3A_1449, %swap3A_1450], %swap3A_1453 {strides = array<i32>} : memref<8x256x512xf32, #tpu.memory_space<vmem>>, vector<1x8x512xf32>,
    %add3A_1454 = vector.broadcast %broadcast_in_dim3A_7 : vector<1x512xf32> to vector<8x512xf32>
    %add3A_1455 = arith.addf %get3A_1445, %add3A_1454 : vector<8x512xf32>
    %swap3A_1456 = arith.constant 1 : index
    %swap3A_1457 = arith.constant 168 : index
    %swap3A_1458 = arith.constant 0 : index
    %swap3A_1459 = vector.load %arg3[%swap3A_1456, %swap3A_1457, %swap3A_1458] : memref<8x256x512xf32, #tpu.memory_space<vmem>>, vector<1x8x512xf32>
    %swap3A_1460 = vector.shape_cast %swap3A_1459 : vector<1x8x512xf32> to vector<8x512xf32>
    %swap3A_1461 = vector.shape_cast %add3A_1455 : vector<8x512xf32> to vector<1x8x512xf32>
    tpu.vector_store %arg3[%swap3A_1456, %swap3A_1457, %swap3A_1458], %swap3A_1461 {strides = array<i32>} : memref<8x256x512xf32, #tpu.memory_space<vmem>>, vector<1x8x512xf32>,
    %add3A_1462 = vector.broadcast %broadcast_in_dim3A_12 : vector<1x512xf32> to vector<8x512xf32>
    %add3A_1463 = arith.addf %get3A_1445, %add3A_1462 : vector<8x512xf32>
    %swap3A_1464 = arith.constant 2 : index
    %swap3A_1465 = arith.constant 168 : index
    %swap3A_1466 = arith.constant 0 : index
    %swap3A_1467 = vector.load %arg3[%swap3A_1464, %swap3A_1465, %swap3A_1466] : memref<8x256x512xf32, #tpu.memory_space<vmem>>, vector<1x8x512xf32>
    %swap3A_1468 = vector.shape_cast %swap3A_1467 : vector<1x8x512xf32> to vector<8x512xf32>
    %swap3A_1469 = vector.shape_cast %add3A_1463 : vector<8x512xf32> to vector<1x8x512xf32>
    tpu.vector_store %arg3[%swap3A_1464, %swap3A_1465, %swap3A_1466], %swap3A_1469 {strides = array<i32>} : memref<8x256x512xf32, #tpu.memory_space<vmem>>, vector<1x8x512xf32>,
    %add3A_1470 = vector.broadcast %broadcast_in_dim3A_17 : vector<1x512xf32> to vector<8x512xf32>
    %add3A_1471 = arith.addf %get3A_1445, %add3A_1470 : vector<8x512xf32>
    %swap3A_1472 = arith.constant 3 : index
    %swap3A_1473 = arith.constant 168 : index
    %swap3A_1474 = arith.constant 0 : index
    %swap3A_1475 = vector.load %arg3[%swap3A_1472, %swap3A_1473, %swap3A_1474] : memref<8x256x512xf32, #tpu.memory_space<vmem>>, vector<1x8x512xf32>
    %swap3A_1476 = vector.shape_cast %swap3A_1475 : vector<1x8x512xf32> to vector<8x512xf32>
    %swap3A_1477 = vector.shape_cast %add3A_1471 : vector<8x512xf32> to vector<1x8x512xf32>
    tpu.vector_store %arg3[%swap3A_1472, %swap3A_1473, %swap3A_1474], %swap3A_1477 {strides = array<i32>} : memref<8x256x512xf32, #tpu.memory_space<vmem>>, vector<1x8x512xf32>,
    %add3A_1478 = vector.broadcast %broadcast_in_dim3A_22 : vector<1x512xf32> to vector<8x512xf32>
    %add3A_1479 = arith.addf %get3A_1445, %add3A_1478 : vector<8x512xf32>
    %swap3A_1480 = arith.constant 4 : index
    %swap3A_1481 = arith.constant 168 : index
    %swap3A_1482 = arith.constant 0 : index
    %swap3A_1483 = vector.load %arg3[%swap3A_1480, %swap3A_1481, %swap3A_1482] : memref<8x256x512xf32, #tpu.memory_space<vmem>>, vector<1x8x512xf32>
    %swap3A_1484 = vector.shape_cast %swap3A_1483 : vector<1x8x512xf32> to vector<8x512xf32>
    %swap3A_1485 = vector.shape_cast %add3A_1479 : vector<8x512xf32> to vector<1x8x512xf32>
    tpu.vector_store %arg3[%swap3A_1480, %swap3A_1481, %swap3A_1482], %swap3A_1485 {strides = array<i32>} : memref<8x256x512xf32, #tpu.memory_space<vmem>>, vector<1x8x512xf32>,
    %add3A_1486 = vector.broadcast %broadcast_in_dim3A_27 : vector<1x512xf32> to vector<8x512xf32>
    %add3A_1487 = arith.addf %get3A_1445, %add3A_1486 : vector<8x512xf32>
    %swap3A_1488 = arith.constant 5 : index
    %swap3A_1489 = arith.constant 168 : index
    %swap3A_1490 = arith.constant 0 : index
    %swap3A_1491 = vector.load %arg3[%swap3A_1488, %swap3A_1489, %swap3A_1490] : memref<8x256x512xf32, #tpu.memory_space<vmem>>, vector<1x8x512xf32>
    %swap3A_1492 = vector.shape_cast %swap3A_1491 : vector<1x8x512xf32> to vector<8x512xf32>
    %swap3A_1493 = vector.shape_cast %add3A_1487 : vector<8x512xf32> to vector<1x8x512xf32>
    tpu.vector_store %arg3[%swap3A_1488, %swap3A_1489, %swap3A_1490], %swap3A_1493 {strides = array<i32>} : memref<8x256x512xf32, #tpu.memory_space<vmem>>, vector<1x8x512xf32>,
    %add3A_1494 = vector.broadcast %broadcast_in_dim3A_32 : vector<1x512xf32> to vector<8x512xf32>
    %add3A_1495 = arith.addf %get3A_1445, %add3A_1494 : vector<8x512xf32>
    %swap3A_1496 = arith.constant 6 : index
    %swap3A_1497 = arith.constant 168 : index
    %swap3A_1498 = arith.constant 0 : index
    %swap3A_1499 = vector.load %arg3[%swap3A_1496, %swap3A_1497, %swap3A_1498] : memref<8x256x512xf32, #tpu.memory_space<vmem>>, vector<1x8x512xf32>
    %swap3A_1500 = vector.shape_cast %swap3A_1499 : vector<1x8x512xf32> to vector<8x512xf32>
    %swap3A_1501 = vector.shape_cast %add3A_1495 : vector<8x512xf32> to vector<1x8x512xf32>
    tpu.vector_store %arg3[%swap3A_1496, %swap3A_1497, %swap3A_1498], %swap3A_1501 {strides = array<i32>} : memref<8x256x512xf32, #tpu.memory_space<vmem>>, vector<1x8x512xf32>,
    %add3A_1502 = vector.broadcast %broadcast_in_dim3A_37 : vector<1x512xf32> to vector<8x512xf32>
    %add3A_1503 = arith.addf %get3A_1445, %add3A_1502 : vector<8x512xf32>
    %swap3A_1504 = arith.constant 7 : index
    %swap3A_1505 = arith.constant 168 : index
    %swap3A_1506 = arith.constant 0 : index
    %swap3A_1507 = vector.load %arg3[%swap3A_1504, %swap3A_1505, %swap3A_1506] : memref<8x256x512xf32, #tpu.memory_space<vmem>>, vector<1x8x512xf32>
    %swap3A_1508 = vector.shape_cast %swap3A_1507 : vector<1x8x512xf32> to vector<8x512xf32>
    %swap3A_1509 = vector.shape_cast %add3A_1503 : vector<8x512xf32> to vector<1x8x512xf32>
    tpu.vector_store %arg3[%swap3A_1504, %swap3A_1505, %swap3A_1506], %swap3A_1509 {strides = array<i32>} : memref<8x256x512xf32, #tpu.memory_space<vmem>>, vector<1x8x512xf32>,
    %get3A_1510 = arith.constant 176 : index
    %get3A_1511 = arith.constant 0 : index
    %get3A_1512 = vector.load %arg1[%get3A_1510, %get3A_1511] : memref<256x512xf32, #tpu.memory_space<vmem>>, vector<8x512xf32>
    %add3A_1513 = vector.broadcast %broadcast_in_dim3A : vector<1x512xf32> to vector<8x512xf32>
    %add3A_1514 = arith.addf %get3A_1512, %add3A_1513 : vector<8x512xf32>
    %swap3A_1515 = arith.constant 0 : index
    %swap3A_1516 = arith.constant 176 : index
    %swap3A_1517 = arith.constant 0 : index
    %swap3A_1518 = vector.load %arg3[%swap3A_1515, %swap3A_1516, %swap3A_1517] : memref<8x256x512xf32, #tpu.memory_space<vmem>>, vector<1x8x512xf32>
    %swap3A_1519 = vector.shape_cast %swap3A_1518 : vector<1x8x512xf32> to vector<8x512xf32>
    %swap3A_1520 = vector.shape_cast %add3A_1514 : vector<8x512xf32> to vector<1x8x512xf32>
    tpu.vector_store %arg3[%swap3A_1515, %swap3A_1516, %swap3A_1517], %swap3A_1520 {strides = array<i32>} : memref<8x256x512xf32, #tpu.memory_space<vmem>>, vector<1x8x512xf32>,
    %add3A_1521 = vector.broadcast %broadcast_in_dim3A_7 : vector<1x512xf32> to vector<8x512xf32>
    %add3A_1522 = arith.addf %get3A_1512, %add3A_1521 : vector<8x512xf32>
    %swap3A_1523 = arith.constant 1 : index
    %swap3A_1524 = arith.constant 176 : index
    %swap3A_1525 = arith.constant 0 : index
    %swap3A_1526 = vector.load %arg3[%swap3A_1523, %swap3A_1524, %swap3A_1525] : memref<8x256x512xf32, #tpu.memory_space<vmem>>, vector<1x8x512xf32>
    %swap3A_1527 = vector.shape_cast %swap3A_1526 : vector<1x8x512xf32> to vector<8x512xf32>
    %swap3A_1528 = vector.shape_cast %add3A_1522 : vector<8x512xf32> to vector<1x8x512xf32>
    tpu.vector_store %arg3[%swap3A_1523, %swap3A_1524, %swap3A_1525], %swap3A_1528 {strides = array<i32>} : memref<8x256x512xf32, #tpu.memory_space<vmem>>, vector<1x8x512xf32>,
    %add3A_1529 = vector.broadcast %broadcast_in_dim3A_12 : vector<1x512xf32> to vector<8x512xf32>
    %add3A_1530 = arith.addf %get3A_1512, %add3A_1529 : vector<8x512xf32>
    %swap3A_1531 = arith.constant 2 : index
    %swap3A_1532 = arith.constant 176 : index
    %swap3A_1533 = arith.constant 0 : index
    %swap3A_1534 = vector.load %arg3[%swap3A_1531, %swap3A_1532, %swap3A_1533] : memref<8x256x512xf32, #tpu.memory_space<vmem>>, vector<1x8x512xf32>
    %swap3A_1535 = vector.shape_cast %swap3A_1534 : vector<1x8x512xf32> to vector<8x512xf32>
    %swap3A_1536 = vector.shape_cast %add3A_1530 : vector<8x512xf32> to vector<1x8x512xf32>
    tpu.vector_store %arg3[%swap3A_1531, %swap3A_1532, %swap3A_1533], %swap3A_1536 {strides = array<i32>} : memref<8x256x512xf32, #tpu.memory_space<vmem>>, vector<1x8x512xf32>,
    %add3A_1537 = vector.broadcast %broadcast_in_dim3A_17 : vector<1x512xf32> to vector<8x512xf32>
    %add3A_1538 = arith.addf %get3A_1512, %add3A_1537 : vector<8x512xf32>
    %swap3A_1539 = arith.constant 3 : index
    %swap3A_1540 = arith.constant 176 : index
    %swap3A_1541 = arith.constant 0 : index
    %swap3A_1542 = vector.load %arg3[%swap3A_1539, %swap3A_1540, %swap3A_1541] : memref<8x256x512xf32, #tpu.memory_space<vmem>>, vector<1x8x512xf32>
    %swap3A_1543 = vector.shape_cast %swap3A_1542 : vector<1x8x512xf32> to vector<8x512xf32>
    %swap3A_1544 = vector.shape_cast %add3A_1538 : vector<8x512xf32> to vector<1x8x512xf32>
    tpu.vector_store %arg3[%swap3A_1539, %swap3A_1540, %swap3A_1541], %swap3A_1544 {strides = array<i32>} : memref<8x256x512xf32, #tpu.memory_space<vmem>>, vector<1x8x512xf32>,
    %add3A_1545 = vector.broadcast %broadcast_in_dim3A_22 : vector<1x512xf32> to vector<8x512xf32>
    %add3A_1546 = arith.addf %get3A_1512, %add3A_1545 : vector<8x512xf32>
    %swap3A_1547 = arith.constant 4 : index
    %swap3A_1548 = arith.constant 176 : index
    %swap3A_1549 = arith.constant 0 : index
    %swap3A_1550 = vector.load %arg3[%swap3A_1547, %swap3A_1548, %swap3A_1549] : memref<8x256x512xf32, #tpu.memory_space<vmem>>, vector<1x8x512xf32>
    %swap3A_1551 = vector.shape_cast %swap3A_1550 : vector<1x8x512xf32> to vector<8x512xf32>
    %swap3A_1552 = vector.shape_cast %add3A_1546 : vector<8x512xf32> to vector<1x8x512xf32>
    tpu.vector_store %arg3[%swap3A_1547, %swap3A_1548, %swap3A_1549], %swap3A_1552 {strides = array<i32>} : memref<8x256x512xf32, #tpu.memory_space<vmem>>, vector<1x8x512xf32>,
    %add3A_1553 = vector.broadcast %broadcast_in_dim3A_27 : vector<1x512xf32> to vector<8x512xf32>
    %add3A_1554 = arith.addf %get3A_1512, %add3A_1553 : vector<8x512xf32>
    %swap3A_1555 = arith.constant 5 : index
    %swap3A_1556 = arith.constant 176 : index
    %swap3A_1557 = arith.constant 0 : index
    %swap3A_1558 = vector.load %arg3[%swap3A_1555, %swap3A_1556, %swap3A_1557] : memref<8x256x512xf32, #tpu.memory_space<vmem>>, vector<1x8x512xf32>
    %swap3A_1559 = vector.shape_cast %swap3A_1558 : vector<1x8x512xf32> to vector<8x512xf32>
    %swap3A_1560 = vector.shape_cast %add3A_1554 : vector<8x512xf32> to vector<1x8x512xf32>
    tpu.vector_store %arg3[%swap3A_1555, %swap3A_1556, %swap3A_1557], %swap3A_1560 {strides = array<i32>} : memref<8x256x512xf32, #tpu.memory_space<vmem>>, vector<1x8x512xf32>,
    %add3A_1561 = vector.broadcast %broadcast_in_dim3A_32 : vector<1x512xf32> to vector<8x512xf32>
    %add3A_1562 = arith.addf %get3A_1512, %add3A_1561 : vector<8x512xf32>
    %swap3A_1563 = arith.constant 6 : index
    %swap3A_1564 = arith.constant 176 : index
    %swap3A_1565 = arith.constant 0 : index
    %swap3A_1566 = vector.load %arg3[%swap3A_1563, %swap3A_1564, %swap3A_1565] : memref<8x256x512xf32, #tpu.memory_space<vmem>>, vector<1x8x512xf32>
    %swap3A_1567 = vector.shape_cast %swap3A_1566 : vector<1x8x512xf32> to vector<8x512xf32>
    %swap3A_1568 = vector.shape_cast %add3A_1562 : vector<8x512xf32> to vector<1x8x512xf32>
    tpu.vector_store %arg3[%swap3A_1563, %swap3A_1564, %swap3A_1565], %swap3A_1568 {strides = array<i32>} : memref<8x256x512xf32, #tpu.memory_space<vmem>>, vector<1x8x512xf32>,
    %add3A_1569 = vector.broadcast %broadcast_in_dim3A_37 : vector<1x512xf32> to vector<8x512xf32>
    %add3A_1570 = arith.addf %get3A_1512, %add3A_1569 : vector<8x512xf32>
    %swap3A_1571 = arith.constant 7 : index
    %swap3A_1572 = arith.constant 176 : index
    %swap3A_1573 = arith.constant 0 : index
    %swap3A_1574 = vector.load %arg3[%swap3A_1571, %swap3A_1572, %swap3A_1573] : memref<8x256x512xf32, #tpu.memory_space<vmem>>, vector<1x8x512xf32>
    %swap3A_1575 = vector.shape_cast %swap3A_1574 : vector<1x8x512xf32> to vector<8x512xf32>
    %swap3A_1576 = vector.shape_cast %add3A_1570 : vector<8x512xf32> to vector<1x8x512xf32>
    tpu.vector_store %arg3[%swap3A_1571, %swap3A_1572, %swap3A_1573], %swap3A_1576 {strides = array<i32>} : memref<8x256x512xf32, #tpu.memory_space<vmem>>, vector<1x8x512xf32>,
    %get3A_1577 = arith.constant 184 : index
    %get3A_1578 = arith.constant 0 : index
    %get3A_1579 = vector.load %arg1[%get3A_1577, %get3A_1578] : memref<256x512xf32, #tpu.memory_space<vmem>>, vector<8x512xf32>
    %add3A_1580 = vector.broadcast %broadcast_in_dim3A : vector<1x512xf32> to vector<8x512xf32>
    %add3A_1581 = arith.addf %get3A_1579, %add3A_1580 : vector<8x512xf32>
    %swap3A_1582 = arith.constant 0 : index
    %swap3A_1583 = arith.constant 184 : index
    %swap3A_1584 = arith.constant 0 : index
    %swap3A_1585 = vector.load %arg3[%swap3A_1582, %swap3A_1583, %swap3A_1584] : memref<8x256x512xf32, #tpu.memory_space<vmem>>, vector<1x8x512xf32>
    %swap3A_1586 = vector.shape_cast %swap3A_1585 : vector<1x8x512xf32> to vector<8x512xf32>
    %swap3A_1587 = vector.shape_cast %add3A_1581 : vector<8x512xf32> to vector<1x8x512xf32>
    tpu.vector_store %arg3[%swap3A_1582, %swap3A_1583, %swap3A_1584], %swap3A_1587 {strides = array<i32>} : memref<8x256x512xf32, #tpu.memory_space<vmem>>, vector<1x8x512xf32>,
    %add3A_1588 = vector.broadcast %broadcast_in_dim3A_7 : vector<1x512xf32> to vector<8x512xf32>
    %add3A_1589 = arith.addf %get3A_1579, %add3A_1588 : vector<8x512xf32>
    %swap3A_1590 = arith.constant 1 : index
    %swap3A_1591 = arith.constant 184 : index
    %swap3A_1592 = arith.constant 0 : index
    %swap3A_1593 = vector.load %arg3[%swap3A_1590, %swap3A_1591, %swap3A_1592] : memref<8x256x512xf32, #tpu.memory_space<vmem>>, vector<1x8x512xf32>
    %swap3A_1594 = vector.shape_cast %swap3A_1593 : vector<1x8x512xf32> to vector<8x512xf32>
    %swap3A_1595 = vector.shape_cast %add3A_1589 : vector<8x512xf32> to vector<1x8x512xf32>
    tpu.vector_store %arg3[%swap3A_1590, %swap3A_1591, %swap3A_1592], %swap3A_1595 {strides = array<i32>} : memref<8x256x512xf32, #tpu.memory_space<vmem>>, vector<1x8x512xf32>,
    %add3A_1596 = vector.broadcast %broadcast_in_dim3A_12 : vector<1x512xf32> to vector<8x512xf32>
    %add3A_1597 = arith.addf %get3A_1579, %add3A_1596 : vector<8x512xf32>
    %swap3A_1598 = arith.constant 2 : index
    %swap3A_1599 = arith.constant 184 : index
    %swap3A_1600 = arith.constant 0 : index
    %swap3A_1601 = vector.load %arg3[%swap3A_1598, %swap3A_1599, %swap3A_1600] : memref<8x256x512xf32, #tpu.memory_space<vmem>>, vector<1x8x512xf32>
    %swap3A_1602 = vector.shape_cast %swap3A_1601 : vector<1x8x512xf32> to vector<8x512xf32>
    %swap3A_1603 = vector.shape_cast %add3A_1597 : vector<8x512xf32> to vector<1x8x512xf32>
    tpu.vector_store %arg3[%swap3A_1598, %swap3A_1599, %swap3A_1600], %swap3A_1603 {strides = array<i32>} : memref<8x256x512xf32, #tpu.memory_space<vmem>>, vector<1x8x512xf32>,
    %add3A_1604 = vector.broadcast %broadcast_in_dim3A_17 : vector<1x512xf32> to vector<8x512xf32>
    %add3A_1605 = arith.addf %get3A_1579, %add3A_1604 : vector<8x512xf32>
    %swap3A_1606 = arith.constant 3 : index
    %swap3A_1607 = arith.constant 184 : index
    %swap3A_1608 = arith.constant 0 : index
    %swap3A_1609 = vector.load %arg3[%swap3A_1606, %swap3A_1607, %swap3A_1608] : memref<8x256x512xf32, #tpu.memory_space<vmem>>, vector<1x8x512xf32>
    %swap3A_1610 = vector.shape_cast %swap3A_1609 : vector<1x8x512xf32> to vector<8x512xf32>
    %swap3A_1611 = vector.shape_cast %add3A_1605 : vector<8x512xf32> to vector<1x8x512xf32>
    tpu.vector_store %arg3[%swap3A_1606, %swap3A_1607, %swap3A_1608], %swap3A_1611 {strides = array<i32>} : memref<8x256x512xf32, #tpu.memory_space<vmem>>, vector<1x8x512xf32>,
    %add3A_1612 = vector.broadcast %broadcast_in_dim3A_22 : vector<1x512xf32> to vector<8x512xf32>
    %add3A_1613 = arith.addf %get3A_1579, %add3A_1612 : vector<8x512xf32>
    %swap3A_1614 = arith.constant 4 : index
    %swap3A_1615 = arith.constant 184 : index
    %swap3A_1616 = arith.constant 0 : index
    %swap3A_1617 = vector.load %arg3[%swap3A_1614, %swap3A_1615, %swap3A_1616] : memref<8x256x512xf32, #tpu.memory_space<vmem>>, vector<1x8x512xf32>
    %swap3A_1618 = vector.shape_cast %swap3A_1617 : vector<1x8x512xf32> to vector<8x512xf32>
    %swap3A_1619 = vector.shape_cast %add3A_1613 : vector<8x512xf32> to vector<1x8x512xf32>
    tpu.vector_store %arg3[%swap3A_1614, %swap3A_1615, %swap3A_1616], %swap3A_1619 {strides = array<i32>} : memref<8x256x512xf32, #tpu.memory_space<vmem>>, vector<1x8x512xf32>,
    %add3A_1620 = vector.broadcast %broadcast_in_dim3A_27 : vector<1x512xf32> to vector<8x512xf32>
    %add3A_1621 = arith.addf %get3A_1579, %add3A_1620 : vector<8x512xf32>
    %swap3A_1622 = arith.constant 5 : index
    %swap3A_1623 = arith.constant 184 : index
    %swap3A_1624 = arith.constant 0 : index
    %swap3A_1625 = vector.load %arg3[%swap3A_1622, %swap3A_1623, %swap3A_1624] : memref<8x256x512xf32, #tpu.memory_space<vmem>>, vector<1x8x512xf32>
    %swap3A_1626 = vector.shape_cast %swap3A_1625 : vector<1x8x512xf32> to vector<8x512xf32>
    %swap3A_1627 = vector.shape_cast %add3A_1621 : vector<8x512xf32> to vector<1x8x512xf32>
    tpu.vector_store %arg3[%swap3A_1622, %swap3A_1623, %swap3A_1624], %swap3A_1627 {strides = array<i32>} : memref<8x256x512xf32, #tpu.memory_space<vmem>>, vector<1x8x512xf32>,
    %add3A_1628 = vector.broadcast %broadcast_in_dim3A_32 : vector<1x512xf32> to vector<8x512xf32>
    %add3A_1629 = arith.addf %get3A_1579, %add3A_1628 : vector<8x512xf32>
    %swap3A_1630 = arith.constant 6 : index
    %swap3A_1631 = arith.constant 184 : index
    %swap3A_1632 = arith.constant 0 : index
    %swap3A_1633 = vector.load %arg3[%swap3A_1630, %swap3A_1631, %swap3A_1632] : memref<8x256x512xf32, #tpu.memory_space<vmem>>, vector<1x8x512xf32>
    %swap3A_1634 = vector.shape_cast %swap3A_1633 : vector<1x8x512xf32> to vector<8x512xf32>
    %swap3A_1635 = vector.shape_cast %add3A_1629 : vector<8x512xf32> to vector<1x8x512xf32>
    tpu.vector_store %arg3[%swap3A_1630, %swap3A_1631, %swap3A_1632], %swap3A_1635 {strides = array<i32>} : memref<8x256x512xf32, #tpu.memory_space<vmem>>, vector<1x8x512xf32>,
    %add3A_1636 = vector.broadcast %broadcast_in_dim3A_37 : vector<1x512xf32> to vector<8x512xf32>
    %add3A_1637 = arith.addf %get3A_1579, %add3A_1636 : vector<8x512xf32>
    %swap3A_1638 = arith.constant 7 : index
    %swap3A_1639 = arith.constant 184 : index
    %swap3A_1640 = arith.constant 0 : index
    %swap3A_1641 = vector.load %arg3[%swap3A_1638, %swap3A_1639, %swap3A_1640] : memref<8x256x512xf32, #tpu.memory_space<vmem>>, vector<1x8x512xf32>
    %swap3A_1642 = vector.shape_cast %swap3A_1641 : vector<1x8x512xf32> to vector<8x512xf32>
    %swap3A_1643 = vector.shape_cast %add3A_1637 : vector<8x512xf32> to vector<1x8x512xf32>
    tpu.vector_store %arg3[%swap3A_1638, %swap3A_1639, %swap3A_1640], %swap3A_1643 {strides = array<i32>} : memref<8x256x512xf32, #tpu.memory_space<vmem>>, vector<1x8x512xf32>,
    %get3A_1644 = arith.constant 192 : index
    %get3A_1645 = arith.constant 0 : index
    %get3A_1646 = vector.load %arg1[%get3A_1644, %get3A_1645] : memref<256x512xf32, #tpu.memory_space<vmem>>, vector<8x512xf32>
    %add3A_1647 = vector.broadcast %broadcast_in_dim3A : vector<1x512xf32> to vector<8x512xf32>
    %add3A_1648 = arith.addf %get3A_1646, %add3A_1647 : vector<8x512xf32>
    %swap3A_1649 = arith.constant 0 : index
    %swap3A_1650 = arith.constant 192 : index
    %swap3A_1651 = arith.constant 0 : index
    %swap3A_1652 = vector.load %arg3[%swap3A_1649, %swap3A_1650, %swap3A_1651] : memref<8x256x512xf32, #tpu.memory_space<vmem>>, vector<1x8x512xf32>
    %swap3A_1653 = vector.shape_cast %swap3A_1652 : vector<1x8x512xf32> to vector<8x512xf32>
    %swap3A_1654 = vector.shape_cast %add3A_1648 : vector<8x512xf32> to vector<1x8x512xf32>
    tpu.vector_store %arg3[%swap3A_1649, %swap3A_1650, %swap3A_1651], %swap3A_1654 {strides = array<i32>} : memref<8x256x512xf32, #tpu.memory_space<vmem>>, vector<1x8x512xf32>,
    %add3A_1655 = vector.broadcast %broadcast_in_dim3A_7 : vector<1x512xf32> to vector<8x512xf32>
    %add3A_1656 = arith.addf %get3A_1646, %add3A_1655 : vector<8x512xf32>
    %swap3A_1657 = arith.constant 1 : index
    %swap3A_1658 = arith.constant 192 : index
    %swap3A_1659 = arith.constant 0 : index
    %swap3A_1660 = vector.load %arg3[%swap3A_1657, %swap3A_1658, %swap3A_1659] : memref<8x256x512xf32, #tpu.memory_space<vmem>>, vector<1x8x512xf32>
    %swap3A_1661 = vector.shape_cast %swap3A_1660 : vector<1x8x512xf32> to vector<8x512xf32>
    %swap3A_1662 = vector.shape_cast %add3A_1656 : vector<8x512xf32> to vector<1x8x512xf32>
    tpu.vector_store %arg3[%swap3A_1657, %swap3A_1658, %swap3A_1659], %swap3A_1662 {strides = array<i32>} : memref<8x256x512xf32, #tpu.memory_space<vmem>>, vector<1x8x512xf32>,
    %add3A_1663 = vector.broadcast %broadcast_in_dim3A_12 : vector<1x512xf32> to vector<8x512xf32>
    %add3A_1664 = arith.addf %get3A_1646, %add3A_1663 : vector<8x512xf32>
    %swap3A_1665 = arith.constant 2 : index
    %swap3A_1666 = arith.constant 192 : index
    %swap3A_1667 = arith.constant 0 : index
    %swap3A_1668 = vector.load %arg3[%swap3A_1665, %swap3A_1666, %swap3A_1667] : memref<8x256x512xf32, #tpu.memory_space<vmem>>, vector<1x8x512xf32>
    %swap3A_1669 = vector.shape_cast %swap3A_1668 : vector<1x8x512xf32> to vector<8x512xf32>
    %swap3A_1670 = vector.shape_cast %add3A_1664 : vector<8x512xf32> to vector<1x8x512xf32>
    tpu.vector_store %arg3[%swap3A_1665, %swap3A_1666, %swap3A_1667], %swap3A_1670 {strides = array<i32>} : memref<8x256x512xf32, #tpu.memory_space<vmem>>, vector<1x8x512xf32>,
    %add3A_1671 = vector.broadcast %broadcast_in_dim3A_17 : vector<1x512xf32> to vector<8x512xf32>
    %add3A_1672 = arith.addf %get3A_1646, %add3A_1671 : vector<8x512xf32>
    %swap3A_1673 = arith.constant 3 : index
    %swap3A_1674 = arith.constant 192 : index
    %swap3A_1675 = arith.constant 0 : index
    %swap3A_1676 = vector.load %arg3[%swap3A_1673, %swap3A_1674, %swap3A_1675] : memref<8x256x512xf32, #tpu.memory_space<vmem>>, vector<1x8x512xf32>
    %swap3A_1677 = vector.shape_cast %swap3A_1676 : vector<1x8x512xf32> to vector<8x512xf32>
    %swap3A_1678 = vector.shape_cast %add3A_1672 : vector<8x512xf32> to vector<1x8x512xf32>
    tpu.vector_store %arg3[%swap3A_1673, %swap3A_1674, %swap3A_1675], %swap3A_1678 {strides = array<i32>} : memref<8x256x512xf32, #tpu.memory_space<vmem>>, vector<1x8x512xf32>,
    %add3A_1679 = vector.broadcast %broadcast_in_dim3A_22 : vector<1x512xf32> to vector<8x512xf32>
    %add3A_1680 = arith.addf %get3A_1646, %add3A_1679 : vector<8x512xf32>
    %swap3A_1681 = arith.constant 4 : index
    %swap3A_1682 = arith.constant 192 : index
    %swap3A_1683 = arith.constant 0 : index
    %swap3A_1684 = vector.load %arg3[%swap3A_1681, %swap3A_1682, %swap3A_1683] : memref<8x256x512xf32, #tpu.memory_space<vmem>>, vector<1x8x512xf32>
    %swap3A_1685 = vector.shape_cast %swap3A_1684 : vector<1x8x512xf32> to vector<8x512xf32>
    %swap3A_1686 = vector.shape_cast %add3A_1680 : vector<8x512xf32> to vector<1x8x512xf32>
    tpu.vector_store %arg3[%swap3A_1681, %swap3A_1682, %swap3A_1683], %swap3A_1686 {strides = array<i32>} : memref<8x256x512xf32, #tpu.memory_space<vmem>>, vector<1x8x512xf32>,
    %add3A_1687 = vector.broadcast %broadcast_in_dim3A_27 : vector<1x512xf32> to vector<8x512xf32>
    %add3A_1688 = arith.addf %get3A_1646, %add3A_1687 : vector<8x512xf32>
    %swap3A_1689 = arith.constant 5 : index
    %swap3A_1690 = arith.constant 192 : index
    %swap3A_1691 = arith.constant 0 : index
    %swap3A_1692 = vector.load %arg3[%swap3A_1689, %swap3A_1690, %swap3A_1691] : memref<8x256x512xf32, #tpu.memory_space<vmem>>, vector<1x8x512xf32>
    %swap3A_1693 = vector.shape_cast %swap3A_1692 : vector<1x8x512xf32> to vector<8x512xf32>
    %swap3A_1694 = vector.shape_cast %add3A_1688 : vector<8x512xf32> to vector<1x8x512xf32>
    tpu.vector_store %arg3[%swap3A_1689, %swap3A_1690, %swap3A_1691], %swap3A_1694 {strides = array<i32>} : memref<8x256x512xf32, #tpu.memory_space<vmem>>, vector<1x8x512xf32>,
    %add3A_1695 = vector.broadcast %broadcast_in_dim3A_32 : vector<1x512xf32> to vector<8x512xf32>
    %add3A_1696 = arith.addf %get3A_1646, %add3A_1695 : vector<8x512xf32>
    %swap3A_1697 = arith.constant 6 : index
    %swap3A_1698 = arith.constant 192 : index
    %swap3A_1699 = arith.constant 0 : index
    %swap3A_1700 = vector.load %arg3[%swap3A_1697, %swap3A_1698, %swap3A_1699] : memref<8x256x512xf32, #tpu.memory_space<vmem>>, vector<1x8x512xf32>
    %swap3A_1701 = vector.shape_cast %swap3A_1700 : vector<1x8x512xf32> to vector<8x512xf32>
    %swap3A_1702 = vector.shape_cast %add3A_1696 : vector<8x512xf32> to vector<1x8x512xf32>
    tpu.vector_store %arg3[%swap3A_1697, %swap3A_1698, %swap3A_1699], %swap3A_1702 {strides = array<i32>} : memref<8x256x512xf32, #tpu.memory_space<vmem>>, vector<1x8x512xf32>,
    %add3A_1703 = vector.broadcast %broadcast_in_dim3A_37 : vector<1x512xf32> to vector<8x512xf32>
    %add3A_1704 = arith.addf %get3A_1646, %add3A_1703 : vector<8x512xf32>
    %swap3A_1705 = arith.constant 7 : index
    %swap3A_1706 = arith.constant 192 : index
    %swap3A_1707 = arith.constant 0 : index
    %swap3A_1708 = vector.load %arg3[%swap3A_1705, %swap3A_1706, %swap3A_1707] : memref<8x256x512xf32, #tpu.memory_space<vmem>>, vector<1x8x512xf32>
    %swap3A_1709 = vector.shape_cast %swap3A_1708 : vector<1x8x512xf32> to vector<8x512xf32>
    %swap3A_1710 = vector.shape_cast %add3A_1704 : vector<8x512xf32> to vector<1x8x512xf32>
    tpu.vector_store %arg3[%swap3A_1705, %swap3A_1706, %swap3A_1707], %swap3A_1710 {strides = array<i32>} : memref<8x256x512xf32, #tpu.memory_space<vmem>>, vector<1x8x512xf32>,
    %get3A_1711 = arith.constant 200 : index
    %get3A_1712 = arith.constant 0 : index
    %get3A_1713 = vector.load %arg1[%get3A_1711, %get3A_1712] : memref<256x512xf32, #tpu.memory_space<vmem>>, vector<8x512xf32>
    %add3A_1714 = vector.broadcast %broadcast_in_dim3A : vector<1x512xf32> to vector<8x512xf32>
    %add3A_1715 = arith.addf %get3A_1713, %add3A_1714 : vector<8x512xf32>
    %swap3A_1716 = arith.constant 0 : index
    %swap3A_1717 = arith.constant 200 : index
    %swap3A_1718 = arith.constant 0 : index
    %swap3A_1719 = vector.load %arg3[%swap3A_1716, %swap3A_1717, %swap3A_1718] : memref<8x256x512xf32, #tpu.memory_space<vmem>>, vector<1x8x512xf32>
    %swap3A_1720 = vector.shape_cast %swap3A_1719 : vector<1x8x512xf32> to vector<8x512xf32>
    %swap3A_1721 = vector.shape_cast %add3A_1715 : vector<8x512xf32> to vector<1x8x512xf32>
    tpu.vector_store %arg3[%swap3A_1716, %swap3A_1717, %swap3A_1718], %swap3A_1721 {strides = array<i32>} : memref<8x256x512xf32, #tpu.memory_space<vmem>>, vector<1x8x512xf32>,
    %add3A_1722 = vector.broadcast %broadcast_in_dim3A_7 : vector<1x512xf32> to vector<8x512xf32>
    %add3A_1723 = arith.addf %get3A_1713, %add3A_1722 : vector<8x512xf32>
    %swap3A_1724 = arith.constant 1 : index
    %swap3A_1725 = arith.constant 200 : index
    %swap3A_1726 = arith.constant 0 : index
    %swap3A_1727 = vector.load %arg3[%swap3A_1724, %swap3A_1725, %swap3A_1726] : memref<8x256x512xf32, #tpu.memory_space<vmem>>, vector<1x8x512xf32>
    %swap3A_1728 = vector.shape_cast %swap3A_1727 : vector<1x8x512xf32> to vector<8x512xf32>
    %swap3A_1729 = vector.shape_cast %add3A_1723 : vector<8x512xf32> to vector<1x8x512xf32>
    tpu.vector_store %arg3[%swap3A_1724, %swap3A_1725, %swap3A_1726], %swap3A_1729 {strides = array<i32>} : memref<8x256x512xf32, #tpu.memory_space<vmem>>, vector<1x8x512xf32>,
    %add3A_1730 = vector.broadcast %broadcast_in_dim3A_12 : vector<1x512xf32> to vector<8x512xf32>
    %add3A_1731 = arith.addf %get3A_1713, %add3A_1730 : vector<8x512xf32>
    %swap3A_1732 = arith.constant 2 : index
    %swap3A_1733 = arith.constant 200 : index
    %swap3A_1734 = arith.constant 0 : index
    %swap3A_1735 = vector.load %arg3[%swap3A_1732, %swap3A_1733, %swap3A_1734] : memref<8x256x512xf32, #tpu.memory_space<vmem>>, vector<1x8x512xf32>
    %swap3A_1736 = vector.shape_cast %swap3A_1735 : vector<1x8x512xf32> to vector<8x512xf32>
    %swap3A_1737 = vector.shape_cast %add3A_1731 : vector<8x512xf32> to vector<1x8x512xf32>
    tpu.vector_store %arg3[%swap3A_1732, %swap3A_1733, %swap3A_1734], %swap3A_1737 {strides = array<i32>} : memref<8x256x512xf32, #tpu.memory_space<vmem>>, vector<1x8x512xf32>,
    %add3A_1738 = vector.broadcast %broadcast_in_dim3A_17 : vector<1x512xf32> to vector<8x512xf32>
    %add3A_1739 = arith.addf %get3A_1713, %add3A_1738 : vector<8x512xf32>
    %swap3A_1740 = arith.constant 3 : index
    %swap3A_1741 = arith.constant 200 : index
    %swap3A_1742 = arith.constant 0 : index
    %swap3A_1743 = vector.load %arg3[%swap3A_1740, %swap3A_1741, %swap3A_1742] : memref<8x256x512xf32, #tpu.memory_space<vmem>>, vector<1x8x512xf32>
    %swap3A_1744 = vector.shape_cast %swap3A_1743 : vector<1x8x512xf32> to vector<8x512xf32>
    %swap3A_1745 = vector.shape_cast %add3A_1739 : vector<8x512xf32> to vector<1x8x512xf32>
    tpu.vector_store %arg3[%swap3A_1740, %swap3A_1741, %swap3A_1742], %swap3A_1745 {strides = array<i32>} : memref<8x256x512xf32, #tpu.memory_space<vmem>>, vector<1x8x512xf32>,
    %add3A_1746 = vector.broadcast %broadcast_in_dim3A_22 : vector<1x512xf32> to vector<8x512xf32>
    %add3A_1747 = arith.addf %get3A_1713, %add3A_1746 : vector<8x512xf32>
    %swap3A_1748 = arith.constant 4 : index
    %swap3A_1749 = arith.constant 200 : index
    %swap3A_1750 = arith.constant 0 : index
    %swap3A_1751 = vector.load %arg3[%swap3A_1748, %swap3A_1749, %swap3A_1750] : memref<8x256x512xf32, #tpu.memory_space<vmem>>, vector<1x8x512xf32>
    %swap3A_1752 = vector.shape_cast %swap3A_1751 : vector<1x8x512xf32> to vector<8x512xf32>
    %swap3A_1753 = vector.shape_cast %add3A_1747 : vector<8x512xf32> to vector<1x8x512xf32>
    tpu.vector_store %arg3[%swap3A_1748, %swap3A_1749, %swap3A_1750], %swap3A_1753 {strides = array<i32>} : memref<8x256x512xf32, #tpu.memory_space<vmem>>, vector<1x8x512xf32>,
    %add3A_1754 = vector.broadcast %broadcast_in_dim3A_27 : vector<1x512xf32> to vector<8x512xf32>
    %add3A_1755 = arith.addf %get3A_1713, %add3A_1754 : vector<8x512xf32>
    %swap3A_1756 = arith.constant 5 : index
    %swap3A_1757 = arith.constant 200 : index
    %swap3A_1758 = arith.constant 0 : index
    %swap3A_1759 = vector.load %arg3[%swap3A_1756, %swap3A_1757, %swap3A_1758] : memref<8x256x512xf32, #tpu.memory_space<vmem>>, vector<1x8x512xf32>
    %swap3A_1760 = vector.shape_cast %swap3A_1759 : vector<1x8x512xf32> to vector<8x512xf32>
    %swap3A_1761 = vector.shape_cast %add3A_1755 : vector<8x512xf32> to vector<1x8x512xf32>
    tpu.vector_store %arg3[%swap3A_1756, %swap3A_1757, %swap3A_1758], %swap3A_1761 {strides = array<i32>} : memref<8x256x512xf32, #tpu.memory_space<vmem>>, vector<1x8x512xf32>,
    %add3A_1762 = vector.broadcast %broadcast_in_dim3A_32 : vector<1x512xf32> to vector<8x512xf32>
    %add3A_1763 = arith.addf %get3A_1713, %add3A_1762 : vector<8x512xf32>
    %swap3A_1764 = arith.constant 6 : index
    %swap3A_1765 = arith.constant 200 : index
    %swap3A_1766 = arith.constant 0 : index
    %swap3A_1767 = vector.load %arg3[%swap3A_1764, %swap3A_1765, %swap3A_1766] : memref<8x256x512xf32, #tpu.memory_space<vmem>>, vector<1x8x512xf32>
    %swap3A_1768 = vector.shape_cast %swap3A_1767 : vector<1x8x512xf32> to vector<8x512xf32>
    %swap3A_1769 = vector.shape_cast %add3A_1763 : vector<8x512xf32> to vector<1x8x512xf32>
    tpu.vector_store %arg3[%swap3A_1764, %swap3A_1765, %swap3A_1766], %swap3A_1769 {strides = array<i32>} : memref<8x256x512xf32, #tpu.memory_space<vmem>>, vector<1x8x512xf32>,
    %add3A_1770 = vector.broadcast %broadcast_in_dim3A_37 : vector<1x512xf32> to vector<8x512xf32>
    %add3A_1771 = arith.addf %get3A_1713, %add3A_1770 : vector<8x512xf32>
    %swap3A_1772 = arith.constant 7 : index
    %swap3A_1773 = arith.constant 200 : index
    %swap3A_1774 = arith.constant 0 : index
    %swap3A_1775 = vector.load %arg3[%swap3A_1772, %swap3A_1773, %swap3A_1774] : memref<8x256x512xf32, #tpu.memory_space<vmem>>, vector<1x8x512xf32>
    %swap3A_1776 = vector.shape_cast %swap3A_1775 : vector<1x8x512xf32> to vector<8x512xf32>
    %swap3A_1777 = vector.shape_cast %add3A_1771 : vector<8x512xf32> to vector<1x8x512xf32>
    tpu.vector_store %arg3[%swap3A_1772, %swap3A_1773, %swap3A_1774], %swap3A_1777 {strides = array<i32>} : memref<8x256x512xf32, #tpu.memory_space<vmem>>, vector<1x8x512xf32>,
    %get3A_1778 = arith.constant 208 : index
    %get3A_1779 = arith.constant 0 : index
    %get3A_1780 = vector.load %arg1[%get3A_1778, %get3A_1779] : memref<256x512xf32, #tpu.memory_space<vmem>>, vector<8x512xf32>
    %add3A_1781 = vector.broadcast %broadcast_in_dim3A : vector<1x512xf32> to vector<8x512xf32>
    %add3A_1782 = arith.addf %get3A_1780, %add3A_1781 : vector<8x512xf32>
    %swap3A_1783 = arith.constant 0 : index
    %swap3A_1784 = arith.constant 208 : index
    %swap3A_1785 = arith.constant 0 : index
    %swap3A_1786 = vector.load %arg3[%swap3A_1783, %swap3A_1784, %swap3A_1785] : memref<8x256x512xf32, #tpu.memory_space<vmem>>, vector<1x8x512xf32>
    %swap3A_1787 = vector.shape_cast %swap3A_1786 : vector<1x8x512xf32> to vector<8x512xf32>
    %swap3A_1788 = vector.shape_cast %add3A_1782 : vector<8x512xf32> to vector<1x8x512xf32>
    tpu.vector_store %arg3[%swap3A_1783, %swap3A_1784, %swap3A_1785], %swap3A_1788 {strides = array<i32>} : memref<8x256x512xf32, #tpu.memory_space<vmem>>, vector<1x8x512xf32>,
    %add3A_1789 = vector.broadcast %broadcast_in_dim3A_7 : vector<1x512xf32> to vector<8x512xf32>
    %add3A_1790 = arith.addf %get3A_1780, %add3A_1789 : vector<8x512xf32>
    %swap3A_1791 = arith.constant 1 : index
    %swap3A_1792 = arith.constant 208 : index
    %swap3A_1793 = arith.constant 0 : index
    %swap3A_1794 = vector.load %arg3[%swap3A_1791, %swap3A_1792, %swap3A_1793] : memref<8x256x512xf32, #tpu.memory_space<vmem>>, vector<1x8x512xf32>
    %swap3A_1795 = vector.shape_cast %swap3A_1794 : vector<1x8x512xf32> to vector<8x512xf32>
    %swap3A_1796 = vector.shape_cast %add3A_1790 : vector<8x512xf32> to vector<1x8x512xf32>
    tpu.vector_store %arg3[%swap3A_1791, %swap3A_1792, %swap3A_1793], %swap3A_1796 {strides = array<i32>} : memref<8x256x512xf32, #tpu.memory_space<vmem>>, vector<1x8x512xf32>,
    %add3A_1797 = vector.broadcast %broadcast_in_dim3A_12 : vector<1x512xf32> to vector<8x512xf32>
    %add3A_1798 = arith.addf %get3A_1780, %add3A_1797 : vector<8x512xf32>
    %swap3A_1799 = arith.constant 2 : index
    %swap3A_1800 = arith.constant 208 : index
    %swap3A_1801 = arith.constant 0 : index
    %swap3A_1802 = vector.load %arg3[%swap3A_1799, %swap3A_1800, %swap3A_1801] : memref<8x256x512xf32, #tpu.memory_space<vmem>>, vector<1x8x512xf32>
    %swap3A_1803 = vector.shape_cast %swap3A_1802 : vector<1x8x512xf32> to vector<8x512xf32>
    %swap3A_1804 = vector.shape_cast %add3A_1798 : vector<8x512xf32> to vector<1x8x512xf32>
    tpu.vector_store %arg3[%swap3A_1799, %swap3A_1800, %swap3A_1801], %swap3A_1804 {strides = array<i32>} : memref<8x256x512xf32, #tpu.memory_space<vmem>>, vector<1x8x512xf32>,
    %add3A_1805 = vector.broadcast %broadcast_in_dim3A_17 : vector<1x512xf32> to vector<8x512xf32>
    %add3A_1806 = arith.addf %get3A_1780, %add3A_1805 : vector<8x512xf32>
    %swap3A_1807 = arith.constant 3 : index
    %swap3A_1808 = arith.constant 208 : index
    %swap3A_1809 = arith.constant 0 : index
    %swap3A_1810 = vector.load %arg3[%swap3A_1807, %swap3A_1808, %swap3A_1809] : memref<8x256x512xf32, #tpu.memory_space<vmem>>, vector<1x8x512xf32>
    %swap3A_1811 = vector.shape_cast %swap3A_1810 : vector<1x8x512xf32> to vector<8x512xf32>
    %swap3A_1812 = vector.shape_cast %add3A_1806 : vector<8x512xf32> to vector<1x8x512xf32>
    tpu.vector_store %arg3[%swap3A_1807, %swap3A_1808, %swap3A_1809], %swap3A_1812 {strides = array<i32>} : memref<8x256x512xf32, #tpu.memory_space<vmem>>, vector<1x8x512xf32>,
    %add3A_1813 = vector.broadcast %broadcast_in_dim3A_22 : vector<1x512xf32> to vector<8x512xf32>
    %add3A_1814 = arith.addf %get3A_1780, %add3A_1813 : vector<8x512xf32>
    %swap3A_1815 = arith.constant 4 : index
    %swap3A_1816 = arith.constant 208 : index
    %swap3A_1817 = arith.constant 0 : index
    %swap3A_1818 = vector.load %arg3[%swap3A_1815, %swap3A_1816, %swap3A_1817] : memref<8x256x512xf32, #tpu.memory_space<vmem>>, vector<1x8x512xf32>
    %swap3A_1819 = vector.shape_cast %swap3A_1818 : vector<1x8x512xf32> to vector<8x512xf32>
    %swap3A_1820 = vector.shape_cast %add3A_1814 : vector<8x512xf32> to vector<1x8x512xf32>
    tpu.vector_store %arg3[%swap3A_1815, %swap3A_1816, %swap3A_1817], %swap3A_1820 {strides = array<i32>} : memref<8x256x512xf32, #tpu.memory_space<vmem>>, vector<1x8x512xf32>,
    %add3A_1821 = vector.broadcast %broadcast_in_dim3A_27 : vector<1x512xf32> to vector<8x512xf32>
    %add3A_1822 = arith.addf %get3A_1780, %add3A_1821 : vector<8x512xf32>
    %swap3A_1823 = arith.constant 5 : index
    %swap3A_1824 = arith.constant 208 : index
    %swap3A_1825 = arith.constant 0 : index
    %swap3A_1826 = vector.load %arg3[%swap3A_1823, %swap3A_1824, %swap3A_1825] : memref<8x256x512xf32, #tpu.memory_space<vmem>>, vector<1x8x512xf32>
    %swap3A_1827 = vector.shape_cast %swap3A_1826 : vector<1x8x512xf32> to vector<8x512xf32>
    %swap3A_1828 = vector.shape_cast %add3A_1822 : vector<8x512xf32> to vector<1x8x512xf32>
    tpu.vector_store %arg3[%swap3A_1823, %swap3A_1824, %swap3A_1825], %swap3A_1828 {strides = array<i32>} : memref<8x256x512xf32, #tpu.memory_space<vmem>>, vector<1x8x512xf32>,
    %add3A_1829 = vector.broadcast %broadcast_in_dim3A_32 : vector<1x512xf32> to vector<8x512xf32>
    %add3A_1830 = arith.addf %get3A_1780, %add3A_1829 : vector<8x512xf32>
    %swap3A_1831 = arith.constant 6 : index
    %swap3A_1832 = arith.constant 208 : index
    %swap3A_1833 = arith.constant 0 : index
    %swap3A_1834 = vector.load %arg3[%swap3A_1831, %swap3A_1832, %swap3A_1833] : memref<8x256x512xf32, #tpu.memory_space<vmem>>, vector<1x8x512xf32>
    %swap3A_1835 = vector.shape_cast %swap3A_1834 : vector<1x8x512xf32> to vector<8x512xf32>
    %swap3A_1836 = vector.shape_cast %add3A_1830 : vector<8x512xf32> to vector<1x8x512xf32>
    tpu.vector_store %arg3[%swap3A_1831, %swap3A_1832, %swap3A_1833], %swap3A_1836 {strides = array<i32>} : memref<8x256x512xf32, #tpu.memory_space<vmem>>, vector<1x8x512xf32>,
    %add3A_1837 = vector.broadcast %broadcast_in_dim3A_37 : vector<1x512xf32> to vector<8x512xf32>
    %add3A_1838 = arith.addf %get3A_1780, %add3A_1837 : vector<8x512xf32>
    %swap3A_1839 = arith.constant 7 : index
    %swap3A_1840 = arith.constant 208 : index
    %swap3A_1841 = arith.constant 0 : index
    %swap3A_1842 = vector.load %arg3[%swap3A_1839, %swap3A_1840, %swap3A_1841] : memref<8x256x512xf32, #tpu.memory_space<vmem>>, vector<1x8x512xf32>
    %swap3A_1843 = vector.shape_cast %swap3A_1842 : vector<1x8x512xf32> to vector<8x512xf32>
    %swap3A_1844 = vector.shape_cast %add3A_1838 : vector<8x512xf32> to vector<1x8x512xf32>
    tpu.vector_store %arg3[%swap3A_1839, %swap3A_1840, %swap3A_1841], %swap3A_1844 {strides = array<i32>} : memref<8x256x512xf32, #tpu.memory_space<vmem>>, vector<1x8x512xf32>,
    %get3A_1845 = arith.constant 216 : index
    %get3A_1846 = arith.constant 0 : index
    %get3A_1847 = vector.load %arg1[%get3A_1845, %get3A_1846] : memref<256x512xf32, #tpu.memory_space<vmem>>, vector<8x512xf32>
    %add3A_1848 = vector.broadcast %broadcast_in_dim3A : vector<1x512xf32> to vector<8x512xf32>
    %add3A_1849 = arith.addf %get3A_1847, %add3A_1848 : vector<8x512xf32>
    %swap3A_1850 = arith.constant 0 : index
    %swap3A_1851 = arith.constant 216 : index
    %swap3A_1852 = arith.constant 0 : index
    %swap3A_1853 = vector.load %arg3[%swap3A_1850, %swap3A_1851, %swap3A_1852] : memref<8x256x512xf32, #tpu.memory_space<vmem>>, vector<1x8x512xf32>
    %swap3A_1854 = vector.shape_cast %swap3A_1853 : vector<1x8x512xf32> to vector<8x512xf32>
    %swap3A_1855 = vector.shape_cast %add3A_1849 : vector<8x512xf32> to vector<1x8x512xf32>
    tpu.vector_store %arg3[%swap3A_1850, %swap3A_1851, %swap3A_1852], %swap3A_1855 {strides = array<i32>} : memref<8x256x512xf32, #tpu.memory_space<vmem>>, vector<1x8x512xf32>,
    %add3A_1856 = vector.broadcast %broadcast_in_dim3A_7 : vector<1x512xf32> to vector<8x512xf32>
    %add3A_1857 = arith.addf %get3A_1847, %add3A_1856 : vector<8x512xf32>
    %swap3A_1858 = arith.constant 1 : index
    %swap3A_1859 = arith.constant 216 : index
    %swap3A_1860 = arith.constant 0 : index
    %swap3A_1861 = vector.load %arg3[%swap3A_1858, %swap3A_1859, %swap3A_1860] : memref<8x256x512xf32, #tpu.memory_space<vmem>>, vector<1x8x512xf32>
    %swap3A_1862 = vector.shape_cast %swap3A_1861 : vector<1x8x512xf32> to vector<8x512xf32>
    %swap3A_1863 = vector.shape_cast %add3A_1857 : vector<8x512xf32> to vector<1x8x512xf32>
    tpu.vector_store %arg3[%swap3A_1858, %swap3A_1859, %swap3A_1860], %swap3A_1863 {strides = array<i32>} : memref<8x256x512xf32, #tpu.memory_space<vmem>>, vector<1x8x512xf32>,
    %add3A_1864 = vector.broadcast %broadcast_in_dim3A_12 : vector<1x512xf32> to vector<8x512xf32>
    %add3A_1865 = arith.addf %get3A_1847, %add3A_1864 : vector<8x512xf32>
    %swap3A_1866 = arith.constant 2 : index
    %swap3A_1867 = arith.constant 216 : index
    %swap3A_1868 = arith.constant 0 : index
    %swap3A_1869 = vector.load %arg3[%swap3A_1866, %swap3A_1867, %swap3A_1868] : memref<8x256x512xf32, #tpu.memory_space<vmem>>, vector<1x8x512xf32>
    %swap3A_1870 = vector.shape_cast %swap3A_1869 : vector<1x8x512xf32> to vector<8x512xf32>
    %swap3A_1871 = vector.shape_cast %add3A_1865 : vector<8x512xf32> to vector<1x8x512xf32>
    tpu.vector_store %arg3[%swap3A_1866, %swap3A_1867, %swap3A_1868], %swap3A_1871 {strides = array<i32>} : memref<8x256x512xf32, #tpu.memory_space<vmem>>, vector<1x8x512xf32>,
    %add3A_1872 = vector.broadcast %broadcast_in_dim3A_17 : vector<1x512xf32> to vector<8x512xf32>
    %add3A_1873 = arith.addf %get3A_1847, %add3A_1872 : vector<8x512xf32>
    %swap3A_1874 = arith.constant 3 : index
    %swap3A_1875 = arith.constant 216 : index
    %swap3A_1876 = arith.constant 0 : index
    %swap3A_1877 = vector.load %arg3[%swap3A_1874, %swap3A_1875, %swap3A_1876] : memref<8x256x512xf32, #tpu.memory_space<vmem>>, vector<1x8x512xf32>
    %swap3A_1878 = vector.shape_cast %swap3A_1877 : vector<1x8x512xf32> to vector<8x512xf32>
    %swap3A_1879 = vector.shape_cast %add3A_1873 : vector<8x512xf32> to vector<1x8x512xf32>
    tpu.vector_store %arg3[%swap3A_1874, %swap3A_1875, %swap3A_1876], %swap3A_1879 {strides = array<i32>} : memref<8x256x512xf32, #tpu.memory_space<vmem>>, vector<1x8x512xf32>,
    %add3A_1880 = vector.broadcast %broadcast_in_dim3A_22 : vector<1x512xf32> to vector<8x512xf32>
    %add3A_1881 = arith.addf %get3A_1847, %add3A_1880 : vector<8x512xf32>
    %swap3A_1882 = arith.constant 4 : index
    %swap3A_1883 = arith.constant 216 : index
    %swap3A_1884 = arith.constant 0 : index
    %swap3A_1885 = vector.load %arg3[%swap3A_1882, %swap3A_1883, %swap3A_1884] : memref<8x256x512xf32, #tpu.memory_space<vmem>>, vector<1x8x512xf32>
    %swap3A_1886 = vector.shape_cast %swap3A_1885 : vector<1x8x512xf32> to vector<8x512xf32>
    %swap3A_1887 = vector.shape_cast %add3A_1881 : vector<8x512xf32> to vector<1x8x512xf32>
    tpu.vector_store %arg3[%swap3A_1882, %swap3A_1883, %swap3A_1884], %swap3A_1887 {strides = array<i32>} : memref<8x256x512xf32, #tpu.memory_space<vmem>>, vector<1x8x512xf32>,
    %add3A_1888 = vector.broadcast %broadcast_in_dim3A_27 : vector<1x512xf32> to vector<8x512xf32>
    %add3A_1889 = arith.addf %get3A_1847, %add3A_1888 : vector<8x512xf32>
    %swap3A_1890 = arith.constant 5 : index
    %swap3A_1891 = arith.constant 216 : index
    %swap3A_1892 = arith.constant 0 : index
    %swap3A_1893 = vector.load %arg3[%swap3A_1890, %swap3A_1891, %swap3A_1892] : memref<8x256x512xf32, #tpu.memory_space<vmem>>, vector<1x8x512xf32>
    %swap3A_1894 = vector.shape_cast %swap3A_1893 : vector<1x8x512xf32> to vector<8x512xf32>
    %swap3A_1895 = vector.shape_cast %add3A_1889 : vector<8x512xf32> to vector<1x8x512xf32>
    tpu.vector_store %arg3[%swap3A_1890, %swap3A_1891, %swap3A_1892], %swap3A_1895 {strides = array<i32>} : memref<8x256x512xf32, #tpu.memory_space<vmem>>, vector<1x8x512xf32>,
    %add3A_1896 = vector.broadcast %broadcast_in_dim3A_32 : vector<1x512xf32> to vector<8x512xf32>
    %add3A_1897 = arith.addf %get3A_1847, %add3A_1896 : vector<8x512xf32>
    %swap3A_1898 = arith.constant 6 : index
    %swap3A_1899 = arith.constant 216 : index
    %swap3A_1900 = arith.constant 0 : index
    %swap3A_1901 = vector.load %arg3[%swap3A_1898, %swap3A_1899, %swap3A_1900] : memref<8x256x512xf32, #tpu.memory_space<vmem>>, vector<1x8x512xf32>
    %swap3A_1902 = vector.shape_cast %swap3A_1901 : vector<1x8x512xf32> to vector<8x512xf32>
    %swap3A_1903 = vector.shape_cast %add3A_1897 : vector<8x512xf32> to vector<1x8x512xf32>
    tpu.vector_store %arg3[%swap3A_1898, %swap3A_1899, %swap3A_1900], %swap3A_1903 {strides = array<i32>} : memref<8x256x512xf32, #tpu.memory_space<vmem>>, vector<1x8x512xf32>,
    %add3A_1904 = vector.broadcast %broadcast_in_dim3A_37 : vector<1x512xf32> to vector<8x512xf32>
    %add3A_1905 = arith.addf %get3A_1847, %add3A_1904 : vector<8x512xf32>
    %swap3A_1906 = arith.constant 7 : index
    %swap3A_1907 = arith.constant 216 : index
    %swap3A_1908 = arith.constant 0 : index
    %swap3A_1909 = vector.load %arg3[%swap3A_1906, %swap3A_1907, %swap3A_1908] : memref<8x256x512xf32, #tpu.memory_space<vmem>>, vector<1x8x512xf32>
    %swap3A_1910 = vector.shape_cast %swap3A_1909 : vector<1x8x512xf32> to vector<8x512xf32>
    %swap3A_1911 = vector.shape_cast %add3A_1905 : vector<8x512xf32> to vector<1x8x512xf32>
    tpu.vector_store %arg3[%swap3A_1906, %swap3A_1907, %swap3A_1908], %swap3A_1911 {strides = array<i32>} : memref<8x256x512xf32, #tpu.memory_space<vmem>>, vector<1x8x512xf32>,
    %get3A_1912 = arith.constant 224 : index
    %get3A_1913 = arith.constant 0 : index
    %get3A_1914 = vector.load %arg1[%get3A_1912, %get3A_1913] : memref<256x512xf32, #tpu.memory_space<vmem>>, vector<8x512xf32>
    %add3A_1915 = vector.broadcast %broadcast_in_dim3A : vector<1x512xf32> to vector<8x512xf32>
    %add3A_1916 = arith.addf %get3A_1914, %add3A_1915 : vector<8x512xf32>
    %swap3A_1917 = arith.constant 0 : index
    %swap3A_1918 = arith.constant 224 : index
    %swap3A_1919 = arith.constant 0 : index
    %swap3A_1920 = vector.load %arg3[%swap3A_1917, %swap3A_1918, %swap3A_1919] : memref<8x256x512xf32, #tpu.memory_space<vmem>>, vector<1x8x512xf32>
    %swap3A_1921 = vector.shape_cast %swap3A_1920 : vector<1x8x512xf32> to vector<8x512xf32>
    %swap3A_1922 = vector.shape_cast %add3A_1916 : vector<8x512xf32> to vector<1x8x512xf32>
    tpu.vector_store %arg3[%swap3A_1917, %swap3A_1918, %swap3A_1919], %swap3A_1922 {strides = array<i32>} : memref<8x256x512xf32, #tpu.memory_space<vmem>>, vector<1x8x512xf32>,
    %add3A_1923 = vector.broadcast %broadcast_in_dim3A_7 : vector<1x512xf32> to vector<8x512xf32>
    %add3A_1924 = arith.addf %get3A_1914, %add3A_1923 : vector<8x512xf32>
    %swap3A_1925 = arith.constant 1 : index
    %swap3A_1926 = arith.constant 224 : index
    %swap3A_1927 = arith.constant 0 : index
    %swap3A_1928 = vector.load %arg3[%swap3A_1925, %swap3A_1926, %swap3A_1927] : memref<8x256x512xf32, #tpu.memory_space<vmem>>, vector<1x8x512xf32>
    %swap3A_1929 = vector.shape_cast %swap3A_1928 : vector<1x8x512xf32> to vector<8x512xf32>
    %swap3A_1930 = vector.shape_cast %add3A_1924 : vector<8x512xf32> to vector<1x8x512xf32>
    tpu.vector_store %arg3[%swap3A_1925, %swap3A_1926, %swap3A_1927], %swap3A_1930 {strides = array<i32>} : memref<8x256x512xf32, #tpu.memory_space<vmem>>, vector<1x8x512xf32>,
    %add3A_1931 = vector.broadcast %broadcast_in_dim3A_12 : vector<1x512xf32> to vector<8x512xf32>
    %add3A_1932 = arith.addf %get3A_1914, %add3A_1931 : vector<8x512xf32>
    %swap3A_1933 = arith.constant 2 : index
    %swap3A_1934 = arith.constant 224 : index
    %swap3A_1935 = arith.constant 0 : index
    %swap3A_1936 = vector.load %arg3[%swap3A_1933, %swap3A_1934, %swap3A_1935] : memref<8x256x512xf32, #tpu.memory_space<vmem>>, vector<1x8x512xf32>
    %swap3A_1937 = vector.shape_cast %swap3A_1936 : vector<1x8x512xf32> to vector<8x512xf32>
    %swap3A_1938 = vector.shape_cast %add3A_1932 : vector<8x512xf32> to vector<1x8x512xf32>
    tpu.vector_store %arg3[%swap3A_1933, %swap3A_1934, %swap3A_1935], %swap3A_1938 {strides = array<i32>} : memref<8x256x512xf32, #tpu.memory_space<vmem>>, vector<1x8x512xf32>,
    %add3A_1939 = vector.broadcast %broadcast_in_dim3A_17 : vector<1x512xf32> to vector<8x512xf32>
    %add3A_1940 = arith.addf %get3A_1914, %add3A_1939 : vector<8x512xf32>
    %swap3A_1941 = arith.constant 3 : index
    %swap3A_1942 = arith.constant 224 : index
    %swap3A_1943 = arith.constant 0 : index
    %swap3A_1944 = vector.load %arg3[%swap3A_1941, %swap3A_1942, %swap3A_1943] : memref<8x256x512xf32, #tpu.memory_space<vmem>>, vector<1x8x512xf32>
    %swap3A_1945 = vector.shape_cast %swap3A_1944 : vector<1x8x512xf32> to vector<8x512xf32>
    %swap3A_1946 = vector.shape_cast %add3A_1940 : vector<8x512xf32> to vector<1x8x512xf32>
    tpu.vector_store %arg3[%swap3A_1941, %swap3A_1942, %swap3A_1943], %swap3A_1946 {strides = array<i32>} : memref<8x256x512xf32, #tpu.memory_space<vmem>>, vector<1x8x512xf32>,
    %add3A_1947 = vector.broadcast %broadcast_in_dim3A_22 : vector<1x512xf32> to vector<8x512xf32>
    %add3A_1948 = arith.addf %get3A_1914, %add3A_1947 : vector<8x512xf32>
    %swap3A_1949 = arith.constant 4 : index
    %swap3A_1950 = arith.constant 224 : index
    %swap3A_1951 = arith.constant 0 : index
    %swap3A_1952 = vector.load %arg3[%swap3A_1949, %swap3A_1950, %swap3A_1951] : memref<8x256x512xf32, #tpu.memory_space<vmem>>, vector<1x8x512xf32>
    %swap3A_1953 = vector.shape_cast %swap3A_1952 : vector<1x8x512xf32> to vector<8x512xf32>
    %swap3A_1954 = vector.shape_cast %add3A_1948 : vector<8x512xf32> to vector<1x8x512xf32>
    tpu.vector_store %arg3[%swap3A_1949, %swap3A_1950, %swap3A_1951], %swap3A_1954 {strides = array<i32>} : memref<8x256x512xf32, #tpu.memory_space<vmem>>, vector<1x8x512xf32>,
    %add3A_1955 = vector.broadcast %broadcast_in_dim3A_27 : vector<1x512xf32> to vector<8x512xf32>
    %add3A_1956 = arith.addf %get3A_1914, %add3A_1955 : vector<8x512xf32>
    %swap3A_1957 = arith.constant 5 : index
    %swap3A_1958 = arith.constant 224 : index
    %swap3A_1959 = arith.constant 0 : index
    %swap3A_1960 = vector.load %arg3[%swap3A_1957, %swap3A_1958, %swap3A_1959] : memref<8x256x512xf32, #tpu.memory_space<vmem>>, vector<1x8x512xf32>
    %swap3A_1961 = vector.shape_cast %swap3A_1960 : vector<1x8x512xf32> to vector<8x512xf32>
    %swap3A_1962 = vector.shape_cast %add3A_1956 : vector<8x512xf32> to vector<1x8x512xf32>
    tpu.vector_store %arg3[%swap3A_1957, %swap3A_1958, %swap3A_1959], %swap3A_1962 {strides = array<i32>} : memref<8x256x512xf32, #tpu.memory_space<vmem>>, vector<1x8x512xf32>,
    %add3A_1963 = vector.broadcast %broadcast_in_dim3A_32 : vector<1x512xf32> to vector<8x512xf32>
    %add3A_1964 = arith.addf %get3A_1914, %add3A_1963 : vector<8x512xf32>
    %swap3A_1965 = arith.constant 6 : index
    %swap3A_1966 = arith.constant 224 : index
    %swap3A_1967 = arith.constant 0 : index
    %swap3A_1968 = vector.load %arg3[%swap3A_1965, %swap3A_1966, %swap3A_1967] : memref<8x256x512xf32, #tpu.memory_space<vmem>>, vector<1x8x512xf32>
    %swap3A_1969 = vector.shape_cast %swap3A_1968 : vector<1x8x512xf32> to vector<8x512xf32>
    %swap3A_1970 = vector.shape_cast %add3A_1964 : vector<8x512xf32> to vector<1x8x512xf32>
    tpu.vector_store %arg3[%swap3A_1965, %swap3A_1966, %swap3A_1967], %swap3A_1970 {strides = array<i32>} : memref<8x256x512xf32, #tpu.memory_space<vmem>>, vector<1x8x512xf32>,
    %add3A_1971 = vector.broadcast %broadcast_in_dim3A_37 : vector<1x512xf32> to vector<8x512xf32>
    %add3A_1972 = arith.addf %get3A_1914, %add3A_1971 : vector<8x512xf32>
    %swap3A_1973 = arith.constant 7 : index
    %swap3A_1974 = arith.constant 224 : index
    %swap3A_1975 = arith.constant 0 : index
    %swap3A_1976 = vector.load %arg3[%swap3A_1973, %swap3A_1974, %swap3A_1975] : memref<8x256x512xf32, #tpu.memory_space<vmem>>, vector<1x8x512xf32>
    %swap3A_1977 = vector.shape_cast %swap3A_1976 : vector<1x8x512xf32> to vector<8x512xf32>
    %swap3A_1978 = vector.shape_cast %add3A_1972 : vector<8x512xf32> to vector<1x8x512xf32>
    tpu.vector_store %arg3[%swap3A_1973, %swap3A_1974, %swap3A_1975], %swap3A_1978 {strides = array<i32>} : memref<8x256x512xf32, #tpu.memory_space<vmem>>, vector<1x8x512xf32>,
    %get3A_1979 = arith.constant 232 : index
    %get3A_1980 = arith.constant 0 : index
    %get3A_1981 = vector.load %arg1[%get3A_1979, %get3A_1980] : memref<256x512xf32, #tpu.memory_space<vmem>>, vector<8x512xf32>
    %add3A_1982 = vector.broadcast %broadcast_in_dim3A : vector<1x512xf32> to vector<8x512xf32>
    %add3A_1983 = arith.addf %get3A_1981, %add3A_1982 : vector<8x512xf32>
    %swap3A_1984 = arith.constant 0 : index
    %swap3A_1985 = arith.constant 232 : index
    %swap3A_1986 = arith.constant 0 : index
    %swap3A_1987 = vector.load %arg3[%swap3A_1984, %swap3A_1985, %swap3A_1986] : memref<8x256x512xf32, #tpu.memory_space<vmem>>, vector<1x8x512xf32>
    %swap3A_1988 = vector.shape_cast %swap3A_1987 : vector<1x8x512xf32> to vector<8x512xf32>
    %swap3A_1989 = vector.shape_cast %add3A_1983 : vector<8x512xf32> to vector<1x8x512xf32>
    tpu.vector_store %arg3[%swap3A_1984, %swap3A_1985, %swap3A_1986], %swap3A_1989 {strides = array<i32>} : memref<8x256x512xf32, #tpu.memory_space<vmem>>, vector<1x8x512xf32>,
    %add3A_1990 = vector.broadcast %broadcast_in_dim3A_7 : vector<1x512xf32> to vector<8x512xf32>
    %add3A_1991 = arith.addf %get3A_1981, %add3A_1990 : vector<8x512xf32>
    %swap3A_1992 = arith.constant 1 : index
    %swap3A_1993 = arith.constant 232 : index
    %swap3A_1994 = arith.constant 0 : index
    %swap3A_1995 = vector.load %arg3[%swap3A_1992, %swap3A_1993, %swap3A_1994] : memref<8x256x512xf32, #tpu.memory_space<vmem>>, vector<1x8x512xf32>
    %swap3A_1996 = vector.shape_cast %swap3A_1995 : vector<1x8x512xf32> to vector<8x512xf32>
    %swap3A_1997 = vector.shape_cast %add3A_1991 : vector<8x512xf32> to vector<1x8x512xf32>
    tpu.vector_store %arg3[%swap3A_1992, %swap3A_1993, %swap3A_1994], %swap3A_1997 {strides = array<i32>} : memref<8x256x512xf32, #tpu.memory_space<vmem>>, vector<1x8x512xf32>,
    %add3A_1998 = vector.broadcast %broadcast_in_dim3A_12 : vector<1x512xf32> to vector<8x512xf32>
    %add3A_1999 = arith.addf %get3A_1981, %add3A_1998 : vector<8x512xf32>
    %swap3A_2000 = arith.constant 2 : index
    %swap3A_2001 = arith.constant 232 : index
    %swap3A_2002 = arith.constant 0 : index
    %swap3A_2003 = vector.load %arg3[%swap3A_2000, %swap3A_2001, %swap3A_2002] : memref<8x256x512xf32, #tpu.memory_space<vmem>>, vector<1x8x512xf32>
    %swap3A_2004 = vector.shape_cast %swap3A_2003 : vector<1x8x512xf32> to vector<8x512xf32>
    %swap3A_2005 = vector.shape_cast %add3A_1999 : vector<8x512xf32> to vector<1x8x512xf32>
    tpu.vector_store %arg3[%swap3A_2000, %swap3A_2001, %swap3A_2002], %swap3A_2005 {strides = array<i32>} : memref<8x256x512xf32, #tpu.memory_space<vmem>>, vector<1x8x512xf32>,
    %add3A_2006 = vector.broadcast %broadcast_in_dim3A_17 : vector<1x512xf32> to vector<8x512xf32>
    %add3A_2007 = arith.addf %get3A_1981, %add3A_2006 : vector<8x512xf32>
    %swap3A_2008 = arith.constant 3 : index
    %swap3A_2009 = arith.constant 232 : index
    %swap3A_2010 = arith.constant 0 : index
    %swap3A_2011 = vector.load %arg3[%swap3A_2008, %swap3A_2009, %swap3A_2010] : memref<8x256x512xf32, #tpu.memory_space<vmem>>, vector<1x8x512xf32>
    %swap3A_2012 = vector.shape_cast %swap3A_2011 : vector<1x8x512xf32> to vector<8x512xf32>
    %swap3A_2013 = vector.shape_cast %add3A_2007 : vector<8x512xf32> to vector<1x8x512xf32>
    tpu.vector_store %arg3[%swap3A_2008, %swap3A_2009, %swap3A_2010], %swap3A_2013 {strides = array<i32>} : memref<8x256x512xf32, #tpu.memory_space<vmem>>, vector<1x8x512xf32>,
    %add3A_2014 = vector.broadcast %broadcast_in_dim3A_22 : vector<1x512xf32> to vector<8x512xf32>
    %add3A_2015 = arith.addf %get3A_1981, %add3A_2014 : vector<8x512xf32>
    %swap3A_2016 = arith.constant 4 : index
    %swap3A_2017 = arith.constant 232 : index
    %swap3A_2018 = arith.constant 0 : index
    %swap3A_2019 = vector.load %arg3[%swap3A_2016, %swap3A_2017, %swap3A_2018] : memref<8x256x512xf32, #tpu.memory_space<vmem>>, vector<1x8x512xf32>
    %swap3A_2020 = vector.shape_cast %swap3A_2019 : vector<1x8x512xf32> to vector<8x512xf32>
    %swap3A_2021 = vector.shape_cast %add3A_2015 : vector<8x512xf32> to vector<1x8x512xf32>
    tpu.vector_store %arg3[%swap3A_2016, %swap3A_2017, %swap3A_2018], %swap3A_2021 {strides = array<i32>} : memref<8x256x512xf32, #tpu.memory_space<vmem>>, vector<1x8x512xf32>,
    %add3A_2022 = vector.broadcast %broadcast_in_dim3A_27 : vector<1x512xf32> to vector<8x512xf32>
    %add3A_2023 = arith.addf %get3A_1981, %add3A_2022 : vector<8x512xf32>
    %swap3A_2024 = arith.constant 5 : index
    %swap3A_2025 = arith.constant 232 : index
    %swap3A_2026 = arith.constant 0 : index
    %swap3A_2027 = vector.load %arg3[%swap3A_2024, %swap3A_2025, %swap3A_2026] : memref<8x256x512xf32, #tpu.memory_space<vmem>>, vector<1x8x512xf32>
    %swap3A_2028 = vector.shape_cast %swap3A_2027 : vector<1x8x512xf32> to vector<8x512xf32>
    %swap3A_2029 = vector.shape_cast %add3A_2023 : vector<8x512xf32> to vector<1x8x512xf32>
    tpu.vector_store %arg3[%swap3A_2024, %swap3A_2025, %swap3A_2026], %swap3A_2029 {strides = array<i32>} : memref<8x256x512xf32, #tpu.memory_space<vmem>>, vector<1x8x512xf32>,
    %add3A_2030 = vector.broadcast %broadcast_in_dim3A_32 : vector<1x512xf32> to vector<8x512xf32>
    %add3A_2031 = arith.addf %get3A_1981, %add3A_2030 : vector<8x512xf32>
    %swap3A_2032 = arith.constant 6 : index
    %swap3A_2033 = arith.constant 232 : index
    %swap3A_2034 = arith.constant 0 : index
    %swap3A_2035 = vector.load %arg3[%swap3A_2032, %swap3A_2033, %swap3A_2034] : memref<8x256x512xf32, #tpu.memory_space<vmem>>, vector<1x8x512xf32>
    %swap3A_2036 = vector.shape_cast %swap3A_2035 : vector<1x8x512xf32> to vector<8x512xf32>
    %swap3A_2037 = vector.shape_cast %add3A_2031 : vector<8x512xf32> to vector<1x8x512xf32>
    tpu.vector_store %arg3[%swap3A_2032, %swap3A_2033, %swap3A_2034], %swap3A_2037 {strides = array<i32>} : memref<8x256x512xf32, #tpu.memory_space<vmem>>, vector<1x8x512xf32>,
    %add3A_2038 = vector.broadcast %broadcast_in_dim3A_37 : vector<1x512xf32> to vector<8x512xf32>
    %add3A_2039 = arith.addf %get3A_1981, %add3A_2038 : vector<8x512xf32>
    %swap3A_2040 = arith.constant 7 : index
    %swap3A_2041 = arith.constant 232 : index
    %swap3A_2042 = arith.constant 0 : index
    %swap3A_2043 = vector.load %arg3[%swap3A_2040, %swap3A_2041, %swap3A_2042] : memref<8x256x512xf32, #tpu.memory_space<vmem>>, vector<1x8x512xf32>
    %swap3A_2044 = vector.shape_cast %swap3A_2043 : vector<1x8x512xf32> to vector<8x512xf32>
    %swap3A_2045 = vector.shape_cast %add3A_2039 : vector<8x512xf32> to vector<1x8x512xf32>
    tpu.vector_store %arg3[%swap3A_2040, %swap3A_2041, %swap3A_2042], %swap3A_2045 {strides = array<i32>} : memref<8x256x512xf32, #tpu.memory_space<vmem>>, vector<1x8x512xf32>,
    %get3A_2046 = arith.constant 240 : index
    %get3A_2047 = arith.constant 0 : index
    %get3A_2048 = vector.load %arg1[%get3A_2046, %get3A_2047] : memref<256x512xf32, #tpu.memory_space<vmem>>, vector<8x512xf32>
    %add3A_2049 = vector.broadcast %broadcast_in_dim3A : vector<1x512xf32> to vector<8x512xf32>
    %add3A_2050 = arith.addf %get3A_2048, %add3A_2049 : vector<8x512xf32>
    %swap3A_2051 = arith.constant 0 : index
    %swap3A_2052 = arith.constant 240 : index
    %swap3A_2053 = arith.constant 0 : index
    %swap3A_2054 = vector.load %arg3[%swap3A_2051, %swap3A_2052, %swap3A_2053] : memref<8x256x512xf32, #tpu.memory_space<vmem>>, vector<1x8x512xf32>
    %swap3A_2055 = vector.shape_cast %swap3A_2054 : vector<1x8x512xf32> to vector<8x512xf32>
    %swap3A_2056 = vector.shape_cast %add3A_2050 : vector<8x512xf32> to vector<1x8x512xf32>
    tpu.vector_store %arg3[%swap3A_2051, %swap3A_2052, %swap3A_2053], %swap3A_2056 {strides = array<i32>} : memref<8x256x512xf32, #tpu.memory_space<vmem>>, vector<1x8x512xf32>,
    %add3A_2057 = vector.broadcast %broadcast_in_dim3A_7 : vector<1x512xf32> to vector<8x512xf32>
    %add3A_2058 = arith.addf %get3A_2048, %add3A_2057 : vector<8x512xf32>
    %swap3A_2059 = arith.constant 1 : index
    %swap3A_2060 = arith.constant 240 : index
    %swap3A_2061 = arith.constant 0 : index
    %swap3A_2062 = vector.load %arg3[%swap3A_2059, %swap3A_2060, %swap3A_2061] : memref<8x256x512xf32, #tpu.memory_space<vmem>>, vector<1x8x512xf32>
    %swap3A_2063 = vector.shape_cast %swap3A_2062 : vector<1x8x512xf32> to vector<8x512xf32>
    %swap3A_2064 = vector.shape_cast %add3A_2058 : vector<8x512xf32> to vector<1x8x512xf32>
    tpu.vector_store %arg3[%swap3A_2059, %swap3A_2060, %swap3A_2061], %swap3A_2064 {strides = array<i32>} : memref<8x256x512xf32, #tpu.memory_space<vmem>>, vector<1x8x512xf32>,
    %add3A_2065 = vector.broadcast %broadcast_in_dim3A_12 : vector<1x512xf32> to vector<8x512xf32>
    %add3A_2066 = arith.addf %get3A_2048, %add3A_2065 : vector<8x512xf32>
    %swap3A_2067 = arith.constant 2 : index
    %swap3A_2068 = arith.constant 240 : index
    %swap3A_2069 = arith.constant 0 : index
    %swap3A_2070 = vector.load %arg3[%swap3A_2067, %swap3A_2068, %swap3A_2069] : memref<8x256x512xf32, #tpu.memory_space<vmem>>, vector<1x8x512xf32>
    %swap3A_2071 = vector.shape_cast %swap3A_2070 : vector<1x8x512xf32> to vector<8x512xf32>
    %swap3A_2072 = vector.shape_cast %add3A_2066 : vector<8x512xf32> to vector<1x8x512xf32>
    tpu.vector_store %arg3[%swap3A_2067, %swap3A_2068, %swap3A_2069], %swap3A_2072 {strides = array<i32>} : memref<8x256x512xf32, #tpu.memory_space<vmem>>, vector<1x8x512xf32>,
    %add3A_2073 = vector.broadcast %broadcast_in_dim3A_17 : vector<1x512xf32> to vector<8x512xf32>
    %add3A_2074 = arith.addf %get3A_2048, %add3A_2073 : vector<8x512xf32>
    %swap3A_2075 = arith.constant 3 : index
    %swap3A_2076 = arith.constant 240 : index
    %swap3A_2077 = arith.constant 0 : index
    %swap3A_2078 = vector.load %arg3[%swap3A_2075, %swap3A_2076, %swap3A_2077] : memref<8x256x512xf32, #tpu.memory_space<vmem>>, vector<1x8x512xf32>
    %swap3A_2079 = vector.shape_cast %swap3A_2078 : vector<1x8x512xf32> to vector<8x512xf32>
    %swap3A_2080 = vector.shape_cast %add3A_2074 : vector<8x512xf32> to vector<1x8x512xf32>
    tpu.vector_store %arg3[%swap3A_2075, %swap3A_2076, %swap3A_2077], %swap3A_2080 {strides = array<i32>} : memref<8x256x512xf32, #tpu.memory_space<vmem>>, vector<1x8x512xf32>,
    %add3A_2081 = vector.broadcast %broadcast_in_dim3A_22 : vector<1x512xf32> to vector<8x512xf32>
    %add3A_2082 = arith.addf %get3A_2048, %add3A_2081 : vector<8x512xf32>
    %swap3A_2083 = arith.constant 4 : index
    %swap3A_2084 = arith.constant 240 : index
    %swap3A_2085 = arith.constant 0 : index
    %swap3A_2086 = vector.load %arg3[%swap3A_2083, %swap3A_2084, %swap3A_2085] : memref<8x256x512xf32, #tpu.memory_space<vmem>>, vector<1x8x512xf32>
    %swap3A_2087 = vector.shape_cast %swap3A_2086 : vector<1x8x512xf32> to vector<8x512xf32>
    %swap3A_2088 = vector.shape_cast %add3A_2082 : vector<8x512xf32> to vector<1x8x512xf32>
    tpu.vector_store %arg3[%swap3A_2083, %swap3A_2084, %swap3A_2085], %swap3A_2088 {strides = array<i32>} : memref<8x256x512xf32, #tpu.memory_space<vmem>>, vector<1x8x512xf32>,
    %add3A_2089 = vector.broadcast %broadcast_in_dim3A_27 : vector<1x512xf32> to vector<8x512xf32>
    %add3A_2090 = arith.addf %get3A_2048, %add3A_2089 : vector<8x512xf32>
    %swap3A_2091 = arith.constant 5 : index
    %swap3A_2092 = arith.constant 240 : index
    %swap3A_2093 = arith.constant 0 : index
    %swap3A_2094 = vector.load %arg3[%swap3A_2091, %swap3A_2092, %swap3A_2093] : memref<8x256x512xf32, #tpu.memory_space<vmem>>, vector<1x8x512xf32>
    %swap3A_2095 = vector.shape_cast %swap3A_2094 : vector<1x8x512xf32> to vector<8x512xf32>
    %swap3A_2096 = vector.shape_cast %add3A_2090 : vector<8x512xf32> to vector<1x8x512xf32>
    tpu.vector_store %arg3[%swap3A_2091, %swap3A_2092, %swap3A_2093], %swap3A_2096 {strides = array<i32>} : memref<8x256x512xf32, #tpu.memory_space<vmem>>, vector<1x8x512xf32>,
    %add3A_2097 = vector.broadcast %broadcast_in_dim3A_32 : vector<1x512xf32> to vector<8x512xf32>
    %add3A_2098 = arith.addf %get3A_2048, %add3A_2097 : vector<8x512xf32>
    %swap3A_2099 = arith.constant 6 : index
    %swap3A_2100 = arith.constant 240 : index
    %swap3A_2101 = arith.constant 0 : index
    %swap3A_2102 = vector.load %arg3[%swap3A_2099, %swap3A_2100, %swap3A_2101] : memref<8x256x512xf32, #tpu.memory_space<vmem>>, vector<1x8x512xf32>
    %swap3A_2103 = vector.shape_cast %swap3A_2102 : vector<1x8x512xf32> to vector<8x512xf32>
    %swap3A_2104 = vector.shape_cast %add3A_2098 : vector<8x512xf32> to vector<1x8x512xf32>
    tpu.vector_store %arg3[%swap3A_2099, %swap3A_2100, %swap3A_2101], %swap3A_2104 {strides = array<i32>} : memref<8x256x512xf32, #tpu.memory_space<vmem>>, vector<1x8x512xf32>,
    %add3A_2105 = vector.broadcast %broadcast_in_dim3A_37 : vector<1x512xf32> to vector<8x512xf32>
    %add3A_2106 = arith.addf %get3A_2048, %add3A_2105 : vector<8x512xf32>
    %swap3A_2107 = arith.constant 7 : index
    %swap3A_2108 = arith.constant 240 : index
    %swap3A_2109 = arith.constant 0 : index
    %swap3A_2110 = vector.load %arg3[%swap3A_2107, %swap3A_2108, %swap3A_2109] : memref<8x256x512xf32, #tpu.memory_space<vmem>>, vector<1x8x512xf32>
    %swap3A_2111 = vector.shape_cast %swap3A_2110 : vector<1x8x512xf32> to vector<8x512xf32>
    %swap3A_2112 = vector.shape_cast %add3A_2106 : vector<8x512xf32> to vector<1x8x512xf32>
    tpu.vector_store %arg3[%swap3A_2107, %swap3A_2108, %swap3A_2109], %swap3A_2112 {strides = array<i32>} : memref<8x256x512xf32, #tpu.memory_space<vmem>>, vector<1x8x512xf32>,
    %get3A_2113 = arith.constant 248 : index
    %get3A_2114 = arith.constant 0 : index
    %get3A_2115 = vector.load %arg1[%get3A_2113, %get3A_2114] : memref<256x512xf32, #tpu.memory_space<vmem>>, vector<8x512xf32>
    %add3A_2116 = vector.broadcast %broadcast_in_dim3A : vector<1x512xf32> to vector<8x512xf32>
    %add3A_2117 = arith.addf %get3A_2115, %add3A_2116 : vector<8x512xf32>
    %swap3A_2118 = arith.constant 0 : index
    %swap3A_2119 = arith.constant 248 : index
    %swap3A_2120 = arith.constant 0 : index
    %swap3A_2121 = vector.load %arg3[%swap3A_2118, %swap3A_2119, %swap3A_2120] : memref<8x256x512xf32, #tpu.memory_space<vmem>>, vector<1x8x512xf32>
    %swap3A_2122 = vector.shape_cast %swap3A_2121 : vector<1x8x512xf32> to vector<8x512xf32>
    %swap3A_2123 = vector.shape_cast %add3A_2117 : vector<8x512xf32> to vector<1x8x512xf32>
    tpu.vector_store %arg3[%swap3A_2118, %swap3A_2119, %swap3A_2120], %swap3A_2123 {strides = array<i32>} : memref<8x256x512xf32, #tpu.memory_space<vmem>>, vector<1x8x512xf32>,
    %add3A_2124 = vector.broadcast %broadcast_in_dim3A_7 : vector<1x512xf32> to vector<8x512xf32>
    %add3A_2125 = arith.addf %get3A_2115, %add3A_2124 : vector<8x512xf32>
    %swap3A_2126 = arith.constant 1 : index
    %swap3A_2127 = arith.constant 248 : index
    %swap3A_2128 = arith.constant 0 : index
    %swap3A_2129 = vector.load %arg3[%swap3A_2126, %swap3A_2127, %swap3A_2128] : memref<8x256x512xf32, #tpu.memory_space<vmem>>, vector<1x8x512xf32>
    %swap3A_2130 = vector.shape_cast %swap3A_2129 : vector<1x8x512xf32> to vector<8x512xf32>
    %swap3A_2131 = vector.shape_cast %add3A_2125 : vector<8x512xf32> to vector<1x8x512xf32>
    tpu.vector_store %arg3[%swap3A_2126, %swap3A_2127, %swap3A_2128], %swap3A_2131 {strides = array<i32>} : memref<8x256x512xf32, #tpu.memory_space<vmem>>, vector<1x8x512xf32>,
    %add3A_2132 = vector.broadcast %broadcast_in_dim3A_12 : vector<1x512xf32> to vector<8x512xf32>
    %add3A_2133 = arith.addf %get3A_2115, %add3A_2132 : vector<8x512xf32>
    %swap3A_2134 = arith.constant 2 : index
    %swap3A_2135 = arith.constant 248 : index
    %swap3A_2136 = arith.constant 0 : index
    %swap3A_2137 = vector.load %arg3[%swap3A_2134, %swap3A_2135, %swap3A_2136] : memref<8x256x512xf32, #tpu.memory_space<vmem>>, vector<1x8x512xf32>
    %swap3A_2138 = vector.shape_cast %swap3A_2137 : vector<1x8x512xf32> to vector<8x512xf32>
    %swap3A_2139 = vector.shape_cast %add3A_2133 : vector<8x512xf32> to vector<1x8x512xf32>
    tpu.vector_store %arg3[%swap3A_2134, %swap3A_2135, %swap3A_2136], %swap3A_2139 {strides = array<i32>} : memref<8x256x512xf32, #tpu.memory_space<vmem>>, vector<1x8x512xf32>,
    %add3A_2140 = vector.broadcast %broadcast_in_dim3A_17 : vector<1x512xf32> to vector<8x512xf32>
    %add3A_2141 = arith.addf %get3A_2115, %add3A_2140 : vector<8x512xf32>
    %swap3A_2142 = arith.constant 3 : index
    %swap3A_2143 = arith.constant 248 : index
    %swap3A_2144 = arith.constant 0 : index
    %swap3A_2145 = vector.load %arg3[%swap3A_2142, %swap3A_2143, %swap3A_2144] : memref<8x256x512xf32, #tpu.memory_space<vmem>>, vector<1x8x512xf32>
    %swap3A_2146 = vector.shape_cast %swap3A_2145 : vector<1x8x512xf32> to vector<8x512xf32>
    %swap3A_2147 = vector.shape_cast %add3A_2141 : vector<8x512xf32> to vector<1x8x512xf32>
    tpu.vector_store %arg3[%swap3A_2142, %swap3A_2143, %swap3A_2144], %swap3A_2147 {strides = array<i32>} : memref<8x256x512xf32, #tpu.memory_space<vmem>>, vector<1x8x512xf32>,
    %add3A_2148 = vector.broadcast %broadcast_in_dim3A_22 : vector<1x512xf32> to vector<8x512xf32>
    %add3A_2149 = arith.addf %get3A_2115, %add3A_2148 : vector<8x512xf32>
    %swap3A_2150 = arith.constant 4 : index
    %swap3A_2151 = arith.constant 248 : index
    %swap3A_2152 = arith.constant 0 : index
    %swap3A_2153 = vector.load %arg3[%swap3A_2150, %swap3A_2151, %swap3A_2152] : memref<8x256x512xf32, #tpu.memory_space<vmem>>, vector<1x8x512xf32>
    %swap3A_2154 = vector.shape_cast %swap3A_2153 : vector<1x8x512xf32> to vector<8x512xf32>
    %swap3A_2155 = vector.shape_cast %add3A_2149 : vector<8x512xf32> to vector<1x8x512xf32>
    tpu.vector_store %arg3[%swap3A_2150, %swap3A_2151, %swap3A_2152], %swap3A_2155 {strides = array<i32>} : memref<8x256x512xf32, #tpu.memory_space<vmem>>, vector<1x8x512xf32>,
    %add3A_2156 = vector.broadcast %broadcast_in_dim3A_27 : vector<1x512xf32> to vector<8x512xf32>
    %add3A_2157 = arith.addf %get3A_2115, %add3A_2156 : vector<8x512xf32>
    %swap3A_2158 = arith.constant 5 : index
    %swap3A_2159 = arith.constant 248 : index
    %swap3A_2160 = arith.constant 0 : index
    %swap3A_2161 = vector.load %arg3[%swap3A_2158, %swap3A_2159, %swap3A_2160] : memref<8x256x512xf32, #tpu.memory_space<vmem>>, vector<1x8x512xf32>
    %swap3A_2162 = vector.shape_cast %swap3A_2161 : vector<1x8x512xf32> to vector<8x512xf32>
    %swap3A_2163 = vector.shape_cast %add3A_2157 : vector<8x512xf32> to vector<1x8x512xf32>
    tpu.vector_store %arg3[%swap3A_2158, %swap3A_2159, %swap3A_2160], %swap3A_2163 {strides = array<i32>} : memref<8x256x512xf32, #tpu.memory_space<vmem>>, vector<1x8x512xf32>,
    %add3A_2164 = vector.broadcast %broadcast_in_dim3A_32 : vector<1x512xf32> to vector<8x512xf32>
    %add3A_2165 = arith.addf %get3A_2115, %add3A_2164 : vector<8x512xf32>
    %swap3A_2166 = arith.constant 6 : index
    %swap3A_2167 = arith.constant 248 : index
    %swap3A_2168 = arith.constant 0 : index
    %swap3A_2169 = vector.load %arg3[%swap3A_2166, %swap3A_2167, %swap3A_2168] : memref<8x256x512xf32, #tpu.memory_space<vmem>>, vector<1x8x512xf32>
    %swap3A_2170 = vector.shape_cast %swap3A_2169 : vector<1x8x512xf32> to vector<8x512xf32>
    %swap3A_2171 = vector.shape_cast %add3A_2165 : vector<8x512xf32> to vector<1x8x512xf32>
    tpu.vector_store %arg3[%swap3A_2166, %swap3A_2167, %swap3A_2168], %swap3A_2171 {strides = array<i32>} : memref<8x256x512xf32, #tpu.memory_space<vmem>>, vector<1x8x512xf32>,
    %add3A_2172 = vector.broadcast %broadcast_in_dim3A_37 : vector<1x512xf32> to vector<8x512xf32>
    %add3A_2173 = arith.addf %get3A_2115, %add3A_2172 : vector<8x512xf32>
    %swap3A_2174 = arith.constant 7 : index
    %swap3A_2175 = arith.constant 248 : index
    %swap3A_2176 = arith.constant 0 : index
    %swap3A_2177 = vector.load %arg3[%swap3A_2174, %swap3A_2175, %swap3A_2176] : memref<8x256x512xf32, #tpu.memory_space<vmem>>, vector<1x8x512xf32>
    %swap3A_2178 = vector.shape_cast %swap3A_2177 : vector<1x8x512xf32> to vector<8x512xf32>
    %swap3A_2179 = vector.shape_cast %add3A_2173 : vector<8x512xf32> to vector<1x8x512xf32>
    tpu.vector_store %arg3[%swap3A_2174, %swap3A_2175, %swap3A_2176], %swap3A_2179 {strides = array<i32>} : memref<8x256x512xf32, #tpu.memory_space<vmem>>, vector<1x8x512xf32>,
    return
  }
  func.func @transform_0(%arg0: i32) -> (i32, i32) {
    %c0_i32 = arith.constant 0 : i32
    %c0_i32_0 = arith.constant 0 : i32
    %c0_i32_1 = arith.constant 0 : i32
    return %c0_i32, %c0_i32_0 : i32, i32
  }
  func.func @transform_1(%arg0: i32) -> (i32, i32) {
    %c0_i32 = arith.constant 0 : i32
    %c0_i32_0 = arith.constant 0 : i32
    return %arg0, %c0_i32 : i32, i32
  }
  func.func @transform_2(%arg0: i32) -> (i32, i32, i32) {
    %c0_i32 = arith.constant 0 : i32
    %c0_i32_0 = arith.constant 0 : i32
    %c0_i32_1 = arith.constant 0 : i32
    return %arg0, %c0_i32, %c0_i32_0 : i32, i32, i32
  }
}

</mosaic_0001>

<sc_bundles>
// kernel: kernel.5.cloned.1.call-start
scs
__scs_entry_jumppad:
0x0: {  	(pc) =	sbr.rel $0x88, $3  }
0x1: {  	(tag) =	ssettag $0x0;
	lr =	simm.s32 $0x1  }
0x2: {  	[smem:$0x3F9F] =	sst lr;
	_ =	strace $0xD0000000  }
0x3: {  	_ = 	snop  }
0x4: {  	_ = 	snop  }
0x5: {  	_ = 	snop  }
0x6: {  	_ = 	snop  }
0x7: {  	_ = 	snop  }
__scs_overlays_trampoline_lowered:
0x8: {  	[smem:$0x3FAE] =	sst s0  }
0x9: {  	[smem:$0x3FAF] =	sst s1  }
0xa: {  	[smem:$0x3FB0] =	sst s2  }
0xb: {  	[smem:$0x3FB1] =	sst s3  }
0xc: {  	[smem:$0x3FB2] =	sst s4  }
0xd: {  	[smem:$0x3FB3] =	sst s5  }
0xe: {  	[smem:$0x3FB4] =	sst s6  }
0xf: {  	[smem:$0x3FB5] =	sst s7  }
0x10: {  	[smem:$0x3FB6] =	sst s8  }
0x11: {  	[smem:$0x3FB7] =	sst s9;
	s0 =	simm.s32 @!p0 $0x0  }
0x12: {  	s1 =	sld [smem:$0x3F9D];
	s0 =	simm.s32 @p0 $0x1  }
0x13: {  	[smem:$0x3FB8] =	sst s0;
	s0 =	simm.s32 @!p1 $0x0  }
0x14: {  	s2 =	sld [smem:$0x3F9C];
	s0 =	simm.s32 @p1 $0x1  }
0x15: {  	[smem:$0x3FB9] =	sst s0;
	s0 =	simm.s32 @!p2 $0x0  }
0x16: {  	s3 =	sld [smem:$0x3FDB];
	s0 =	simm.s32 @p2 $0x1  }
0x17: {  	s4 =	simm.s32 $0x1BF5;
	[smem:$0x3FBB] =	sst s0  }
0x18: {  	s0 =	sld [smem:$0x3F9E];
	_ =	swait.ge [sflag:s4], $0x0  }
0x19: {  	s7 =	sld [smem:$0x3F9F]  }
0x1a: {  	s8 =	sadd.s32 $0xFFFFE003, lr  }
0x1b: {  	s9 =	sadd.s32 $0xFFFFFEF7, lr;
	s5 =	simm.s32 $0xFFFFFFFF;
	p2 =	slt.u32 s8, $0xFFFFF086  }
0x1c: {  	p1 =	slt.u32 s9, $0xF7A;
	s5 =	simm.s32 @!p2 $0x0  }
0x1d: {  	s5 =	simm.s32 @p1 $0x1;
	p0 =	seq.s32 s7, s2  }
0x1e: {  	s7 =	smul.u32 @!p0 $0xF7A, s2;
	p2 =	seq.s32 @!p0 s5, $0x0  }
0x1f: {  	s9 =	smul.u32 $0xF7A, s1;
	s8 =	simm.s32 @!p0 $0x1BF5;
	p2 =	por !p2, p0  }
0x20: {  	[sflag:s8] =	ssyncset.s32 @!p0 $0xFFFFF086;
	s6 =	sadd.s32 @!p0 s3, s7;
	s7 =	simm.s32 @!p0 $0x108  }
0x21: {  	s3 =	sadd.s32 s3, s9;
	s6 =	sadd.s32 @!p0 $0x88, s6;
	s7 =	simm.s32 @p2 $0x1082  }
0x22: {  	[simem:s7], [sflag:s8] =	dma.local @!p0 [hbm:s6], $0xF7A  }
0x23: {  	s9 =	sor.u32 $0xD0000000, s2;
	s6 =	simm.s32 $0x108;
	_ =	swait.ge @!p0 [sflag:s8], $0x0  }
0x24: {  	s3 =	sadd.s32 $0x88, s3;
	s6 =	simm.s32 @!p1 $0x1082;
	[sflag:s4] =	ssyncset.s32 $0xFFFFF086  }
0x25: {  	[simem:s6], [sflag:s4] =	dma.local [hbm:s3], $0xF7A  }
0x26: {  	[smem:$0x3F9F] =	sst s1;
	(tag) =	ssettag s2;
	_ =	strace s9  }
0x27: {  	s1 =	sld [smem:$0x3FAF]  }
0x28: {  	s2 =	sld [smem:$0x3FB0]  }
0x29: {  	s4 =	sld [smem:$0x3FB2]  }
0x2a: {  	p0 =	seq.s32 s5, $0x0;
	s5 =	sld [smem:$0x3FB3]  }
0x2b: {  	s6 =	sld [smem:$0x3FB4]  }
0x2c: {  	s7 =	sld [smem:$0x3FB5]  }
0x2d: {  	s3 =	simm.s32 $0x108;
	s8 =	sld [smem:$0x3FB6]  }
0x2e: {  	s3 =	simm.s32 @!p0 $0x1082;
	s9 =	sld [smem:$0x3FB7]  }
0x2f: {  	lr =	sadd.s32 s0, s3;
	s0 =	sld [smem:$0x3FAE]  }
0x30: {  	s3 =	sld [smem:$0x3FB1]  }
0x31: {  	[smem:$0x3FBA] =	sst s10  }
0x32: {  	s10 =	sld [smem:$0x3FB8];
	_ =	sdelay $0x3  }
0x33: {  	p0 =	seq.s32 s10, $0x1;
	s10 =	sld [smem:$0x3FBA];
	_ =	sdelay $0x3  }
0x34: {  	[smem:$0x3FBA] =	sst s10  }
0x35: {  	s10 =	sld [smem:$0x3FB9];
	_ =	sdelay $0x3  }
0x36: {  	p1 =	seq.s32 s10, $0x1;
	s10 =	sld [smem:$0x3FBA];
	_ =	sdelay $0x3  }
0x37: {  	[smem:$0x3FBA] =	sst s10  }
0x38: {  	s10 =	sld [smem:$0x3FBB]  }
0x39: {  	_ = 	snop;
	(pc) =	sbr.ind lr, $3  }
0x3a: {  	_ = 	snop  }
0x3b: {  	_ = 	snop  }
0x3c: {  	p2 =	seq.s32 s10, $0x1;
	s10 =	sld [smem:$0x3FBA]  }
0x3d: {  	_ =	shalt  }
0x3e: {  	_ =	shalt  }
0x3f: {  	_ =	shalt  }
0x40: {  	_ =	shalt  }
0x41: {  	_ =	shalt  }
0x42: {  	_ =	shalt  }
0x43: {  	_ =	shalt  }
0x44: {  	_ =	shalt  }
0x45: {  	_ =	shalt  }
0x46: {  	_ =	shalt  }
0x47: {  	_ =	shalt  }
0x48: {  	_ =	shalt  }
0x49: {  	_ =	shalt  }
0x4a: {  	_ =	shalt  }
0x4b: {  	_ =	shalt  }
0x4c: {  	_ =	shalt  }
0x4d: {  	_ =	shalt  }
0x4e: {  	_ =	shalt  }
0x4f: {  	_ =	shalt  }
0x50: {  	_ =	shalt  }
0x51: {  	_ =	shalt  }
0x52: {  	_ =	shalt  }
0x53: {  	_ =	shalt  }
0x54: {  	_ =	shalt  }
0x55: {  	_ =	shalt  }
0x56: {  	_ =	shalt  }
0x57: {  	_ =	shalt  }
0x58: {  	_ =	shalt  }
0x59: {  	_ =	shalt  }
0x5a: {  	_ =	shalt  }
0x5b: {  	_ =	shalt  }
0x5c: {  	_ =	shalt  }
0x5d: {  	_ =	shalt  }
0x5e: {  	_ =	shalt  }
0x5f: {  	_ =	shalt  }
0x60: {  	_ =	shalt  }
0x61: {  	_ =	shalt  }
0x62: {  	_ =	shalt  }
0x63: {  	_ =	shalt  }
0x64: {  	_ =	shalt  }
0x65: {  	_ =	shalt  }
0x66: {  	_ =	shalt  }
0x67: {  	_ =	shalt  }
0x68: {  	_ =	shalt  }
0x69: {  	_ =	shalt  }
0x6a: {  	_ =	shalt  }
0x6b: {  	_ =	shalt  }
0x6c: {  	_ =	shalt  }
0x6d: {  	_ =	shalt  }
0x6e: {  	_ =	shalt  }
0x6f: {  	_ =	shalt  }
0x70: {  	_ =	shalt  }
0x71: {  	_ =	shalt  }
0x72: {  	_ =	shalt  }
0x73: {  	_ =	shalt  }
0x74: {  	_ =	shalt  }
0x75: {  	_ =	shalt  }
0x76: {  	_ =	shalt  }
0x77: {  	_ =	shalt  }
0x78: {  	_ =	shalt  }
0x79: {  	_ =	shalt  }
0x7a: {  	_ =	shalt  }
0x7b: {  	_ =	shalt  }
0x7c: {  	_ =	shalt  }
0x7d: {  	_ =	shalt  }
0x7e: {  	_ =	shalt  }
0x7f: {  	_ =	shalt  }
0x80: {  	_ =	shalt  }
0x81: {  	_ =	shalt  }
0x82: {  	_ =	shalt  }
0x83: {  	_ =	shalt  }
0x84: {  	_ =	shalt  }
0x85: {  	_ =	shalt  }
0x86: {  	_ =	shalt  }
0x87: {  	_ =	shalt  }
.Lfunc_end0:
.L_simem_size_0:
called_computation_lowered:
.L_overlay_start_0:
0x88: {  	s2 =	sld [smem:$0x3FD9]  }
0x89: {  	s3 =	sld [smem:$0x3FFE];
	_ =	sdelay $0x1  }
0x8a: {  	s1 =	srdreg.scid  }
0x8b: {  	s0 =	sand.u32 $0x1, s1  }
0x8c: {  	s18 =	sshll.u32 s0, $0xA;
	s2 =	sadd.s32 s3, s2  }
0x8d: {  	s2 =	sadd.s32 s2, s18  }
0x8e: {  	[smem:$0x3FC6] =	sst s2  }
0x8f: {  	_ = 	snop  }
0x90: {  	s2 =	sld [smem:$0x3FC9]  }
0x91: {  	s19 =	sld [smem:$0x3FC8]  }
0x92: {  	s4 =	sld [smem:$0x3FD0];
	(tm) =	ssettm $0x1  }
0x93: {  	s5 =	sld [smem:$0x3FFB];
	_ =	sdelay $0x3  }
0x94: {  	_ =	strace s5  }
0x95: {  	s5 =	sld [smem:$0x3FFC];
	_ =	sdelay $0x3  }
0x96: {  	_ =	strace s5  }
0x97: {  	s5 =	sld [smem:$0x3FFD];
	_ =	sdelay $0x3  }
0x98: {  	_ =	strace s5  }
0x99: {  	_ =	strace $0x8FFFFFFF  }
0x9a: {  	s20 =	sld [smem:$0x3FDB];
	_ =	sdelay $0x1  }
0x9b: {  	s6 =	simm.s32 $_scs_section_size  }
0x9c: {  	s7 =	simm.s32 $_size__tile_overlayer_lowered;
	s8 =	simm.s32 $_tile_overlayer_lowered  }
0x9d: {  	s23 =	simm.s32 $0x1BFF;
	s22 =	sshll.u32 s8, $0x1;
	s5 =	sadd.s32 s6, s20  }
0x9e: {  	s9 =	simm.s32 $0x0;
	s21 =	sshll.u32 s7, $0x1;
	s7 =	sadd.s32 s22, s5  }
0x9f: {  	[timem:s9], [sflag:s23] =	dma.local [hbm:s7], s21  }
0xa0: {  	_ =	swait.ge [sflag:s23], s21  }
0xa1: {  	s6 =	ssub.s32 $0x0, s21;
	[sflag:s23] =	ssyncset.done $0x0  }
0xa2: {  	[sflag:s23] =	ssyncadd.s32 s6;
	_ =	sdelay $0x1  }
0xa3: {  	s24 =	simm.s32 $0x1B8B  }
0xa4: {  	_ =	swait.ge [sflag:s24], $0x1  }
0xa5: {  	[sflag:s24] =	ssyncset.done $0x0  }
0xa6: {  	s25 =	simm.s32 $0x1B8E;
	[sflag:s24] =	ssyncadd.s32 $0xFFFFFFFF  }
0xa7: {  	s26 =	simm.s32 $execute0_lowered;
	[smem:$0x3FD2] =	sst s25  }
0xa8: {  	s6 =	sshll.u32 s26, $0x1;
	_ =	strace $0x80000046;
	[dreg:$0x1] =	wrdreg $0xFFFFFFFF  }
0xa9: {  	s28 =	simm.s32 $_size_execute0_lowered;
	s5 =	sadd.s32 s5, s6;
	[dreg:$0x0] =	wrdreg $0x0  }
0xaa: {  	s6 =	sshll.u32 s28, $0x1;
	[dreg:$0x2] =	wrdreg s5  }
0xab: {  	[dreg:$0x3] =	wrdreg s6  }
0xac: {  	[dreg:$0x4] =	wrdreg $0xC0  }
0xad: {  	_ =	task [dreg:s9], $0x5FFFF  }
0xae: {  	[dreg:$0x1] =	wrdreg $0xFFFFFFFF  }
0xaf: {  	[dreg:$0x0] =	wrdreg $0x60  }
0xb0: {  	[dreg:$0x2] =	wrdreg s19  }
0xb1: {  	[dreg:$0x3] =	wrdreg s2  }
0xb2: {  	[dreg:$0x4] =	wrdreg s4  }
0xb3: {  	[dreg:$0x5] =	wrdreg $0x9  }
0xb4: {  	_ =	task.clear_ibuf [dreg:s9], $0x6FFFF;
	_ =	strace $0x90000046  }
0xb5: {  	s29 =	simm.s32 $0x9;
	_ =	strace $0x80000048  }
0xb6: {  	_ =	swait.ge [sflag:s29], $0x1  }
0xb7: {  	[sflag:s29] =	ssyncadd.s32 $0xFFFFFFFF  }
0xb8: {  	_ =	strace $0x90000048  }
0xb9: {  	_ =	sfence  }
0xba: {  	s30 =	sld [smem:$0x0];
	_ =	sdelay $0x2  }
0xbb: {  	s31 =	sshll.u32 s1, $0xD;
	s1 =	sshrl.u32 s1, $0x2  }
0xbc: {  	s3 =	sand.u32 $0x4000, s31;
	s1 =	sadd.s32 s1, s30  }
0xbd: {  	s0 =	sor.u32 s3, s0;
	s1 =	sshll.u32 s1, $0x11  }
0xbe: {  	s0 =	sor.u32 s1, s0  }
0xbf: {  	s0 =	sadd.s32 $0x8F2B, s0  }
0xc0: {  	[sflag:s0] =	ssyncadd.remote.s32 $0x1  }
0xc1: {  	_ =	sfence.sel $0xFFFF  }
0xc2: {  	[dreg:$0x0] =	wrdreg $0xFFFFFFFF;
	(pc) =	sbr.abs _section_cstart, $3  }
0xc3: {  	[dreg:$0x1] =	wrdreg $0xFFFFFFFF  }
0xc4: {  	_ =	task.clear_ibuf [dreg:s9], $0x2FFFF;
	_ =	strace $0x9FFFFFFF  }
0xc5: {  	(tm) =	ssettm $0x7FFFFFFF  }
tec
execute0_lowered:
.L_overlay_start_1:
0x0: {  	(tag) =	ssettag $0x1  }
0x1: {  	s1 =	rddreg [dreg:$0x0];
	s2 =	srdreg.scid  }
0x2: {  	s4 =	rddreg [dreg:$0x1];
	s0 =	stileid.u32;
	s6 =	sand.u32 $0x1, s2  }
0x3: {  	s10 =	rddreg [dreg:$0x2];
	s5 =	sshll.u32 s0, $0x4;
	s7 =	sshll.u32 s6, $0x3  }
0x4: {  	s3 =	simm.s32 $0x0;
	s2 =	rddreg [dreg:$0x3];
	s11 =	sor.u32 s7, s5  }
0x5: {  	[smem:$0x7FF] =	sst s3;
	s5 =	sshrl.u32 s11, $0x3  }
0x6: {  	_ =	strace $0x80000047;
	s5 =	sadd.s32 s4, s5;
	s4 =	simm.s32 $0x2  }
0x7: {  	[tilespmem:s3], [sflag:$0x2] =	stream.linear.gather [hbm4b:s5+s3], $0x8, $0x38;
	[tilespmem:$0x1080] =	vst v63  }
0x8: {  	_ =	swait.ge [sflag:s4], $0x8  }
0x9: {  	[sflag:s4] =	ssyncset.done $0x0  }
0xa: {  	[sflag:s4] =	ssyncadd.s32 $0xFFFFFFF8  }
0xb: {  	v0 =	vld.msk [tilespmem:$0x0], $0xff;
	_ =	sdelay $0x4  }
0xc: {  	v1 =	vshll.u32 v0, $0x2  }
0xd: {  	v2 =	vlaneseq.u32;
	v3 =	vand.u32 $0x7, v0;
	v1 =	vand.u32 $0xFFFFFFE0, v1  }
0xe: {  	v0 =	vand.u32 $0x7, v2;
	v2 =	vshrl.u32 v2, $0x3;
	v3 =	vor.u32 v3, v1  }
0xf: {  	v1 =	vmul.u32 $0x8, v2;
	v2 =	vperm.xlane v3, v0;
	_ =	sdelay $0x1  }
0x10: {  	v2 =	vadd.s32 v1, v2;
	_ =	sdelay $0x1  }
0x11: {  	s12 =	ssub.s32 $0x2, s6  }
0x12: {  	s13 =	sshrl.u32 s12, $0x1  }
0x13: {  	vm0 =	vmmov $0xffff;
	s8 =	simm.s32 $0x880;
	s6 =	simm.s32 $0x80;
	s12 =	ssub.s32 s12, s13  }
0x14: {  	[tilespmem:s6], [sflag:$0x1] =	stream.indirect_vreg.gather [hbm4b:s1+s3], $0x80, v2, vm0, $0xb8;
	[tilespmem:$0x1080] =	vst v63  }
0x15: {  	s9 =	simm.s32 $0x1;
	s7 =	sadd.s32 $0x100, s1;
	s31 =	smax.u32 s12, $0x1  }
0x16: {  	[tilespmem:s8], [sflag:$0x1] =	stream.indirect_vreg.gather [hbm4b:s7+s3], $0x80, v2, vm0, $0xb8;
	[tilespmem:$0x1080] =	vst v63  }
0x17: {  	p0 =	sne.s32 s31, $0x1;
	_ =	swait.ge [sflag:s9], $0x1000  }
.Ltmp0:
0x18: {  	s11 =	sshll.u32 s11, $0x6;
	[sflag:s9] =	ssyncset.done $0x0;
	(pc) =	sbr.rel @!p0 .LBB2_2-.Ltmp0, $4  }
0x19: {  	s10 =	sadd.s32 s10, s11;
	[sflag:s9] =	ssyncadd.s32 $0xFFFFF000  }
0x1a: {  	[hbm4b:s10+s3] =	stream.linear.scatter [tilespmem:s6], [sflag:$0x2], $0x1000, $0x38;
	[tilespmem:$0x1080] =	vst v63  }
0x1b: {  	_ =	swait.ge [sflag:s4], $0x1000  }
0x1c: {  	s11 =	sadd.s32 $0xFFFFFFFF, s31;
	[sflag:s4] =	ssyncset.done $0x0  }
.LBB2_1:
0x1d: {  	p0 =	sne.s32 s11, $0x1;
	s11 =	sadd.s32 $0xFFFFFFFF, s11;
	[sflag:s4] =	ssyncadd.s32 $0xFFFFF000  }
0x1e: {  	[tilespmem:s3], [sflag:$0x2] =	stream.linear.gather [hbm4b:s5+s3], $0x8, $0x38;
	[tilespmem:$0x1080] =	vst v63  }
0x1f: {  	_ =	swait.ge [sflag:s4], $0x8  }
0x20: {  	[sflag:s4] =	ssyncset.done $0x0  }
0x21: {  	[sflag:s4] =	ssyncadd.s32 $0xFFFFFFF8  }
0x22: {  	v2 =	vld.msk [tilespmem:$0x0], $0xff;
	_ =	sdelay $0x4  }
0x23: {  	v3 =	vshll.u32 v2, $0x2  }
0x24: {  	v2 =	vand.u32 $0x7, v2;
	v3 =	vand.u32 $0xFFFFFFE0, v3  }
0x25: {  	v2 =	vor.u32 v2, v3  }
0x26: {  	v2 =	vperm.xlane v2, v0;
	_ =	sdelay $0x1  }
0x27: {  	v2 =	vadd.s32 v1, v2;
	_ =	sdelay $0x4  }
0x28: {  	[tilespmem:s6], [sflag:$0x1] =	stream.indirect_vreg.gather [hbm4b:s1+s3], $0x80, v2, vm0, $0xb8;
	[tilespmem:$0x1080] =	vst v63  }
0x29: {  	_ = 	snop  }
0x2a: {  	[tilespmem:s8], [sflag:$0x1] =	stream.indirect_vreg.gather [hbm4b:s7+s3], $0x80, v2, vm0, $0xb8;
	[tilespmem:$0x1080] =	vst v63  }
0x2b: {  	_ =	swait.ge [sflag:s9], $0x1000  }
.Ltmp1:
0x2c: {  	[sflag:s9] =	ssyncset.done $0x0;
	(pc) =	sbr.rel @p0 .LBB2_1-.Ltmp1, $4  }
0x2d: {  	[sflag:s9] =	ssyncadd.s32 $0xFFFFF000  }
0x2e: {  	[hbm4b:s10+s3] =	stream.linear.scatter [tilespmem:s6], [sflag:$0x2], $0x1000, $0x38;
	[tilespmem:$0x1080] =	vst v63  }
0x2f: {  	_ =	swait.ge [sflag:s4], $0x1000  }
0x30: {  	[sflag:s4] =	ssyncset.done $0x0  }
.LBB2_2:
0x31: {  	[sflag:s4] =	ssyncadd.s32 $0xFFFFF000  }
0x32: {  	_ =	sfence.sel $0x180000  }
0x33: {  	[bflag:$0x0] =	sbarrier.arrive $0xFFFF  }
0x34: {  	p0 =	sne.s32 s0, $0x0;
	_ =	strace $0x90000047  }
0x35: {  	s0 =	sadd.s32 @!p0 $0x100000, s2;
	[bflag:$0x2] =	sbarrier.arrive $0xFFFF  }
0x36: {  	[sflag:s0] =	ssyncadd.tile.s32 @!p0 $0x1;
	_ =	shalt  }
.Lfunc_end2:
_tile_overlayer_lowered:
.L_overlay_start_2:
0x37: {  	(tag) =	ssettag $0x2  }
0x38: {  	s0 =	rddreg [dreg:$0x0];
	s2 =	stileid.u32  }
0x39: {  	s1 =	rddreg [dreg:$0x1];
	p0 =	sne.s32 s2, $0x0  }
0x3a: {  	s3 =	rddreg [dreg:$0x2];
	[bflag:$0x3] =	sbarrier.arrive $0xFFFF;
	s2 =	simm.s32 @!p0 $0x1C02  }
0x3b: {  	[timem:s3], [sflag:s2] =	dma.local @!p0 [hbm:s0], s1  }
0x3c: {  	s0 =	simm.s32 @!p0 $0x2  }
0x3d: {  	_ =	swait.ge @!p0 [sflag:s0], s1  }
0x3e: {  	s1 =	ssub.s32 @!p0 $0x0, s1;
	[sflag:s0] =	ssyncset.done @!p0 $0x0  }
0x3f: {  	[sflag:s0] =	ssyncadd.s32 @!p0 s1  }
0x40: {  	[bflag:$0x3] =	sbarrier.arrive $0xFFFF  }
0x41: {  	_ =	shalt  }

</sc_bundles>
